<compile_context>
chip_gen: v7x
topology: tpu7x:2x2x1
jax: 0.10.2.dev20260603
libtpu: 0.0.44.dev20260713+nightly
codegen_flags: <defaults>
</compile_context>

<pallas_src>
import functools

import jax
import jax.numpy as jnp
from jax import lax
from jax.experimental import pallas as pl
from jax.experimental.pallas import tpu as pltpu
from jax.experimental.pallas import tpu_sc as plsc

N = 10000
D = 128
E = 320000

NC = 2
NS = 16
NW = NC * NS

EPW = E // NW
EB = 128
SEG = 40
NSEG = 2

N_PAD = 10240
RPT = N_PAD // NS
RBLK = 1280
GRID = N_PAD // RBLK

_mesh = plsc.VectorSubcoreMesh(
    core_axis_name="c", subcore_axis_name="s", num_cores=NC, num_subcores=NS)


@functools.partial(
    pl.kernel,
    out_type=jax.ShapeDtypeStruct((NC, 2, N_PAD), jnp.float32),
    mesh=_mesh,
    scratch_types=[
        pltpu.VMEM((SEG + 2, EB), jnp.int32),
        pltpu.VMEM((SEG, EB), jnp.int32),
        pltpu.VMEM((EB,), jnp.float32),
        pltpu.VMEM_SHARED((N_PAD,), jnp.float32),
        pltpu.VMEM_SHARED((N_PAD,), jnp.float32),
        pltpu.SemaphoreType.DMA,
    ],
)
def _deg_kernel(si, di, z1, deg_out, idx_s, idx_d, ones_v, dsp_s, dsp_d,
                sem_s):
    c = lax.axis_index("c")
    s = lax.axis_index("s")
    wid = c * NS + s

    @pl.when(s == 0)
    def _():
        pltpu.sync_copy(z1, dsp_s)

    @pl.when(s == 1)
    def _():
        pltpu.sync_copy(z1, dsp_d)

    for k in range(EB // 16):
        ones_v[pl.ds(16 * k, 16)] = jnp.full((16,), 1.0, jnp.float32)

    plsc.subcore_barrier()

    def body(j, carry):
        pltpu.async_copy(ones_v, dsp_s.at[idx_s.at[j]], sem_s, add=True)
        pltpu.async_copy(ones_v, dsp_d.at[idx_d.at[j]], sem_s, add=True)
        return carry

    def drain(j, carry):
        pltpu.make_async_copy(ones_v, dsp_s.at[idx_s.at[0]], sem_s).wait()
        pltpu.make_async_copy(ones_v, dsp_d.at[idx_d.at[0]], sem_s).wait()
        return carry

    for seg in range(NSEG):
        pltpu.sync_copy(si.at[wid, seg], idx_s)
        pltpu.sync_copy(di.at[wid, seg], idx_d)
        lax.fori_loop(0, SEG, body, 0)
        lax.fori_loop(0, SEG, drain, 0)
    plsc.subcore_barrier()

    @pl.when(s == 0)
    def _():
        pltpu.sync_copy(dsp_s, deg_out.at[c, 0])

    @pl.when(s == 1)
    def _():
        pltpu.sync_copy(dsp_d, deg_out.at[c, 1])


@functools.partial(
    pl.kernel,
    out_type=jax.ShapeDtypeStruct((NC, N_PAD, D), jnp.float32),
    mesh=_mesh,
    scratch_types=[
        pltpu.VMEM((SEG + 2, EB), jnp.int32),
        pltpu.VMEM((SEG, EB), jnp.int32),
        pltpu.VMEM((EB, D), jnp.float32),
        pltpu.VMEM((EB, D), jnp.float32),
        pltpu.VMEM_SHARED((N_PAD, D), jnp.float32),
        pltpu.SemaphoreType.DMA,
        pltpu.SemaphoreType.DMA,
    ],
)
def _agg_kernel(h, si, di, z2, out, idx_s, idx_d, rows_a, rows_b, acc,
                sem_a, sem_s):
    c = lax.axis_index("c")
    s = lax.axis_index("s")
    wid = c * NS + s
    hc = h.at[c * 4 + s // 4]

    pltpu.sync_copy(z2.at[pl.ds(s * RPT, RPT)], acc.at[pl.ds(s * RPT, RPT)])
    plsc.subcore_barrier()

    def body(t, carry):
        jj = 2 * t

        @pl.when(t > 0)
        def _():
            pltpu.make_async_copy(rows_a, acc.at[idx_d.at[0]], sem_s).wait()

        pltpu.async_copy(hc.at[idx_s.at[jj]], rows_a, sem_a).wait()
        pltpu.async_copy(rows_a, acc.at[idx_d.at[jj]], sem_s, add=True)

        @pl.when(t > 0)
        def _():
            pltpu.make_async_copy(rows_b, acc.at[idx_d.at[0]], sem_s).wait()

        pltpu.async_copy(hc.at[idx_s.at[jj + 1]], rows_b, sem_a).wait()
        pltpu.async_copy(rows_b, acc.at[idx_d.at[jj + 1]], sem_s, add=True)
        return carry

    for seg in range(NSEG):
        pltpu.sync_copy(si.at[wid, seg], idx_s)
        pltpu.sync_copy(di.at[wid, seg], idx_d)
        lax.fori_loop(0, SEG // 2, body, 0)
        pltpu.make_async_copy(rows_a, acc.at[idx_d.at[0]], sem_s).wait()
        pltpu.make_async_copy(rows_b, acc.at[idx_d.at[0]], sem_s).wait()

    plsc.subcore_barrier()
    pltpu.sync_copy(acc.at[pl.ds(s * RPT, RPT)], out.at[c, pl.ds(s * RPT, RPT)])


def _mm1_body(x_ref, w_ref, d_ref, o_ref):
    deg_s = d_ref[0, 0] + d_ref[1, 0]
    ns = lax.rsqrt(jnp.maximum(deg_s, 1.0))
    r = jnp.dot(
        x_ref[...], w_ref[...], preferred_element_type=jnp.float32
    ) * ns[:, None]
    for k in range(8):
        o_ref[k] = r


def _mm2_body(p_ref, d_ref, b_ref, w_ref, o_ref):
    agg = p_ref[0] + p_ref[1]
    nd = lax.rsqrt(jnp.maximum(d_ref[0, 1] + d_ref[1, 1], 1.0))
    ns = lax.rsqrt(jnp.maximum(d_ref[0, 0] + d_ref[1, 0], 1.0))
    h = jnp.maximum(agg * nd[:, None] + b_ref[0][None, :], 0.0)
    r = jnp.dot(
        h, w_ref[...], preferred_element_type=jnp.float32
    ) * ns[:, None]
    for k in range(8):
        o_ref[k] = r


def _fin_body(p_ref, d_ref, b_ref, o_ref):
    agg = p_ref[0] + p_ref[1]
    nd = lax.rsqrt(jnp.maximum(d_ref[0, 1] + d_ref[1, 1], 1.0))
    o_ref[...] = agg * nd[:, None] + b_ref[0][None, :]


def _mm1(x_p, W1, degs):
    return pl.pallas_call(
        _mm1_body,
        grid=(GRID,),
        in_specs=[
            pl.BlockSpec((RBLK, D), lambda i: (i, 0)),
            pl.BlockSpec((D, D), lambda i: (0, 0)),
            pl.BlockSpec((NC, 2, RBLK), lambda i: (0, 0, i)),
        ],
        out_specs=pl.BlockSpec((8, RBLK, D), lambda i: (0, i, 0)),
        out_shape=jax.ShapeDtypeStruct((8, N_PAD, D), jnp.float32),
    )(x_p, W1, degs)


def _mm2(p, degs, b1, W2):
    return pl.pallas_call(
        _mm2_body,
        grid=(GRID,),
        in_specs=[
            pl.BlockSpec((NC, RBLK, D), lambda i: (0, i, 0)),
            pl.BlockSpec((NC, 2, RBLK), lambda i: (0, 0, i)),
            pl.BlockSpec((1, D), lambda i: (0, 0)),
            pl.BlockSpec((D, D), lambda i: (0, 0)),
        ],
        out_specs=pl.BlockSpec((8, RBLK, D), lambda i: (0, i, 0)),
        out_shape=jax.ShapeDtypeStruct((8, N_PAD, D), jnp.float32),
    )(p, degs, b1, W2)


def _fin(p, degs, b2):
    return pl.pallas_call(
        _fin_body,
        grid=(GRID,),
        in_specs=[
            pl.BlockSpec((NC, RBLK, D), lambda i: (0, i, 0)),
            pl.BlockSpec((NC, 2, RBLK), lambda i: (0, 0, i)),
            pl.BlockSpec((1, D), lambda i: (0, 0)),
        ],
        out_specs=pl.BlockSpec((RBLK, D), lambda i: (i, 0)),
        out_shape=jax.ShapeDtypeStruct((N_PAD, D), jnp.float32),
    )(p, degs, b2)


def kernel(x, edge_index, W1, b1, W2, b2):
    e2 = edge_index.reshape(2, NW, EPW)
    epad = jnp.full((NW, NSEG * SEG * EB - EPW), N, jnp.int32)
    si = jnp.concatenate(
        [jnp.concatenate([e2[0], epad], axis=1).reshape(NW, NSEG, SEG, EB),
         jnp.zeros((NW, NSEG, 2, EB), jnp.int32)], axis=2)
    di = jnp.concatenate([e2[1], epad], axis=1).reshape(NW, NSEG, SEG, EB)

    x_p = jnp.concatenate(
        [x, jnp.zeros((N_PAD - N, D), jnp.float32)], axis=0)
    z1 = jnp.zeros((N_PAD,), jnp.float32)
    z2 = jnp.zeros((N_PAD, D), jnp.float32)
    b1r = b1.reshape(1, D)
    b2r = b2.reshape(1, D)

    degs = _deg_kernel(si, di, z1)
    h1 = _mm1(x_p, W1, degs)
    p1 = _agg_kernel(h1, si, di, z2)
    h2 = _mm2(p1, degs, b1r, W2)
    p2 = _agg_kernel(h2, si, di, z2)
    out = _fin(p2, degs, b2r)
    return out[:N]

# --- scband reference (transcript-rebuilt; emitter-appended) ---
"""Pipeline reference for scband-gcn-21294447854202 (READ-ONLY COPY).

The authoritative reference and input builder live on the scoring server;
editing this copy changes nothing except your own understanding.
"""

import jax, jax.numpy as jnp
import numpy as np

N_NODES = 10000
N_EDGES = 320000
D_IN = 128
D_HID = 128
D_OUT = 128


def setup_inputs(seed: int = 0) -> dict:
    key = jax.random.key(seed)
    ks = jax.random.split(key, 6)
    x = jax.random.normal(ks[0], (N_NODES, D_IN), dtype=jnp.float32)
    edge_index = jax.random.randint(ks[1], (2, N_EDGES), 0, N_NODES, dtype=jnp.int32)
    W1 = jax.random.normal(ks[2], (D_IN, D_HID), dtype=jnp.float32) * (1.0 / np.sqrt(D_IN))
    b1 = jnp.zeros((D_HID,), dtype=jnp.float32)
    W2 = jax.random.normal(ks[3], (D_HID, D_OUT), dtype=jnp.float32) * (1.0 / np.sqrt(D_HID))
    b2 = jnp.zeros((D_OUT,), dtype=jnp.float32)
    return {"x": x, "edge_index": edge_index, "W1": W1, "b1": b1, "W2": W2, "b2": b2}


def _graph_conv(h, src, dst, norm_src, norm_dst, W, b):
    # DGL GraphConv, norm='both': D^{-1/2} A D^{-1/2} H W + b
    h = h * norm_src[:, None]
    h = h @ W
    msg = jnp.take(h, src, axis=0)
    agg = jax.ops.segment_sum(msg, dst, num_segments=h.shape[0])
    return agg * norm_dst[:, None] + b


def reference(x, edge_index, W1, b1, W2, b2):
    N = x.shape[0]
    src = edge_index[0]
    dst = edge_index[1]
    deg_out = jnp.bincount(src, length=N).astype(jnp.float32)
    deg_in = jnp.bincount(dst, length=N).astype(jnp.float32)
    norm_src = jnp.maximum(deg_out, 1.0) ** -0.5
    norm_dst = jnp.maximum(deg_in, 1.0) ** -0.5
    h = _graph_conv(x, src, dst, norm_src, norm_dst, W1, b1)
    h = jax.nn.relu(h)
    h = _graph_conv(h, src, dst, norm_src, norm_dst, W2, b2)
    return h

if __name__ == "__main__":
    import jax
    _d = setup_inputs()
    print(jax.jit(kernel)(*tuple(_d.values())))

</pallas_src>

<mosaic_0001>
#map = affine_map<(d0, d1) -> (0, 0, 0, 0)>
#map1 = affine_map<(d0, d1) -> (0)>
#map2 = affine_map<(d0, d1) -> (0, 0, 0)>
module attributes {stable_mosaic.version = 14 : i64} {
  func.func @_deg_kernel(%arg0: i32, %arg1: i32, %arg2: memref<32x2x42x128xi32, #tpu.memory_space<hbm>>, %arg3: memref<32x2x40x128xi32, #tpu.memory_space<hbm>>, %arg4: memref<10240xf32, #tpu.memory_space<hbm>>, %arg5: memref<2x2x10240xf32, #tpu.memory_space<hbm>>, %arg6: memref<42x128xi32, #tpu.memory_space<vmem>>, %arg7: memref<40x128xi32, #tpu.memory_space<vmem>>, %arg8: memref<128xf32, #tpu.memory_space<vmem>>, %arg9: memref<10240xf32, #tpu.memory_space<vmem_shared>>, %arg10: memref<10240xf32, #tpu.memory_space<vmem_shared>>, %arg11: memref<!tpu.dma_semaphore, #tpu.memory_space<semaphore_mem>>) attributes {dimension_semantics = [#tpu.dimension_semantics<core_parallel>, #tpu.dimension_semantics<subcore_parallel>], iteration_bounds = array<i64: 2, 16>, scalar_prefetch = 0 : i64, scratch_operands = 6 : i64, tpu.core_type = #tpu.core_type<sc_vector_subcore>, window_params = [{transform_indices = #map}, {transform_indices = #map}, {transform_indices = #map1}, {transform_indices = #map2}]} {
    %mul3A = arith.constant 16 : i32
    %mul3A_0 = arith.muli %arg0, %mul3A : i32
    %add3A = arith.addi %mul3A_0, %arg1 : i32
    %eq3A = arith.constant 0 : i32
    %eq3A_1 = arith.cmpi eq, %arg1, %eq3A : i32
    %convert_element_type3A = arith.extui %eq3A_1 : i1 to i32
    %cond3A = arith.constant 0 : i32
    %cond3A_2 = arith.cmpi ne, %convert_element_type3A, %cond3A : i32
    scf.if %cond3A_2 {
      "tpu.region"() ({
        %run_scoped3A_91 = tpu.sem_alloc : memref<!tpu.dma_semaphore, #tpu.memory_space<semaphore_mem>>
        tpu.enqueue_dma source(%arg4 : memref<10240xf32, #tpu.memory_space<hbm>>) target(%arg9 : memref<10240xf32, #tpu.memory_space<vmem_shared>>) target_semaphore(%run_scoped3A_91 : memref<!tpu.dma_semaphore, #tpu.memory_space<semaphore_mem>>)
        tpu.wait_dma2 semaphore(%run_scoped3A_91 : memref<!tpu.dma_semaphore, #tpu.memory_space<semaphore_mem>>) src(%arg4 : memref<10240xf32, #tpu.memory_space<hbm>>) dst(%arg9 : memref<10240xf32, #tpu.memory_space<vmem_shared>>)
        tpu.yield
      }) : () -> ()
    } else {
    }
    %eq3A_3 = arith.constant 1 : i32
    %eq3A_4 = arith.cmpi eq, %arg1, %eq3A_3 : i32
    %convert_element_type3A_5 = arith.extui %eq3A_4 : i1 to i32
    %cond3A_6 = arith.constant 0 : i32
    %cond3A_7 = arith.cmpi ne, %convert_element_type3A_5, %cond3A_6 : i32
    scf.if %cond3A_7 {
      "tpu.region"() ({
        %run_scoped3A_91 = tpu.sem_alloc : memref<!tpu.dma_semaphore, #tpu.memory_space<semaphore_mem>>
        tpu.enqueue_dma source(%arg4 : memref<10240xf32, #tpu.memory_space<hbm>>) target(%arg10 : memref<10240xf32, #tpu.memory_space<vmem_shared>>) target_semaphore(%run_scoped3A_91 : memref<!tpu.dma_semaphore, #tpu.memory_space<semaphore_mem>>)
        tpu.wait_dma2 semaphore(%run_scoped3A_91 : memref<!tpu.dma_semaphore, #tpu.memory_space<semaphore_mem>>) src(%arg4 : memref<10240xf32, #tpu.memory_space<hbm>>) dst(%arg10 : memref<10240xf32, #tpu.memory_space<vmem_shared>>)
        tpu.yield
      }) : () -> ()
    } else {
    }
    %broadcast_in_dim3A = arith.constant 1.000000e+00 : f32
    %broadcast_in_dim3A_8 = vector.broadcast %broadcast_in_dim3A : f32 to vector<16xf32>
    %swap3A = arith.constant 0 : index
    %swap3A_9 = tpu.vector_load %arg8[%swap3A] {strides = array<i32>} : memref<128xf32, #tpu.memory_space<vmem>>, vector<16xf32>,
    %swap3A_10 = vector.shape_cast %swap3A_9 : vector<16xf32> to vector<16xf32>
    %swap3A_11 = vector.shape_cast %broadcast_in_dim3A_8 : vector<16xf32> to vector<16xf32>
    tpu.vector_store %arg8[%swap3A], %swap3A_11 {strides = array<i32>} : memref<128xf32, #tpu.memory_space<vmem>>, vector<16xf32>,
    %broadcast_in_dim3A_12 = arith.constant 1.000000e+00 : f32
    %broadcast_in_dim3A_13 = vector.broadcast %broadcast_in_dim3A_12 : f32 to vector<16xf32>
    %swap3A_14 = arith.constant 16 : index
    %swap3A_15 = tpu.vector_load %arg8[%swap3A_14] {strides = array<i32>} : memref<128xf32, #tpu.memory_space<vmem>>, vector<16xf32>,
    %swap3A_16 = vector.shape_cast %swap3A_15 : vector<16xf32> to vector<16xf32>
    %swap3A_17 = vector.shape_cast %broadcast_in_dim3A_13 : vector<16xf32> to vector<16xf32>
    tpu.vector_store %arg8[%swap3A_14], %swap3A_17 {strides = array<i32>} : memref<128xf32, #tpu.memory_space<vmem>>, vector<16xf32>,
    %broadcast_in_dim3A_18 = arith.constant 1.000000e+00 : f32
    %broadcast_in_dim3A_19 = vector.broadcast %broadcast_in_dim3A_18 : f32 to vector<16xf32>
    %swap3A_20 = arith.constant 32 : index
    %swap3A_21 = tpu.vector_load %arg8[%swap3A_20] {strides = array<i32>} : memref<128xf32, #tpu.memory_space<vmem>>, vector<16xf32>,
    %swap3A_22 = vector.shape_cast %swap3A_21 : vector<16xf32> to vector<16xf32>
    %swap3A_23 = vector.shape_cast %broadcast_in_dim3A_19 : vector<16xf32> to vector<16xf32>
    tpu.vector_store %arg8[%swap3A_20], %swap3A_23 {strides = array<i32>} : memref<128xf32, #tpu.memory_space<vmem>>, vector<16xf32>,
    %broadcast_in_dim3A_24 = arith.constant 1.000000e+00 : f32
    %broadcast_in_dim3A_25 = vector.broadcast %broadcast_in_dim3A_24 : f32 to vector<16xf32>
    %swap3A_26 = arith.constant 48 : index
    %swap3A_27 = tpu.vector_load %arg8[%swap3A_26] {strides = array<i32>} : memref<128xf32, #tpu.memory_space<vmem>>, vector<16xf32>,
    %swap3A_28 = vector.shape_cast %swap3A_27 : vector<16xf32> to vector<16xf32>
    %swap3A_29 = vector.shape_cast %broadcast_in_dim3A_25 : vector<16xf32> to vector<16xf32>
    tpu.vector_store %arg8[%swap3A_26], %swap3A_29 {strides = array<i32>} : memref<128xf32, #tpu.memory_space<vmem>>, vector<16xf32>,
    %broadcast_in_dim3A_30 = arith.constant 1.000000e+00 : f32
    %broadcast_in_dim3A_31 = vector.broadcast %broadcast_in_dim3A_30 : f32 to vector<16xf32>
    %swap3A_32 = arith.constant 64 : index
    %swap3A_33 = tpu.vector_load %arg8[%swap3A_32] {strides = array<i32>} : memref<128xf32, #tpu.memory_space<vmem>>, vector<16xf32>,
    %swap3A_34 = vector.shape_cast %swap3A_33 : vector<16xf32> to vector<16xf32>
    %swap3A_35 = vector.shape_cast %broadcast_in_dim3A_31 : vector<16xf32> to vector<16xf32>
    tpu.vector_store %arg8[%swap3A_32], %swap3A_35 {strides = array<i32>} : memref<128xf32, #tpu.memory_space<vmem>>, vector<16xf32>,
    %broadcast_in_dim3A_36 = arith.constant 1.000000e+00 : f32
    %broadcast_in_dim3A_37 = vector.broadcast %broadcast_in_dim3A_36 : f32 to vector<16xf32>
    %swap3A_38 = arith.constant 80 : index
    %swap3A_39 = tpu.vector_load %arg8[%swap3A_38] {strides = array<i32>} : memref<128xf32, #tpu.memory_space<vmem>>, vector<16xf32>,
    %swap3A_40 = vector.shape_cast %swap3A_39 : vector<16xf32> to vector<16xf32>
    %swap3A_41 = vector.shape_cast %broadcast_in_dim3A_37 : vector<16xf32> to vector<16xf32>
    tpu.vector_store %arg8[%swap3A_38], %swap3A_41 {strides = array<i32>} : memref<128xf32, #tpu.memory_space<vmem>>, vector<16xf32>,
    %broadcast_in_dim3A_42 = arith.constant 1.000000e+00 : f32
    %broadcast_in_dim3A_43 = vector.broadcast %broadcast_in_dim3A_42 : f32 to vector<16xf32>
    %swap3A_44 = arith.constant 96 : index
    %swap3A_45 = tpu.vector_load %arg8[%swap3A_44] {strides = array<i32>} : memref<128xf32, #tpu.memory_space<vmem>>, vector<16xf32>,
    %swap3A_46 = vector.shape_cast %swap3A_45 : vector<16xf32> to vector<16xf32>
    %swap3A_47 = vector.shape_cast %broadcast_in_dim3A_43 : vector<16xf32> to vector<16xf32>
    tpu.vector_store %arg8[%swap3A_44], %swap3A_47 {strides = array<i32>} : memref<128xf32, #tpu.memory_space<vmem>>, vector<16xf32>,
    %broadcast_in_dim3A_48 = arith.constant 1.000000e+00 : f32
    %broadcast_in_dim3A_49 = vector.broadcast %broadcast_in_dim3A_48 : f32 to vector<16xf32>
    %swap3A_50 = arith.constant 112 : index
    %swap3A_51 = tpu.vector_load %arg8[%swap3A_50] {strides = array<i32>} : memref<128xf32, #tpu.memory_space<vmem>>, vector<16xf32>,
    %swap3A_52 = vector.shape_cast %swap3A_51 : vector<16xf32> to vector<16xf32>
    %swap3A_53 = vector.shape_cast %broadcast_in_dim3A_49 : vector<16xf32> to vector<16xf32>
    tpu.vector_store %arg8[%swap3A_50], %swap3A_53 {strides = array<i32>} : memref<128xf32, #tpu.memory_space<vmem>>, vector<16xf32>,
    %barrier3A = arith.constant 0 : index
    tpu.barrier barrier_id(%barrier3A)
    %run_scoped3A = arith.constant 0 : i32
    "tpu.region"() ({
      %run_scoped3A_91 = tpu.sem_alloc : memref<!tpu.dma_semaphore, #tpu.memory_space<semaphore_mem>>
      %dma_start3A = arith.constant 0 : i32
      %dma_start3A_92 = arith.constant 0 : i32
      %dma_start3A_93 = tpu.memref_slice %arg2[%add3A, %run_scoped3A, %dma_start3A, %dma_start3A_92] : memref<32x2x42x128xi32, #tpu.memory_space<hbm>> -> memref<1x1x42x128xi32, #tpu.memory_space<hbm>>
      %dma_start3A_94 = tpu.memref_squeeze %dma_start3A_93 : memref<1x1x42x128xi32, #tpu.memory_space<hbm>> -> memref<42x128xi32, #tpu.memory_space<hbm>>
      %dma_start3A_95 = arith.constant 0 : i32
      %dma_start3A_96 = arith.constant 0 : i32
      %dma_start3A_97 = tpu.memref_slice %arg2[%add3A, %run_scoped3A, %dma_start3A_95, %dma_start3A_96] : memref<32x2x42x128xi32, #tpu.memory_space<hbm>> -> memref<1x1x42x128xi32, #tpu.memory_space<hbm>>
      %dma_start3A_98 = tpu.memref_squeeze %dma_start3A_97 : memref<1x1x42x128xi32, #tpu.memory_space<hbm>> -> memref<42x128xi32, #tpu.memory_space<hbm>>
      tpu.enqueue_dma source(%dma_start3A_98 : memref<42x128xi32, #tpu.memory_space<hbm>>) target(%arg6 : memref<42x128xi32, #tpu.memory_space<vmem>>) target_semaphore(%run_scoped3A_91 : memref<!tpu.dma_semaphore, #tpu.memory_space<semaphore_mem>>)
      %dma_wait3A = arith.constant 0 : i32
      %dma_wait3A_99 = arith.constant 0 : i32
      %dma_wait3A_100 = tpu.memref_slice %arg2[%add3A, %run_scoped3A, %dma_wait3A, %dma_wait3A_99] : memref<32x2x42x128xi32, #tpu.memory_space<hbm>> -> memref<1x1x42x128xi32, #tpu.memory_space<hbm>>
      %dma_wait3A_101 = tpu.memref_squeeze %dma_wait3A_100 : memref<1x1x42x128xi32, #tpu.memory_space<hbm>> -> memref<42x128xi32, #tpu.memory_space<hbm>>
      %dma_wait3A_102 = arith.constant 0 : i32
      %dma_wait3A_103 = arith.constant 0 : i32
      %dma_wait3A_104 = tpu.memref_slice %arg2[%add3A, %run_scoped3A, %dma_wait3A_102, %dma_wait3A_103] : memref<32x2x42x128xi32, #tpu.memory_space<hbm>> -> memref<1x1x42x128xi32, #tpu.memory_space<hbm>>
      %dma_wait3A_105 = tpu.memref_squeeze %dma_wait3A_104 : memref<1x1x42x128xi32, #tpu.memory_space<hbm>> -> memref<42x128xi32, #tpu.memory_space<hbm>>
      tpu.wait_dma2 semaphore(%run_scoped3A_91 : memref<!tpu.dma_semaphore, #tpu.memory_space<semaphore_mem>>) src(%dma_wait3A_105 : memref<42x128xi32, #tpu.memory_space<hbm>>) dst(%arg6 : memref<42x128xi32, #tpu.memory_space<vmem>>)
      tpu.yield
    }) : () -> ()
    %run_scoped3A_54 = arith.constant 0 : i32
    "tpu.region"() ({
      %run_scoped3A_91 = tpu.sem_alloc : memref<!tpu.dma_semaphore, #tpu.memory_space<semaphore_mem>>
      %dma_start3A = arith.constant 0 : i32
      %dma_start3A_92 = arith.constant 0 : i32
      %dma_start3A_93 = tpu.memref_slice %arg3[%add3A, %run_scoped3A_54, %dma_start3A, %dma_start3A_92] : memref<32x2x40x128xi32, #tpu.memory_space<hbm>> -> memref<1x1x40x128xi32, #tpu.memory_space<hbm>>
      %dma_start3A_94 = tpu.memref_squeeze %dma_start3A_93 : memref<1x1x40x128xi32, #tpu.memory_space<hbm>> -> memref<40x128xi32, #tpu.memory_space<hbm>>
      %dma_start3A_95 = arith.constant 0 : i32
      %dma_start3A_96 = arith.constant 0 : i32
      %dma_start3A_97 = tpu.memref_slice %arg3[%add3A, %run_scoped3A_54, %dma_start3A_95, %dma_start3A_96] : memref<32x2x40x128xi32, #tpu.memory_space<hbm>> -> memref<1x1x40x128xi32, #tpu.memory_space<hbm>>
      %dma_start3A_98 = tpu.memref_squeeze %dma_start3A_97 : memref<1x1x40x128xi32, #tpu.memory_space<hbm>> -> memref<40x128xi32, #tpu.memory_space<hbm>>
      tpu.enqueue_dma source(%dma_start3A_98 : memref<40x128xi32, #tpu.memory_space<hbm>>) target(%arg7 : memref<40x128xi32, #tpu.memory_space<vmem>>) target_semaphore(%run_scoped3A_91 : memref<!tpu.dma_semaphore, #tpu.memory_space<semaphore_mem>>)
      %dma_wait3A = arith.constant 0 : i32
      %dma_wait3A_99 = arith.constant 0 : i32
      %dma_wait3A_100 = tpu.memref_slice %arg3[%add3A, %run_scoped3A_54, %dma_wait3A, %dma_wait3A_99] : memref<32x2x40x128xi32, #tpu.memory_space<hbm>> -> memref<1x1x40x128xi32, #tpu.memory_space<hbm>>
      %dma_wait3A_101 = tpu.memref_squeeze %dma_wait3A_100 : memref<1x1x40x128xi32, #tpu.memory_space<hbm>> -> memref<40x128xi32, #tpu.memory_space<hbm>>
      %dma_wait3A_102 = arith.constant 0 : i32
      %dma_wait3A_103 = arith.constant 0 : i32
      %dma_wait3A_104 = tpu.memref_slice %arg3[%add3A, %run_scoped3A_54, %dma_wait3A_102, %dma_wait3A_103] : memref<32x2x40x128xi32, #tpu.memory_space<hbm>> -> memref<1x1x40x128xi32, #tpu.memory_space<hbm>>
      %dma_wait3A_105 = tpu.memref_squeeze %dma_wait3A_104 : memref<1x1x40x128xi32, #tpu.memory_space<hbm>> -> memref<40x128xi32, #tpu.memory_space<hbm>>
      tpu.wait_dma2 semaphore(%run_scoped3A_91 : memref<!tpu.dma_semaphore, #tpu.memory_space<semaphore_mem>>) src(%dma_wait3A_105 : memref<40x128xi32, #tpu.memory_space<hbm>>) dst(%arg7 : memref<40x128xi32, #tpu.memory_space<vmem>>)
      tpu.yield
    }) : () -> ()
    %scan3A = arith.constant 0 : i32
    %scan3A_55 = arith.constant 0 : i32
    %scan3A_56 = arith.constant 40 : i32
    %scan3A_57 = arith.addi %scan3A_55, %scan3A_56 : i32
    %scan3A_58 = arith.constant 1 : i32
    scf.for %scan3A_91 = %scan3A_55 to %scan3A_57 step %scan3A_58  : i32 {
      %dma_start3A = arith.constant 0 : i32
      %dma_start3A_92 = tpu.memref_slice %arg6[%scan3A_91, %dma_start3A] : memref<42x128xi32, #tpu.memory_space<vmem>> -> memref<1x128xi32, #tpu.memory_space<vmem>>
      %dma_start3A_93 = tpu.memref_squeeze %dma_start3A_92 : memref<1x128xi32, #tpu.memory_space<vmem>> -> memref<128xi32, #tpu.memory_space<vmem>>
      %dma_start3A_94 = arith.constant 0 : i32
      %dma_start3A_95 = tpu.memref_slice %arg9[%dma_start3A_94] : memref<10240xf32, #tpu.memory_space<vmem_shared>> -> memref<10240xf32, #tpu.memory_space<vmem_shared>>
      tpu.enqueue_indirect_dma source(%arg8 : memref<128xf32, #tpu.memory_space<vmem>>) target(%dma_start3A_95 : memref<10240xf32, #tpu.memory_space<vmem_shared>>) offsets(%dma_start3A_93 : memref<128xi32, #tpu.memory_space<vmem>>) semaphore(%arg11 : memref<!tpu.dma_semaphore, #tpu.memory_space<semaphore_mem>>) {add = true}
      %dma_start3A_96 = arith.constant 0 : i32
      %dma_start3A_97 = tpu.memref_slice %arg7[%scan3A_91, %dma_start3A_96] : memref<40x128xi32, #tpu.memory_space<vmem>> -> memref<1x128xi32, #tpu.memory_space<vmem>>
      %dma_start3A_98 = tpu.memref_squeeze %dma_start3A_97 : memref<1x128xi32, #tpu.memory_space<vmem>> -> memref<128xi32, #tpu.memory_space<vmem>>
      %dma_start3A_99 = arith.constant 0 : i32
      %dma_start3A_100 = tpu.memref_slice %arg10[%dma_start3A_99] : memref<10240xf32, #tpu.memory_space<vmem_shared>> -> memref<10240xf32, #tpu.memory_space<vmem_shared>>
      tpu.enqueue_indirect_dma source(%arg8 : memref<128xf32, #tpu.memory_space<vmem>>) target(%dma_start3A_100 : memref<10240xf32, #tpu.memory_space<vmem_shared>>) offsets(%dma_start3A_98 : memref<128xi32, #tpu.memory_space<vmem>>) semaphore(%arg11 : memref<!tpu.dma_semaphore, #tpu.memory_space<semaphore_mem>>) {add = true}
    }
    %scan3A_59 = arith.constant 40 : i32
    %scan3A_60 = arith.constant 0 : i32
    %scan3A_61 = arith.constant 0 : i32
    %scan3A_62 = arith.constant 40 : i32
    %scan3A_63 = arith.addi %scan3A_61, %scan3A_62 : i32
    %scan3A_64 = arith.constant 1 : i32
    scf.for %scan3A_91 = %scan3A_61 to %scan3A_63 step %scan3A_64  : i32 {
      %dma_wait3A = arith.constant 0 : i32
      %dma_wait3A_92 = arith.constant 0 : i32
      %dma_wait3A_93 = tpu.memref_slice %arg6[%dma_wait3A, %dma_wait3A_92] : memref<42x128xi32, #tpu.memory_space<vmem>> -> memref<1x128xi32, #tpu.memory_space<vmem>>
      %dma_wait3A_94 = tpu.memref_squeeze %dma_wait3A_93 : memref<1x128xi32, #tpu.memory_space<vmem>> -> memref<128xi32, #tpu.memory_space<vmem>>
      %dma_wait3A_95 = arith.constant 0 : i32
      %dma_wait3A_96 = tpu.memref_slice %arg9[%dma_wait3A_95] : memref<10240xf32, #tpu.memory_space<vmem_shared>> -> memref<10240xf32, #tpu.memory_space<vmem_shared>>
      tpu.wait_indirect_dma semaphore(%arg11 : memref<!tpu.dma_semaphore, #tpu.memory_space<semaphore_mem>>) src(%arg8 : memref<128xf32, #tpu.memory_space<vmem>>) dst(%dma_wait3A_96 : memref<10240xf32, #tpu.memory_space<vmem_shared>>)
      %dma_wait3A_97 = arith.constant 0 : i32
      %dma_wait3A_98 = arith.constant 0 : i32
      %dma_wait3A_99 = tpu.memref_slice %arg7[%dma_wait3A_97, %dma_wait3A_98] : memref<40x128xi32, #tpu.memory_space<vmem>> -> memref<1x128xi32, #tpu.memory_space<vmem>>
      %dma_wait3A_100 = tpu.memref_squeeze %dma_wait3A_99 : memref<1x128xi32, #tpu.memory_space<vmem>> -> memref<128xi32, #tpu.memory_space<vmem>>
      %dma_wait3A_101 = arith.constant 0 : i32
      %dma_wait3A_102 = tpu.memref_slice %arg10[%dma_wait3A_101] : memref<10240xf32, #tpu.memory_space<vmem_shared>> -> memref<10240xf32, #tpu.memory_space<vmem_shared>>
      tpu.wait_indirect_dma semaphore(%arg11 : memref<!tpu.dma_semaphore, #tpu.memory_space<semaphore_mem>>) src(%arg8 : memref<128xf32, #tpu.memory_space<vmem>>) dst(%dma_wait3A_102 : memref<10240xf32, #tpu.memory_space<vmem_shared>>)
    }
    %scan3A_65 = arith.constant 40 : i32
    %run_scoped3A_66 = arith.constant 1 : i32
    "tpu.region"() ({
      %run_scoped3A_91 = tpu.sem_alloc : memref<!tpu.dma_semaphore, #tpu.memory_space<semaphore_mem>>
      %dma_start3A = arith.constant 0 : i32
      %dma_start3A_92 = arith.constant 0 : i32
      %dma_start3A_93 = tpu.memref_slice %arg2[%add3A, %run_scoped3A_66, %dma_start3A, %dma_start3A_92] : memref<32x2x42x128xi32, #tpu.memory_space<hbm>> -> memref<1x1x42x128xi32, #tpu.memory_space<hbm>>
      %dma_start3A_94 = tpu.memref_squeeze %dma_start3A_93 : memref<1x1x42x128xi32, #tpu.memory_space<hbm>> -> memref<42x128xi32, #tpu.memory_space<hbm>>
      %dma_start3A_95 = arith.constant 0 : i32
      %dma_start3A_96 = arith.constant 0 : i32
      %dma_start3A_97 = tpu.memref_slice %arg2[%add3A, %run_scoped3A_66, %dma_start3A_95, %dma_start3A_96] : memref<32x2x42x128xi32, #tpu.memory_space<hbm>> -> memref<1x1x42x128xi32, #tpu.memory_space<hbm>>
      %dma_start3A_98 = tpu.memref_squeeze %dma_start3A_97 : memref<1x1x42x128xi32, #tpu.memory_space<hbm>> -> memref<42x128xi32, #tpu.memory_space<hbm>>
      tpu.enqueue_dma source(%dma_start3A_98 : memref<42x128xi32, #tpu.memory_space<hbm>>) target(%arg6 : memref<42x128xi32, #tpu.memory_space<vmem>>) target_semaphore(%run_scoped3A_91 : memref<!tpu.dma_semaphore, #tpu.memory_space<semaphore_mem>>)
      %dma_wait3A = arith.constant 0 : i32
      %dma_wait3A_99 = arith.constant 0 : i32
      %dma_wait3A_100 = tpu.memref_slice %arg2[%add3A, %run_scoped3A_66, %dma_wait3A, %dma_wait3A_99] : memref<32x2x42x128xi32, #tpu.memory_space<hbm>> -> memref<1x1x42x128xi32, #tpu.memory_space<hbm>>
      %dma_wait3A_101 = tpu.memref_squeeze %dma_wait3A_100 : memref<1x1x42x128xi32, #tpu.memory_space<hbm>> -> memref<42x128xi32, #tpu.memory_space<hbm>>
      %dma_wait3A_102 = arith.constant 0 : i32
      %dma_wait3A_103 = arith.constant 0 : i32
      %dma_wait3A_104 = tpu.memref_slice %arg2[%add3A, %run_scoped3A_66, %dma_wait3A_102, %dma_wait3A_103] : memref<32x2x42x128xi32, #tpu.memory_space<hbm>> -> memref<1x1x42x128xi32, #tpu.memory_space<hbm>>
      %dma_wait3A_105 = tpu.memref_squeeze %dma_wait3A_104 : memref<1x1x42x128xi32, #tpu.memory_space<hbm>> -> memref<42x128xi32, #tpu.memory_space<hbm>>
      tpu.wait_dma2 semaphore(%run_scoped3A_91 : memref<!tpu.dma_semaphore, #tpu.memory_space<semaphore_mem>>) src(%dma_wait3A_105 : memref<42x128xi32, #tpu.memory_space<hbm>>) dst(%arg6 : memref<42x128xi32, #tpu.memory_space<vmem>>)
      tpu.yield
    }) : () -> ()
    %run_scoped3A_67 = arith.constant 1 : i32
    "tpu.region"() ({
      %run_scoped3A_91 = tpu.sem_alloc : memref<!tpu.dma_semaphore, #tpu.memory_space<semaphore_mem>>
      %dma_start3A = arith.constant 0 : i32
      %dma_start3A_92 = arith.constant 0 : i32
      %dma_start3A_93 = tpu.memref_slice %arg3[%add3A, %run_scoped3A_67, %dma_start3A, %dma_start3A_92] : memref<32x2x40x128xi32, #tpu.memory_space<hbm>> -> memref<1x1x40x128xi32, #tpu.memory_space<hbm>>
      %dma_start3A_94 = tpu.memref_squeeze %dma_start3A_93 : memref<1x1x40x128xi32, #tpu.memory_space<hbm>> -> memref<40x128xi32, #tpu.memory_space<hbm>>
      %dma_start3A_95 = arith.constant 0 : i32
      %dma_start3A_96 = arith.constant 0 : i32
      %dma_start3A_97 = tpu.memref_slice %arg3[%add3A, %run_scoped3A_67, %dma_start3A_95, %dma_start3A_96] : memref<32x2x40x128xi32, #tpu.memory_space<hbm>> -> memref<1x1x40x128xi32, #tpu.memory_space<hbm>>
      %dma_start3A_98 = tpu.memref_squeeze %dma_start3A_97 : memref<1x1x40x128xi32, #tpu.memory_space<hbm>> -> memref<40x128xi32, #tpu.memory_space<hbm>>
      tpu.enqueue_dma source(%dma_start3A_98 : memref<40x128xi32, #tpu.memory_space<hbm>>) target(%arg7 : memref<40x128xi32, #tpu.memory_space<vmem>>) target_semaphore(%run_scoped3A_91 : memref<!tpu.dma_semaphore, #tpu.memory_space<semaphore_mem>>)
      %dma_wait3A = arith.constant 0 : i32
      %dma_wait3A_99 = arith.constant 0 : i32
      %dma_wait3A_100 = tpu.memref_slice %arg3[%add3A, %run_scoped3A_67, %dma_wait3A, %dma_wait3A_99] : memref<32x2x40x128xi32, #tpu.memory_space<hbm>> -> memref<1x1x40x128xi32, #tpu.memory_space<hbm>>
      %dma_wait3A_101 = tpu.memref_squeeze %dma_wait3A_100 : memref<1x1x40x128xi32, #tpu.memory_space<hbm>> -> memref<40x128xi32, #tpu.memory_space<hbm>>
      %dma_wait3A_102 = arith.constant 0 : i32
      %dma_wait3A_103 = arith.constant 0 : i32
      %dma_wait3A_104 = tpu.memref_slice %arg3[%add3A, %run_scoped3A_67, %dma_wait3A_102, %dma_wait3A_103] : memref<32x2x40x128xi32, #tpu.memory_space<hbm>> -> memref<1x1x40x128xi32, #tpu.memory_space<hbm>>
      %dma_wait3A_105 = tpu.memref_squeeze %dma_wait3A_104 : memref<1x1x40x128xi32, #tpu.memory_space<hbm>> -> memref<40x128xi32, #tpu.memory_space<hbm>>
      tpu.wait_dma2 semaphore(%run_scoped3A_91 : memref<!tpu.dma_semaphore, #tpu.memory_space<semaphore_mem>>) src(%dma_wait3A_105 : memref<40x128xi32, #tpu.memory_space<hbm>>) dst(%arg7 : memref<40x128xi32, #tpu.memory_space<vmem>>)
      tpu.yield
    }) : () -> ()
    %scan3A_68 = arith.constant 0 : i32
    %scan3A_69 = arith.constant 0 : i32
    %scan3A_70 = arith.constant 40 : i32
    %scan3A_71 = arith.addi %scan3A_69, %scan3A_70 : i32
    %scan3A_72 = arith.constant 1 : i32
    scf.for %scan3A_91 = %scan3A_69 to %scan3A_71 step %scan3A_72  : i32 {
      %dma_start3A = arith.constant 0 : i32
      %dma_start3A_92 = tpu.memref_slice %arg6[%scan3A_91, %dma_start3A] : memref<42x128xi32, #tpu.memory_space<vmem>> -> memref<1x128xi32, #tpu.memory_space<vmem>>
      %dma_start3A_93 = tpu.memref_squeeze %dma_start3A_92 : memref<1x128xi32, #tpu.memory_space<vmem>> -> memref<128xi32, #tpu.memory_space<vmem>>
      %dma_start3A_94 = arith.constant 0 : i32
      %dma_start3A_95 = tpu.memref_slice %arg9[%dma_start3A_94] : memref<10240xf32, #tpu.memory_space<vmem_shared>> -> memref<10240xf32, #tpu.memory_space<vmem_shared>>
      tpu.enqueue_indirect_dma source(%arg8 : memref<128xf32, #tpu.memory_space<vmem>>) target(%dma_start3A_95 : memref<10240xf32, #tpu.memory_space<vmem_shared>>) offsets(%dma_start3A_93 : memref<128xi32, #tpu.memory_space<vmem>>) semaphore(%arg11 : memref<!tpu.dma_semaphore, #tpu.memory_space<semaphore_mem>>) {add = true}
      %dma_start3A_96 = arith.constant 0 : i32
      %dma_start3A_97 = tpu.memref_slice %arg7[%scan3A_91, %dma_start3A_96] : memref<40x128xi32, #tpu.memory_space<vmem>> -> memref<1x128xi32, #tpu.memory_space<vmem>>
      %dma_start3A_98 = tpu.memref_squeeze %dma_start3A_97 : memref<1x128xi32, #tpu.memory_space<vmem>> -> memref<128xi32, #tpu.memory_space<vmem>>
      %dma_start3A_99 = arith.constant 0 : i32
      %dma_start3A_100 = tpu.memref_slice %arg10[%dma_start3A_99] : memref<10240xf32, #tpu.memory_space<vmem_shared>> -> memref<10240xf32, #tpu.memory_space<vmem_shared>>
      tpu.enqueue_indirect_dma source(%arg8 : memref<128xf32, #tpu.memory_space<vmem>>) target(%dma_start3A_100 : memref<10240xf32, #tpu.memory_space<vmem_shared>>) offsets(%dma_start3A_98 : memref<128xi32, #tpu.memory_space<vmem>>) semaphore(%arg11 : memref<!tpu.dma_semaphore, #tpu.memory_space<semaphore_mem>>) {add = true}
    }
    %scan3A_73 = arith.constant 40 : i32
    %scan3A_74 = arith.constant 0 : i32
    %scan3A_75 = arith.constant 0 : i32
    %scan3A_76 = arith.constant 40 : i32
    %scan3A_77 = arith.addi %scan3A_75, %scan3A_76 : i32
    %scan3A_78 = arith.constant 1 : i32
    scf.for %scan3A_91 = %scan3A_75 to %scan3A_77 step %scan3A_78  : i32 {
      %dma_wait3A = arith.constant 0 : i32
      %dma_wait3A_92 = arith.constant 0 : i32
      %dma_wait3A_93 = tpu.memref_slice %arg6[%dma_wait3A, %dma_wait3A_92] : memref<42x128xi32, #tpu.memory_space<vmem>> -> memref<1x128xi32, #tpu.memory_space<vmem>>
      %dma_wait3A_94 = tpu.memref_squeeze %dma_wait3A_93 : memref<1x128xi32, #tpu.memory_space<vmem>> -> memref<128xi32, #tpu.memory_space<vmem>>
      %dma_wait3A_95 = arith.constant 0 : i32
      %dma_wait3A_96 = tpu.memref_slice %arg9[%dma_wait3A_95] : memref<10240xf32, #tpu.memory_space<vmem_shared>> -> memref<10240xf32, #tpu.memory_space<vmem_shared>>
      tpu.wait_indirect_dma semaphore(%arg11 : memref<!tpu.dma_semaphore, #tpu.memory_space<semaphore_mem>>) src(%arg8 : memref<128xf32, #tpu.memory_space<vmem>>) dst(%dma_wait3A_96 : memref<10240xf32, #tpu.memory_space<vmem_shared>>)
      %dma_wait3A_97 = arith.constant 0 : i32
      %dma_wait3A_98 = arith.constant 0 : i32
      %dma_wait3A_99 = tpu.memref_slice %arg7[%dma_wait3A_97, %dma_wait3A_98] : memref<40x128xi32, #tpu.memory_space<vmem>> -> memref<1x128xi32, #tpu.memory_space<vmem>>
      %dma_wait3A_100 = tpu.memref_squeeze %dma_wait3A_99 : memref<1x128xi32, #tpu.memory_space<vmem>> -> memref<128xi32, #tpu.memory_space<vmem>>
      %dma_wait3A_101 = arith.constant 0 : i32
      %dma_wait3A_102 = tpu.memref_slice %arg10[%dma_wait3A_101] : memref<10240xf32, #tpu.memory_space<vmem_shared>> -> memref<10240xf32, #tpu.memory_space<vmem_shared>>
      tpu.wait_indirect_dma semaphore(%arg11 : memref<!tpu.dma_semaphore, #tpu.memory_space<semaphore_mem>>) src(%arg8 : memref<128xf32, #tpu.memory_space<vmem>>) dst(%dma_wait3A_102 : memref<10240xf32, #tpu.memory_space<vmem_shared>>)
    }
    %scan3A_79 = arith.constant 40 : i32
    %barrier3A_80 = arith.constant 0 : index
    tpu.barrier barrier_id(%barrier3A_80)
    %eq3A_81 = arith.constant 0 : i32
    %eq3A_82 = arith.cmpi eq, %arg1, %eq3A_81 : i32
    %convert_element_type3A_83 = arith.extui %eq3A_82 : i1 to i32
    %cond3A_84 = arith.constant 0 : i32
    %cond3A_85 = arith.cmpi ne, %convert_element_type3A_83, %cond3A_84 : i32
    scf.if %cond3A_85 {
      %run_scoped3A_91 = arith.constant 0 : i32
      "tpu.region"() ({
        %run_scoped3A_92 = tpu.sem_alloc : memref<!tpu.dma_semaphore, #tpu.memory_space<semaphore_mem>>
        %dma_start3A = arith.constant 0 : i32
        %dma_start3A_93 = tpu.memref_slice %arg5[%arg0, %run_scoped3A_91, %dma_start3A] : memref<2x2x10240xf32, #tpu.memory_space<hbm>> -> memref<1x1x10240xf32, #tpu.memory_space<hbm>>
        %dma_start3A_94 = tpu.memref_squeeze %dma_start3A_93 : memref<1x1x10240xf32, #tpu.memory_space<hbm>> -> memref<10240xf32, #tpu.memory_space<hbm>>
        tpu.enqueue_dma source(%arg9 : memref<10240xf32, #tpu.memory_space<vmem_shared>>) target(%dma_start3A_94 : memref<10240xf32, #tpu.memory_space<hbm>>) target_semaphore(%run_scoped3A_92 : memref<!tpu.dma_semaphore, #tpu.memory_space<semaphore_mem>>)
        %dma_wait3A = arith.constant 0 : i32
        %dma_wait3A_95 = tpu.memref_slice %arg5[%arg0, %run_scoped3A_91, %dma_wait3A] : memref<2x2x10240xf32, #tpu.memory_space<hbm>> -> memref<1x1x10240xf32, #tpu.memory_space<hbm>>
        %dma_wait3A_96 = tpu.memref_squeeze %dma_wait3A_95 : memref<1x1x10240xf32, #tpu.memory_space<hbm>> -> memref<10240xf32, #tpu.memory_space<hbm>>
        tpu.wait_dma2 semaphore(%run_scoped3A_92 : memref<!tpu.dma_semaphore, #tpu.memory_space<semaphore_mem>>) src(%arg9 : memref<10240xf32, #tpu.memory_space<vmem_shared>>) dst(%dma_wait3A_96 : memref<10240xf32, #tpu.memory_space<hbm>>)
        tpu.yield
      }) : () -> ()
    } else {
    }
    %eq3A_86 = arith.constant 1 : i32
    %eq3A_87 = arith.cmpi eq, %arg1, %eq3A_86 : i32
    %convert_element_type3A_88 = arith.extui %eq3A_87 : i1 to i32
    %cond3A_89 = arith.constant 0 : i32
    %cond3A_90 = arith.cmpi ne, %convert_element_type3A_88, %cond3A_89 : i32
    scf.if %cond3A_90 {
      %run_scoped3A_91 = arith.constant 1 : i32
      "tpu.region"() ({
        %run_scoped3A_92 = tpu.sem_alloc : memref<!tpu.dma_semaphore, #tpu.memory_space<semaphore_mem>>
        %dma_start3A = arith.constant 0 : i32
        %dma_start3A_93 = tpu.memref_slice %arg5[%arg0, %run_scoped3A_91, %dma_start3A] : memref<2x2x10240xf32, #tpu.memory_space<hbm>> -> memref<1x1x10240xf32, #tpu.memory_space<hbm>>
        %dma_start3A_94 = tpu.memref_squeeze %dma_start3A_93 : memref<1x1x10240xf32, #tpu.memory_space<hbm>> -> memref<10240xf32, #tpu.memory_space<hbm>>
        tpu.enqueue_dma source(%arg10 : memref<10240xf32, #tpu.memory_space<vmem_shared>>) target(%dma_start3A_94 : memref<10240xf32, #tpu.memory_space<hbm>>) target_semaphore(%run_scoped3A_92 : memref<!tpu.dma_semaphore, #tpu.memory_space<semaphore_mem>>)
        %dma_wait3A = arith.constant 0 : i32
        %dma_wait3A_95 = tpu.memref_slice %arg5[%arg0, %run_scoped3A_91, %dma_wait3A] : memref<2x2x10240xf32, #tpu.memory_space<hbm>> -> memref<1x1x10240xf32, #tpu.memory_space<hbm>>
        %dma_wait3A_96 = tpu.memref_squeeze %dma_wait3A_95 : memref<1x1x10240xf32, #tpu.memory_space<hbm>> -> memref<10240xf32, #tpu.memory_space<hbm>>
        tpu.wait_dma2 semaphore(%run_scoped3A_92 : memref<!tpu.dma_semaphore, #tpu.memory_space<semaphore_mem>>) src(%arg10 : memref<10240xf32, #tpu.memory_space<vmem_shared>>) dst(%dma_wait3A_96 : memref<10240xf32, #tpu.memory_space<hbm>>)
        tpu.yield
      }) : () -> ()
    } else {
    }
    return
  }
}

#map = affine_map<(d0, d1) -> (0, 0, 0)>
#map1 = affine_map<(d0, d1) -> (0, 0, 0, 0)>
#map2 = affine_map<(d0, d1) -> (0, 0)>
module attributes {stable_mosaic.version = 14 : i64} {
  func.func @_agg_kernel(%arg0: i32, %arg1: i32, %arg2: memref<8x10240x128xf32, #tpu.memory_space<hbm>>, %arg3: memref<32x2x42x128xi32, #tpu.memory_space<hbm>>, %arg4: memref<32x2x40x128xi32, #tpu.memory_space<hbm>>, %arg5: memref<10240x128xf32, #tpu.memory_space<hbm>>, %arg6: memref<2x10240x128xf32, #tpu.memory_space<hbm>>, %arg7: memref<42x128xi32, #tpu.memory_space<vmem>>, %arg8: memref<40x128xi32, #tpu.memory_space<vmem>>, %arg9: memref<128x128xf32, #tpu.memory_space<vmem>>, %arg10: memref<128x128xf32, #tpu.memory_space<vmem>>, %arg11: memref<10240x128xf32, #tpu.memory_space<vmem_shared>>, %arg12: memref<!tpu.dma_semaphore, #tpu.memory_space<semaphore_mem>>, %arg13: memref<!tpu.dma_semaphore, #tpu.memory_space<semaphore_mem>>) attributes {dimension_semantics = [#tpu.dimension_semantics<core_parallel>, #tpu.dimension_semantics<subcore_parallel>], iteration_bounds = array<i64: 2, 16>, scalar_prefetch = 0 : i64, scratch_operands = 7 : i64, tpu.core_type = #tpu.core_type<sc_vector_subcore>, window_params = [{transform_indices = #map}, {transform_indices = #map1}, {transform_indices = #map1}, {transform_indices = #map2}, {transform_indices = #map}]} {
    %mul3A = arith.constant 16 : i32
    %mul3A_0 = arith.muli %arg0, %mul3A : i32
    %add3A = arith.addi %mul3A_0, %arg1 : i32
    %mul3A_1 = arith.constant 4 : i32
    %mul3A_2 = arith.muli %arg0, %mul3A_1 : i32
    %jit3A = arith.constant 4 : i32
    %div3A = arith.divsi %arg1, %jit3A : i32
    %sign3A = arith.constant 0 : i32
    %sign3A_3 = arith.cmpi sgt, %arg1, %sign3A : i32
    %sign3A_4 = arith.extui %sign3A_3 : i1 to i32
    %sign3A_5 = arith.constant 0 : i32
    %sign3A_6 = arith.cmpi slt, %arg1, %sign3A_5 : i32
    %sign3A_7 = arith.extui %sign3A_6 : i1 to i32
    %sign3A_8 = arith.subi %sign3A_4, %sign3A_7 : i32
    %sign3A_9 = arith.constant 0 : i32
    %sign3A_10 = arith.cmpi sgt, %jit3A, %sign3A_9 : i32
    %sign3A_11 = arith.extui %sign3A_10 : i1 to i32
    %sign3A_12 = arith.constant 0 : i32
    %sign3A_13 = arith.cmpi slt, %jit3A, %sign3A_12 : i32
    %sign3A_14 = arith.extui %sign3A_13 : i1 to i32
    %sign3A_15 = arith.subi %sign3A_11, %sign3A_14 : i32
    %ne3A = arith.cmpi ne, %sign3A_8, %sign3A_15 : i32
    %rem3A = arith.remsi %arg1, %jit3A : i32
    %ne3A_16 = arith.constant 0 : i32
    %ne3A_17 = arith.cmpi ne, %rem3A, %ne3A_16 : i32
    %and3A = arith.andi %ne3A, %ne3A_17 : i1
    %sub3A = arith.constant 1 : i32
    %sub3A_18 = arith.subi %div3A, %sub3A : i32
    %select_n3A = arith.select %and3A, %sub3A_18, %div3A : i32
    %add3A_19 = arith.addi %mul3A_2, %select_n3A : i32
    %mul3A_20 = arith.constant 640 : i32
    %mul3A_21 = arith.muli %arg1, %mul3A_20 : i32
    %mul3A_22 = arith.constant 640 : i32
    %mul3A_23 = arith.muli %arg1, %mul3A_22 : i32
    "tpu.region"() ({
      %run_scoped3A_70 = tpu.sem_alloc : memref<!tpu.dma_semaphore, #tpu.memory_space<semaphore_mem>>
      %dma_start3A = arith.constant 0 : i32
      %dma_start3A_71 = tpu.memref_slice %arg11[%mul3A_23, %dma_start3A] : memref<10240x128xf32, #tpu.memory_space<vmem_shared>> -> memref<640x128xf32, #tpu.memory_space<vmem_shared>>
      %dma_start3A_72 = arith.constant 0 : i32
      %dma_start3A_73 = tpu.memref_slice %arg5[%mul3A_21, %dma_start3A_72] : memref<10240x128xf32, #tpu.memory_space<hbm>> -> memref<640x128xf32, #tpu.memory_space<hbm>>
      tpu.enqueue_dma source(%dma_start3A_73 : memref<640x128xf32, #tpu.memory_space<hbm>>) target(%dma_start3A_71 : memref<640x128xf32, #tpu.memory_space<vmem_shared>>) target_semaphore(%run_scoped3A_70 : memref<!tpu.dma_semaphore, #tpu.memory_space<semaphore_mem>>)
      %dma_wait3A_74 = arith.constant 0 : i32
      %dma_wait3A_75 = tpu.memref_slice %arg11[%mul3A_23, %dma_wait3A_74] : memref<10240x128xf32, #tpu.memory_space<vmem_shared>> -> memref<640x128xf32, #tpu.memory_space<vmem_shared>>
      %dma_wait3A_76 = arith.constant 0 : i32
      %dma_wait3A_77 = tpu.memref_slice %arg5[%mul3A_21, %dma_wait3A_76] : memref<10240x128xf32, #tpu.memory_space<hbm>> -> memref<640x128xf32, #tpu.memory_space<hbm>>
      tpu.wait_dma2 semaphore(%run_scoped3A_70 : memref<!tpu.dma_semaphore, #tpu.memory_space<semaphore_mem>>) src(%dma_wait3A_77 : memref<640x128xf32, #tpu.memory_space<hbm>>) dst(%dma_wait3A_75 : memref<640x128xf32, #tpu.memory_space<vmem_shared>>)
      tpu.yield
    }) : () -> ()
    %barrier3A = arith.constant 0 : index
    tpu.barrier barrier_id(%barrier3A)
    %run_scoped3A = arith.constant 0 : i32
    "tpu.region"() ({
      %run_scoped3A_70 = tpu.sem_alloc : memref<!tpu.dma_semaphore, #tpu.memory_space<semaphore_mem>>
      %dma_start3A = arith.constant 0 : i32
      %dma_start3A_71 = arith.constant 0 : i32
      %dma_start3A_72 = tpu.memref_slice %arg3[%add3A, %run_scoped3A, %dma_start3A, %dma_start3A_71] : memref<32x2x42x128xi32, #tpu.memory_space<hbm>> -> memref<1x1x42x128xi32, #tpu.memory_space<hbm>>
      %dma_start3A_73 = tpu.memref_squeeze %dma_start3A_72 : memref<1x1x42x128xi32, #tpu.memory_space<hbm>> -> memref<42x128xi32, #tpu.memory_space<hbm>>
      %dma_start3A_74 = arith.constant 0 : i32
      %dma_start3A_75 = arith.constant 0 : i32
      %dma_start3A_76 = tpu.memref_slice %arg3[%add3A, %run_scoped3A, %dma_start3A_74, %dma_start3A_75] : memref<32x2x42x128xi32, #tpu.memory_space<hbm>> -> memref<1x1x42x128xi32, #tpu.memory_space<hbm>>
      %dma_start3A_77 = tpu.memref_squeeze %dma_start3A_76 : memref<1x1x42x128xi32, #tpu.memory_space<hbm>> -> memref<42x128xi32, #tpu.memory_space<hbm>>
      tpu.enqueue_dma source(%dma_start3A_77 : memref<42x128xi32, #tpu.memory_space<hbm>>) target(%arg7 : memref<42x128xi32, #tpu.memory_space<vmem>>) target_semaphore(%run_scoped3A_70 : memref<!tpu.dma_semaphore, #tpu.memory_space<semaphore_mem>>)
      %dma_wait3A_78 = arith.constant 0 : i32
      %dma_wait3A_79 = arith.constant 0 : i32
      %dma_wait3A_80 = tpu.memref_slice %arg3[%add3A, %run_scoped3A, %dma_wait3A_78, %dma_wait3A_79] : memref<32x2x42x128xi32, #tpu.memory_space<hbm>> -> memref<1x1x42x128xi32, #tpu.memory_space<hbm>>
      %dma_wait3A_81 = tpu.memref_squeeze %dma_wait3A_80 : memref<1x1x42x128xi32, #tpu.memory_space<hbm>> -> memref<42x128xi32, #tpu.memory_space<hbm>>
      %dma_wait3A_82 = arith.constant 0 : i32
      %dma_wait3A_83 = arith.constant 0 : i32
      %dma_wait3A_84 = tpu.memref_slice %arg3[%add3A, %run_scoped3A, %dma_wait3A_82, %dma_wait3A_83] : memref<32x2x42x128xi32, #tpu.memory_space<hbm>> -> memref<1x1x42x128xi32, #tpu.memory_space<hbm>>
      %dma_wait3A_85 = tpu.memref_squeeze %dma_wait3A_84 : memref<1x1x42x128xi32, #tpu.memory_space<hbm>> -> memref<42x128xi32, #tpu.memory_space<hbm>>
      tpu.wait_dma2 semaphore(%run_scoped3A_70 : memref<!tpu.dma_semaphore, #tpu.memory_space<semaphore_mem>>) src(%dma_wait3A_85 : memref<42x128xi32, #tpu.memory_space<hbm>>) dst(%arg7 : memref<42x128xi32, #tpu.memory_space<vmem>>)
      tpu.yield
    }) : () -> ()
    %run_scoped3A_24 = arith.constant 0 : i32
    "tpu.region"() ({
      %run_scoped3A_70 = tpu.sem_alloc : memref<!tpu.dma_semaphore, #tpu.memory_space<semaphore_mem>>
      %dma_start3A = arith.constant 0 : i32
      %dma_start3A_71 = arith.constant 0 : i32
      %dma_start3A_72 = tpu.memref_slice %arg4[%add3A, %run_scoped3A_24, %dma_start3A, %dma_start3A_71] : memref<32x2x40x128xi32, #tpu.memory_space<hbm>> -> memref<1x1x40x128xi32, #tpu.memory_space<hbm>>
      %dma_start3A_73 = tpu.memref_squeeze %dma_start3A_72 : memref<1x1x40x128xi32, #tpu.memory_space<hbm>> -> memref<40x128xi32, #tpu.memory_space<hbm>>
      %dma_start3A_74 = arith.constant 0 : i32
      %dma_start3A_75 = arith.constant 0 : i32
      %dma_start3A_76 = tpu.memref_slice %arg4[%add3A, %run_scoped3A_24, %dma_start3A_74, %dma_start3A_75] : memref<32x2x40x128xi32, #tpu.memory_space<hbm>> -> memref<1x1x40x128xi32, #tpu.memory_space<hbm>>
      %dma_start3A_77 = tpu.memref_squeeze %dma_start3A_76 : memref<1x1x40x128xi32, #tpu.memory_space<hbm>> -> memref<40x128xi32, #tpu.memory_space<hbm>>
      tpu.enqueue_dma source(%dma_start3A_77 : memref<40x128xi32, #tpu.memory_space<hbm>>) target(%arg8 : memref<40x128xi32, #tpu.memory_space<vmem>>) target_semaphore(%run_scoped3A_70 : memref<!tpu.dma_semaphore, #tpu.memory_space<semaphore_mem>>)
      %dma_wait3A_78 = arith.constant 0 : i32
      %dma_wait3A_79 = arith.constant 0 : i32
      %dma_wait3A_80 = tpu.memref_slice %arg4[%add3A, %run_scoped3A_24, %dma_wait3A_78, %dma_wait3A_79] : memref<32x2x40x128xi32, #tpu.memory_space<hbm>> -> memref<1x1x40x128xi32, #tpu.memory_space<hbm>>
      %dma_wait3A_81 = tpu.memref_squeeze %dma_wait3A_80 : memref<1x1x40x128xi32, #tpu.memory_space<hbm>> -> memref<40x128xi32, #tpu.memory_space<hbm>>
      %dma_wait3A_82 = arith.constant 0 : i32
      %dma_wait3A_83 = arith.constant 0 : i32
      %dma_wait3A_84 = tpu.memref_slice %arg4[%add3A, %run_scoped3A_24, %dma_wait3A_82, %dma_wait3A_83] : memref<32x2x40x128xi32, #tpu.memory_space<hbm>> -> memref<1x1x40x128xi32, #tpu.memory_space<hbm>>
      %dma_wait3A_85 = tpu.memref_squeeze %dma_wait3A_84 : memref<1x1x40x128xi32, #tpu.memory_space<hbm>> -> memref<40x128xi32, #tpu.memory_space<hbm>>
      tpu.wait_dma2 semaphore(%run_scoped3A_70 : memref<!tpu.dma_semaphore, #tpu.memory_space<semaphore_mem>>) src(%dma_wait3A_85 : memref<40x128xi32, #tpu.memory_space<hbm>>) dst(%arg8 : memref<40x128xi32, #tpu.memory_space<vmem>>)
      tpu.yield
    }) : () -> ()
    %scan3A = arith.constant 0 : i32
    %scan3A_25 = arith.constant 0 : i32
    %scan3A_26 = arith.constant 20 : i32
    %scan3A_27 = arith.addi %scan3A_25, %scan3A_26 : i32
    %scan3A_28 = arith.constant 1 : i32
    scf.for %scan3A_70 = %scan3A_25 to %scan3A_27 step %scan3A_28  : i32 {
      %mul3A_71 = arith.constant 2 : i32
      %mul3A_72 = arith.muli %mul3A_71, %scan3A_70 : i32
      %gt3A = arith.constant 0 : i32
      %gt3A_73 = arith.cmpi sgt, %scan3A_70, %gt3A : i32
      %convert_element_type3A = arith.extui %gt3A_73 : i1 to i32
      %cond3A = arith.constant 0 : i32
      %cond3A_74 = arith.cmpi ne, %convert_element_type3A, %cond3A : i32
      scf.if %cond3A_74 {
        %dma_wait3A_135 = arith.constant 0 : i32
        %dma_wait3A_136 = arith.constant 0 : i32
        %dma_wait3A_137 = tpu.memref_slice %arg8[%dma_wait3A_135, %dma_wait3A_136] : memref<40x128xi32, #tpu.memory_space<vmem>> -> memref<1x128xi32, #tpu.memory_space<vmem>>
        %dma_wait3A_138 = tpu.memref_squeeze %dma_wait3A_137 : memref<1x128xi32, #tpu.memory_space<vmem>> -> memref<128xi32, #tpu.memory_space<vmem>>
        %dma_wait3A_139 = arith.constant 0 : i32
        %dma_wait3A_140 = arith.constant 0 : i32
        %dma_wait3A_141 = tpu.memref_slice %arg11[%dma_wait3A_139, %dma_wait3A_140] : memref<10240x128xf32, #tpu.memory_space<vmem_shared>> -> memref<10240x128xf32, #tpu.memory_space<vmem_shared>>
        tpu.wait_indirect_dma semaphore(%arg13 : memref<!tpu.dma_semaphore, #tpu.memory_space<semaphore_mem>>) src(%arg9 : memref<128x128xf32, #tpu.memory_space<vmem>>) dst(%dma_wait3A_141 : memref<10240x128xf32, #tpu.memory_space<vmem_shared>>)
      } else {
      }
      %dma_start3A = arith.constant 0 : i32
      %dma_start3A_75 = tpu.memref_slice %arg7[%mul3A_72, %dma_start3A] : memref<42x128xi32, #tpu.memory_space<vmem>> -> memref<1x128xi32, #tpu.memory_space<vmem>>
      %dma_start3A_76 = tpu.memref_squeeze %dma_start3A_75 : memref<1x128xi32, #tpu.memory_space<vmem>> -> memref<128xi32, #tpu.memory_space<vmem>>
      %dma_start3A_77 = arith.constant 0 : i32
      %dma_start3A_78 = arith.constant 0 : i32
      %dma_start3A_79 = tpu.memref_slice %arg2[%add3A_19, %dma_start3A_77, %dma_start3A_78] : memref<8x10240x128xf32, #tpu.memory_space<hbm>> -> memref<1x10240x128xf32, #tpu.memory_space<hbm>>
      %dma_start3A_80 = tpu.memref_squeeze %dma_start3A_79 : memref<1x10240x128xf32, #tpu.memory_space<hbm>> -> memref<10240x128xf32, #tpu.memory_space<hbm>>
      %dma_start3A_81 = arith.constant 0 : i32
      %dma_start3A_82 = arith.constant 0 : i32
      %dma_start3A_83 = tpu.memref_slice %dma_start3A_80[%dma_start3A_81, %dma_start3A_82] : memref<10240x128xf32, #tpu.memory_space<hbm>> -> memref<10240x128xf32, #tpu.memory_space<hbm>>
      tpu.enqueue_indirect_dma source(%dma_start3A_83 : memref<10240x128xf32, #tpu.memory_space<hbm>>) target(%arg9 : memref<128x128xf32, #tpu.memory_space<vmem>>) offsets(%dma_start3A_76 : memref<128xi32, #tpu.memory_space<vmem>>) semaphore(%arg12 : memref<!tpu.dma_semaphore, #tpu.memory_space<semaphore_mem>>)
      %dma_wait3A_84 = arith.constant 0 : i32
      %dma_wait3A_85 = tpu.memref_slice %arg7[%mul3A_72, %dma_wait3A_84] : memref<42x128xi32, #tpu.memory_space<vmem>> -> memref<1x128xi32, #tpu.memory_space<vmem>>
      %dma_wait3A_86 = tpu.memref_squeeze %dma_wait3A_85 : memref<1x128xi32, #tpu.memory_space<vmem>> -> memref<128xi32, #tpu.memory_space<vmem>>
      %dma_wait3A_87 = arith.constant 0 : i32
      %dma_wait3A_88 = arith.constant 0 : i32
      %dma_wait3A_89 = tpu.memref_slice %arg2[%add3A_19, %dma_wait3A_87, %dma_wait3A_88] : memref<8x10240x128xf32, #tpu.memory_space<hbm>> -> memref<1x10240x128xf32, #tpu.memory_space<hbm>>
      %dma_wait3A_90 = tpu.memref_squeeze %dma_wait3A_89 : memref<1x10240x128xf32, #tpu.memory_space<hbm>> -> memref<10240x128xf32, #tpu.memory_space<hbm>>
      %dma_wait3A_91 = arith.constant 0 : i32
      %dma_wait3A_92 = arith.constant 0 : i32
      %dma_wait3A_93 = tpu.memref_slice %dma_wait3A_90[%dma_wait3A_91, %dma_wait3A_92] : memref<10240x128xf32, #tpu.memory_space<hbm>> -> memref<10240x128xf32, #tpu.memory_space<hbm>>
      tpu.wait_indirect_dma semaphore(%arg12 : memref<!tpu.dma_semaphore, #tpu.memory_space<semaphore_mem>>) src(%dma_wait3A_93 : memref<10240x128xf32, #tpu.memory_space<hbm>>) dst(%arg9 : memref<128x128xf32, #tpu.memory_space<vmem>>)
      %dma_start3A_94 = arith.constant 0 : i32
      %dma_start3A_95 = tpu.memref_slice %arg8[%mul3A_72, %dma_start3A_94] : memref<40x128xi32, #tpu.memory_space<vmem>> -> memref<1x128xi32, #tpu.memory_space<vmem>>
      %dma_start3A_96 = tpu.memref_squeeze %dma_start3A_95 : memref<1x128xi32, #tpu.memory_space<vmem>> -> memref<128xi32, #tpu.memory_space<vmem>>
      %dma_start3A_97 = arith.constant 0 : i32
      %dma_start3A_98 = arith.constant 0 : i32
      %dma_start3A_99 = tpu.memref_slice %arg11[%dma_start3A_97, %dma_start3A_98] : memref<10240x128xf32, #tpu.memory_space<vmem_shared>> -> memref<10240x128xf32, #tpu.memory_space<vmem_shared>>
      tpu.enqueue_indirect_dma source(%arg9 : memref<128x128xf32, #tpu.memory_space<vmem>>) target(%dma_start3A_99 : memref<10240x128xf32, #tpu.memory_space<vmem_shared>>) offsets(%dma_start3A_96 : memref<128xi32, #tpu.memory_space<vmem>>) semaphore(%arg13 : memref<!tpu.dma_semaphore, #tpu.memory_space<semaphore_mem>>) {add = true}
      %gt3A_100 = arith.constant 0 : i32
      %gt3A_101 = arith.cmpi sgt, %scan3A_70, %gt3A_100 : i32
      %convert_element_type3A_102 = arith.extui %gt3A_101 : i1 to i32
      %cond3A_103 = arith.constant 0 : i32
      %cond3A_104 = arith.cmpi ne, %convert_element_type3A_102, %cond3A_103 : i32
      scf.if %cond3A_104 {
        %dma_wait3A_135 = arith.constant 0 : i32
        %dma_wait3A_136 = arith.constant 0 : i32
        %dma_wait3A_137 = tpu.memref_slice %arg8[%dma_wait3A_135, %dma_wait3A_136] : memref<40x128xi32, #tpu.memory_space<vmem>> -> memref<1x128xi32, #tpu.memory_space<vmem>>
        %dma_wait3A_138 = tpu.memref_squeeze %dma_wait3A_137 : memref<1x128xi32, #tpu.memory_space<vmem>> -> memref<128xi32, #tpu.memory_space<vmem>>
        %dma_wait3A_139 = arith.constant 0 : i32
        %dma_wait3A_140 = arith.constant 0 : i32
        %dma_wait3A_141 = tpu.memref_slice %arg11[%dma_wait3A_139, %dma_wait3A_140] : memref<10240x128xf32, #tpu.memory_space<vmem_shared>> -> memref<10240x128xf32, #tpu.memory_space<vmem_shared>>
        tpu.wait_indirect_dma semaphore(%arg13 : memref<!tpu.dma_semaphore, #tpu.memory_space<semaphore_mem>>) src(%arg10 : memref<128x128xf32, #tpu.memory_space<vmem>>) dst(%dma_wait3A_141 : memref<10240x128xf32, #tpu.memory_space<vmem_shared>>)
      } else {
      }
      %add3A_105 = arith.constant 1 : i32
      %add3A_106 = arith.addi %mul3A_72, %add3A_105 : i32
      %dma_start3A_107 = arith.constant 0 : i32
      %dma_start3A_108 = tpu.memref_slice %arg7[%add3A_106, %dma_start3A_107] : memref<42x128xi32, #tpu.memory_space<vmem>> -> memref<1x128xi32, #tpu.memory_space<vmem>>
      %dma_start3A_109 = tpu.memref_squeeze %dma_start3A_108 : memref<1x128xi32, #tpu.memory_space<vmem>> -> memref<128xi32, #tpu.memory_space<vmem>>
      %dma_start3A_110 = arith.constant 0 : i32
      %dma_start3A_111 = arith.constant 0 : i32
      %dma_start3A_112 = tpu.memref_slice %arg2[%add3A_19, %dma_start3A_110, %dma_start3A_111] : memref<8x10240x128xf32, #tpu.memory_space<hbm>> -> memref<1x10240x128xf32, #tpu.memory_space<hbm>>
      %dma_start3A_113 = tpu.memref_squeeze %dma_start3A_112 : memref<1x10240x128xf32, #tpu.memory_space<hbm>> -> memref<10240x128xf32, #tpu.memory_space<hbm>>
      %dma_start3A_114 = arith.constant 0 : i32
      %dma_start3A_115 = arith.constant 0 : i32
      %dma_start3A_116 = tpu.memref_slice %dma_start3A_113[%dma_start3A_114, %dma_start3A_115] : memref<10240x128xf32, #tpu.memory_space<hbm>> -> memref<10240x128xf32, #tpu.memory_space<hbm>>
      tpu.enqueue_indirect_dma source(%dma_start3A_116 : memref<10240x128xf32, #tpu.memory_space<hbm>>) target(%arg10 : memref<128x128xf32, #tpu.memory_space<vmem>>) offsets(%dma_start3A_109 : memref<128xi32, #tpu.memory_space<vmem>>) semaphore(%arg12 : memref<!tpu.dma_semaphore, #tpu.memory_space<semaphore_mem>>)
      %dma_wait3A_117 = arith.constant 0 : i32
      %dma_wait3A_118 = tpu.memref_slice %arg7[%add3A_106, %dma_wait3A_117] : memref<42x128xi32, #tpu.memory_space<vmem>> -> memref<1x128xi32, #tpu.memory_space<vmem>>
      %dma_wait3A_119 = tpu.memref_squeeze %dma_wait3A_118 : memref<1x128xi32, #tpu.memory_space<vmem>> -> memref<128xi32, #tpu.memory_space<vmem>>
      %dma_wait3A_120 = arith.constant 0 : i32
      %dma_wait3A_121 = arith.constant 0 : i32
      %dma_wait3A_122 = tpu.memref_slice %arg2[%add3A_19, %dma_wait3A_120, %dma_wait3A_121] : memref<8x10240x128xf32, #tpu.memory_space<hbm>> -> memref<1x10240x128xf32, #tpu.memory_space<hbm>>
      %dma_wait3A_123 = tpu.memref_squeeze %dma_wait3A_122 : memref<1x10240x128xf32, #tpu.memory_space<hbm>> -> memref<10240x128xf32, #tpu.memory_space<hbm>>
      %dma_wait3A_124 = arith.constant 0 : i32
      %dma_wait3A_125 = arith.constant 0 : i32
      %dma_wait3A_126 = tpu.memref_slice %dma_wait3A_123[%dma_wait3A_124, %dma_wait3A_125] : memref<10240x128xf32, #tpu.memory_space<hbm>> -> memref<10240x128xf32, #tpu.memory_space<hbm>>
      tpu.wait_indirect_dma semaphore(%arg12 : memref<!tpu.dma_semaphore, #tpu.memory_space<semaphore_mem>>) src(%dma_wait3A_126 : memref<10240x128xf32, #tpu.memory_space<hbm>>) dst(%arg10 : memref<128x128xf32, #tpu.memory_space<vmem>>)
      %add3A_127 = arith.constant 1 : i32
      %add3A_128 = arith.addi %mul3A_72, %add3A_127 : i32
      %dma_start3A_129 = arith.constant 0 : i32
      %dma_start3A_130 = tpu.memref_slice %arg8[%add3A_128, %dma_start3A_129] : memref<40x128xi32, #tpu.memory_space<vmem>> -> memref<1x128xi32, #tpu.memory_space<vmem>>
      %dma_start3A_131 = tpu.memref_squeeze %dma_start3A_130 : memref<1x128xi32, #tpu.memory_space<vmem>> -> memref<128xi32, #tpu.memory_space<vmem>>
      %dma_start3A_132 = arith.constant 0 : i32
      %dma_start3A_133 = arith.constant 0 : i32
      %dma_start3A_134 = tpu.memref_slice %arg11[%dma_start3A_132, %dma_start3A_133] : memref<10240x128xf32, #tpu.memory_space<vmem_shared>> -> memref<10240x128xf32, #tpu.memory_space<vmem_shared>>
      tpu.enqueue_indirect_dma source(%arg10 : memref<128x128xf32, #tpu.memory_space<vmem>>) target(%dma_start3A_134 : memref<10240x128xf32, #tpu.memory_space<vmem_shared>>) offsets(%dma_start3A_131 : memref<128xi32, #tpu.memory_space<vmem>>) semaphore(%arg13 : memref<!tpu.dma_semaphore, #tpu.memory_space<semaphore_mem>>) {add = true}
    }
    %scan3A_29 = arith.constant 20 : i32
    %dma_wait3A = arith.constant 0 : i32
    %dma_wait3A_30 = arith.constant 0 : i32
    %dma_wait3A_31 = tpu.memref_slice %arg8[%dma_wait3A, %dma_wait3A_30] : memref<40x128xi32, #tpu.memory_space<vmem>> -> memref<1x128xi32, #tpu.memory_space<vmem>>
    %dma_wait3A_32 = tpu.memref_squeeze %dma_wait3A_31 : memref<1x128xi32, #tpu.memory_space<vmem>> -> memref<128xi32, #tpu.memory_space<vmem>>
    %dma_wait3A_33 = arith.constant 0 : i32
    %dma_wait3A_34 = arith.constant 0 : i32
    %dma_wait3A_35 = tpu.memref_slice %arg11[%dma_wait3A_33, %dma_wait3A_34] : memref<10240x128xf32, #tpu.memory_space<vmem_shared>> -> memref<10240x128xf32, #tpu.memory_space<vmem_shared>>
    tpu.wait_indirect_dma semaphore(%arg13 : memref<!tpu.dma_semaphore, #tpu.memory_space<semaphore_mem>>) src(%arg9 : memref<128x128xf32, #tpu.memory_space<vmem>>) dst(%dma_wait3A_35 : memref<10240x128xf32, #tpu.memory_space<vmem_shared>>)
    %dma_wait3A_36 = arith.constant 0 : i32
    %dma_wait3A_37 = arith.constant 0 : i32
    %dma_wait3A_38 = tpu.memref_slice %arg8[%dma_wait3A_36, %dma_wait3A_37] : memref<40x128xi32, #tpu.memory_space<vmem>> -> memref<1x128xi32, #tpu.memory_space<vmem>>
    %dma_wait3A_39 = tpu.memref_squeeze %dma_wait3A_38 : memref<1x128xi32, #tpu.memory_space<vmem>> -> memref<128xi32, #tpu.memory_space<vmem>>
    %dma_wait3A_40 = arith.constant 0 : i32
    %dma_wait3A_41 = arith.constant 0 : i32
    %dma_wait3A_42 = tpu.memref_slice %arg11[%dma_wait3A_40, %dma_wait3A_41] : memref<10240x128xf32, #tpu.memory_space<vmem_shared>> -> memref<10240x128xf32, #tpu.memory_space<vmem_shared>>
    tpu.wait_indirect_dma semaphore(%arg13 : memref<!tpu.dma_semaphore, #tpu.memory_space<semaphore_mem>>) src(%arg10 : memref<128x128xf32, #tpu.memory_space<vmem>>) dst(%dma_wait3A_42 : memref<10240x128xf32, #tpu.memory_space<vmem_shared>>)
    %run_scoped3A_43 = arith.constant 1 : i32
    "tpu.region"() ({
      %run_scoped3A_70 = tpu.sem_alloc : memref<!tpu.dma_semaphore, #tpu.memory_space<semaphore_mem>>
      %dma_start3A = arith.constant 0 : i32
      %dma_start3A_71 = arith.constant 0 : i32
      %dma_start3A_72 = tpu.memref_slice %arg3[%add3A, %run_scoped3A_43, %dma_start3A, %dma_start3A_71] : memref<32x2x42x128xi32, #tpu.memory_space<hbm>> -> memref<1x1x42x128xi32, #tpu.memory_space<hbm>>
      %dma_start3A_73 = tpu.memref_squeeze %dma_start3A_72 : memref<1x1x42x128xi32, #tpu.memory_space<hbm>> -> memref<42x128xi32, #tpu.memory_space<hbm>>
      %dma_start3A_74 = arith.constant 0 : i32
      %dma_start3A_75 = arith.constant 0 : i32
      %dma_start3A_76 = tpu.memref_slice %arg3[%add3A, %run_scoped3A_43, %dma_start3A_74, %dma_start3A_75] : memref<32x2x42x128xi32, #tpu.memory_space<hbm>> -> memref<1x1x42x128xi32, #tpu.memory_space<hbm>>
      %dma_start3A_77 = tpu.memref_squeeze %dma_start3A_76 : memref<1x1x42x128xi32, #tpu.memory_space<hbm>> -> memref<42x128xi32, #tpu.memory_space<hbm>>
      tpu.enqueue_dma source(%dma_start3A_77 : memref<42x128xi32, #tpu.memory_space<hbm>>) target(%arg7 : memref<42x128xi32, #tpu.memory_space<vmem>>) target_semaphore(%run_scoped3A_70 : memref<!tpu.dma_semaphore, #tpu.memory_space<semaphore_mem>>)
      %dma_wait3A_78 = arith.constant 0 : i32
      %dma_wait3A_79 = arith.constant 0 : i32
      %dma_wait3A_80 = tpu.memref_slice %arg3[%add3A, %run_scoped3A_43, %dma_wait3A_78, %dma_wait3A_79] : memref<32x2x42x128xi32, #tpu.memory_space<hbm>> -> memref<1x1x42x128xi32, #tpu.memory_space<hbm>>
      %dma_wait3A_81 = tpu.memref_squeeze %dma_wait3A_80 : memref<1x1x42x128xi32, #tpu.memory_space<hbm>> -> memref<42x128xi32, #tpu.memory_space<hbm>>
      %dma_wait3A_82 = arith.constant 0 : i32
      %dma_wait3A_83 = arith.constant 0 : i32
      %dma_wait3A_84 = tpu.memref_slice %arg3[%add3A, %run_scoped3A_43, %dma_wait3A_82, %dma_wait3A_83] : memref<32x2x42x128xi32, #tpu.memory_space<hbm>> -> memref<1x1x42x128xi32, #tpu.memory_space<hbm>>
      %dma_wait3A_85 = tpu.memref_squeeze %dma_wait3A_84 : memref<1x1x42x128xi32, #tpu.memory_space<hbm>> -> memref<42x128xi32, #tpu.memory_space<hbm>>
      tpu.wait_dma2 semaphore(%run_scoped3A_70 : memref<!tpu.dma_semaphore, #tpu.memory_space<semaphore_mem>>) src(%dma_wait3A_85 : memref<42x128xi32, #tpu.memory_space<hbm>>) dst(%arg7 : memref<42x128xi32, #tpu.memory_space<vmem>>)
      tpu.yield
    }) : () -> ()
    %run_scoped3A_44 = arith.constant 1 : i32
    "tpu.region"() ({
      %run_scoped3A_70 = tpu.sem_alloc : memref<!tpu.dma_semaphore, #tpu.memory_space<semaphore_mem>>
      %dma_start3A = arith.constant 0 : i32
      %dma_start3A_71 = arith.constant 0 : i32
      %dma_start3A_72 = tpu.memref_slice %arg4[%add3A, %run_scoped3A_44, %dma_start3A, %dma_start3A_71] : memref<32x2x40x128xi32, #tpu.memory_space<hbm>> -> memref<1x1x40x128xi32, #tpu.memory_space<hbm>>
      %dma_start3A_73 = tpu.memref_squeeze %dma_start3A_72 : memref<1x1x40x128xi32, #tpu.memory_space<hbm>> -> memref<40x128xi32, #tpu.memory_space<hbm>>
      %dma_start3A_74 = arith.constant 0 : i32
      %dma_start3A_75 = arith.constant 0 : i32
      %dma_start3A_76 = tpu.memref_slice %arg4[%add3A, %run_scoped3A_44, %dma_start3A_74, %dma_start3A_75] : memref<32x2x40x128xi32, #tpu.memory_space<hbm>> -> memref<1x1x40x128xi32, #tpu.memory_space<hbm>>
      %dma_start3A_77 = tpu.memref_squeeze %dma_start3A_76 : memref<1x1x40x128xi32, #tpu.memory_space<hbm>> -> memref<40x128xi32, #tpu.memory_space<hbm>>
      tpu.enqueue_dma source(%dma_start3A_77 : memref<40x128xi32, #tpu.memory_space<hbm>>) target(%arg8 : memref<40x128xi32, #tpu.memory_space<vmem>>) target_semaphore(%run_scoped3A_70 : memref<!tpu.dma_semaphore, #tpu.memory_space<semaphore_mem>>)
      %dma_wait3A_78 = arith.constant 0 : i32
      %dma_wait3A_79 = arith.constant 0 : i32
      %dma_wait3A_80 = tpu.memref_slice %arg4[%add3A, %run_scoped3A_44, %dma_wait3A_78, %dma_wait3A_79] : memref<32x2x40x128xi32, #tpu.memory_space<hbm>> -> memref<1x1x40x128xi32, #tpu.memory_space<hbm>>
      %dma_wait3A_81 = tpu.memref_squeeze %dma_wait3A_80 : memref<1x1x40x128xi32, #tpu.memory_space<hbm>> -> memref<40x128xi32, #tpu.memory_space<hbm>>
      %dma_wait3A_82 = arith.constant 0 : i32
      %dma_wait3A_83 = arith.constant 0 : i32
      %dma_wait3A_84 = tpu.memref_slice %arg4[%add3A, %run_scoped3A_44, %dma_wait3A_82, %dma_wait3A_83] : memref<32x2x40x128xi32, #tpu.memory_space<hbm>> -> memref<1x1x40x128xi32, #tpu.memory_space<hbm>>
      %dma_wait3A_85 = tpu.memref_squeeze %dma_wait3A_84 : memref<1x1x40x128xi32, #tpu.memory_space<hbm>> -> memref<40x128xi32, #tpu.memory_space<hbm>>
      tpu.wait_dma2 semaphore(%run_scoped3A_70 : memref<!tpu.dma_semaphore, #tpu.memory_space<semaphore_mem>>) src(%dma_wait3A_85 : memref<40x128xi32, #tpu.memory_space<hbm>>) dst(%arg8 : memref<40x128xi32, #tpu.memory_space<vmem>>)
      tpu.yield
    }) : () -> ()
    %scan3A_45 = arith.constant 0 : i32
    %scan3A_46 = arith.constant 0 : i32
    %scan3A_47 = arith.constant 20 : i32
    %scan3A_48 = arith.addi %scan3A_46, %scan3A_47 : i32
    %scan3A_49 = arith.constant 1 : i32
    scf.for %scan3A_70 = %scan3A_46 to %scan3A_48 step %scan3A_49  : i32 {
      %mul3A_71 = arith.constant 2 : i32
      %mul3A_72 = arith.muli %mul3A_71, %scan3A_70 : i32
      %gt3A = arith.constant 0 : i32
      %gt3A_73 = arith.cmpi sgt, %scan3A_70, %gt3A : i32
      %convert_element_type3A = arith.extui %gt3A_73 : i1 to i32
      %cond3A = arith.constant 0 : i32
      %cond3A_74 = arith.cmpi ne, %convert_element_type3A, %cond3A : i32
      scf.if %cond3A_74 {
        %dma_wait3A_135 = arith.constant 0 : i32
        %dma_wait3A_136 = arith.constant 0 : i32
        %dma_wait3A_137 = tpu.memref_slice %arg8[%dma_wait3A_135, %dma_wait3A_136] : memref<40x128xi32, #tpu.memory_space<vmem>> -> memref<1x128xi32, #tpu.memory_space<vmem>>
        %dma_wait3A_138 = tpu.memref_squeeze %dma_wait3A_137 : memref<1x128xi32, #tpu.memory_space<vmem>> -> memref<128xi32, #tpu.memory_space<vmem>>
        %dma_wait3A_139 = arith.constant 0 : i32
        %dma_wait3A_140 = arith.constant 0 : i32
        %dma_wait3A_141 = tpu.memref_slice %arg11[%dma_wait3A_139, %dma_wait3A_140] : memref<10240x128xf32, #tpu.memory_space<vmem_shared>> -> memref<10240x128xf32, #tpu.memory_space<vmem_shared>>
        tpu.wait_indirect_dma semaphore(%arg13 : memref<!tpu.dma_semaphore, #tpu.memory_space<semaphore_mem>>) src(%arg9 : memref<128x128xf32, #tpu.memory_space<vmem>>) dst(%dma_wait3A_141 : memref<10240x128xf32, #tpu.memory_space<vmem_shared>>)
      } else {
      }
      %dma_start3A = arith.constant 0 : i32
      %dma_start3A_75 = tpu.memref_slice %arg7[%mul3A_72, %dma_start3A] : memref<42x128xi32, #tpu.memory_space<vmem>> -> memref<1x128xi32, #tpu.memory_space<vmem>>
      %dma_start3A_76 = tpu.memref_squeeze %dma_start3A_75 : memref<1x128xi32, #tpu.memory_space<vmem>> -> memref<128xi32, #tpu.memory_space<vmem>>
      %dma_start3A_77 = arith.constant 0 : i32
      %dma_start3A_78 = arith.constant 0 : i32
      %dma_start3A_79 = tpu.memref_slice %arg2[%add3A_19, %dma_start3A_77, %dma_start3A_78] : memref<8x10240x128xf32, #tpu.memory_space<hbm>> -> memref<1x10240x128xf32, #tpu.memory_space<hbm>>
      %dma_start3A_80 = tpu.memref_squeeze %dma_start3A_79 : memref<1x10240x128xf32, #tpu.memory_space<hbm>> -> memref<10240x128xf32, #tpu.memory_space<hbm>>
      %dma_start3A_81 = arith.constant 0 : i32
      %dma_start3A_82 = arith.constant 0 : i32
      %dma_start3A_83 = tpu.memref_slice %dma_start3A_80[%dma_start3A_81, %dma_start3A_82] : memref<10240x128xf32, #tpu.memory_space<hbm>> -> memref<10240x128xf32, #tpu.memory_space<hbm>>
      tpu.enqueue_indirect_dma source(%dma_start3A_83 : memref<10240x128xf32, #tpu.memory_space<hbm>>) target(%arg9 : memref<128x128xf32, #tpu.memory_space<vmem>>) offsets(%dma_start3A_76 : memref<128xi32, #tpu.memory_space<vmem>>) semaphore(%arg12 : memref<!tpu.dma_semaphore, #tpu.memory_space<semaphore_mem>>)
      %dma_wait3A_84 = arith.constant 0 : i32
      %dma_wait3A_85 = tpu.memref_slice %arg7[%mul3A_72, %dma_wait3A_84] : memref<42x128xi32, #tpu.memory_space<vmem>> -> memref<1x128xi32, #tpu.memory_space<vmem>>
      %dma_wait3A_86 = tpu.memref_squeeze %dma_wait3A_85 : memref<1x128xi32, #tpu.memory_space<vmem>> -> memref<128xi32, #tpu.memory_space<vmem>>
      %dma_wait3A_87 = arith.constant 0 : i32
      %dma_wait3A_88 = arith.constant 0 : i32
      %dma_wait3A_89 = tpu.memref_slice %arg2[%add3A_19, %dma_wait3A_87, %dma_wait3A_88] : memref<8x10240x128xf32, #tpu.memory_space<hbm>> -> memref<1x10240x128xf32, #tpu.memory_space<hbm>>
      %dma_wait3A_90 = tpu.memref_squeeze %dma_wait3A_89 : memref<1x10240x128xf32, #tpu.memory_space<hbm>> -> memref<10240x128xf32, #tpu.memory_space<hbm>>
      %dma_wait3A_91 = arith.constant 0 : i32
      %dma_wait3A_92 = arith.constant 0 : i32
      %dma_wait3A_93 = tpu.memref_slice %dma_wait3A_90[%dma_wait3A_91, %dma_wait3A_92] : memref<10240x128xf32, #tpu.memory_space<hbm>> -> memref<10240x128xf32, #tpu.memory_space<hbm>>
      tpu.wait_indirect_dma semaphore(%arg12 : memref<!tpu.dma_semaphore, #tpu.memory_space<semaphore_mem>>) src(%dma_wait3A_93 : memref<10240x128xf32, #tpu.memory_space<hbm>>) dst(%arg9 : memref<128x128xf32, #tpu.memory_space<vmem>>)
      %dma_start3A_94 = arith.constant 0 : i32
      %dma_start3A_95 = tpu.memref_slice %arg8[%mul3A_72, %dma_start3A_94] : memref<40x128xi32, #tpu.memory_space<vmem>> -> memref<1x128xi32, #tpu.memory_space<vmem>>
      %dma_start3A_96 = tpu.memref_squeeze %dma_start3A_95 : memref<1x128xi32, #tpu.memory_space<vmem>> -> memref<128xi32, #tpu.memory_space<vmem>>
      %dma_start3A_97 = arith.constant 0 : i32
      %dma_start3A_98 = arith.constant 0 : i32
      %dma_start3A_99 = tpu.memref_slice %arg11[%dma_start3A_97, %dma_start3A_98] : memref<10240x128xf32, #tpu.memory_space<vmem_shared>> -> memref<10240x128xf32, #tpu.memory_space<vmem_shared>>
      tpu.enqueue_indirect_dma source(%arg9 : memref<128x128xf32, #tpu.memory_space<vmem>>) target(%dma_start3A_99 : memref<10240x128xf32, #tpu.memory_space<vmem_shared>>) offsets(%dma_start3A_96 : memref<128xi32, #tpu.memory_space<vmem>>) semaphore(%arg13 : memref<!tpu.dma_semaphore, #tpu.memory_space<semaphore_mem>>) {add = true}
      %gt3A_100 = arith.constant 0 : i32
      %gt3A_101 = arith.cmpi sgt, %scan3A_70, %gt3A_100 : i32
      %convert_element_type3A_102 = arith.extui %gt3A_101 : i1 to i32
      %cond3A_103 = arith.constant 0 : i32
      %cond3A_104 = arith.cmpi ne, %convert_element_type3A_102, %cond3A_103 : i32
      scf.if %cond3A_104 {
        %dma_wait3A_135 = arith.constant 0 : i32
        %dma_wait3A_136 = arith.constant 0 : i32
        %dma_wait3A_137 = tpu.memref_slice %arg8[%dma_wait3A_135, %dma_wait3A_136] : memref<40x128xi32, #tpu.memory_space<vmem>> -> memref<1x128xi32, #tpu.memory_space<vmem>>
        %dma_wait3A_138 = tpu.memref_squeeze %dma_wait3A_137 : memref<1x128xi32, #tpu.memory_space<vmem>> -> memref<128xi32, #tpu.memory_space<vmem>>
        %dma_wait3A_139 = arith.constant 0 : i32
        %dma_wait3A_140 = arith.constant 0 : i32
        %dma_wait3A_141 = tpu.memref_slice %arg11[%dma_wait3A_139, %dma_wait3A_140] : memref<10240x128xf32, #tpu.memory_space<vmem_shared>> -> memref<10240x128xf32, #tpu.memory_space<vmem_shared>>
        tpu.wait_indirect_dma semaphore(%arg13 : memref<!tpu.dma_semaphore, #tpu.memory_space<semaphore_mem>>) src(%arg10 : memref<128x128xf32, #tpu.memory_space<vmem>>) dst(%dma_wait3A_141 : memref<10240x128xf32, #tpu.memory_space<vmem_shared>>)
      } else {
      }
      %add3A_105 = arith.constant 1 : i32
      %add3A_106 = arith.addi %mul3A_72, %add3A_105 : i32
      %dma_start3A_107 = arith.constant 0 : i32
      %dma_start3A_108 = tpu.memref_slice %arg7[%add3A_106, %dma_start3A_107] : memref<42x128xi32, #tpu.memory_space<vmem>> -> memref<1x128xi32, #tpu.memory_space<vmem>>
      %dma_start3A_109 = tpu.memref_squeeze %dma_start3A_108 : memref<1x128xi32, #tpu.memory_space<vmem>> -> memref<128xi32, #tpu.memory_space<vmem>>
      %dma_start3A_110 = arith.constant 0 : i32
      %dma_start3A_111 = arith.constant 0 : i32
      %dma_start3A_112 = tpu.memref_slice %arg2[%add3A_19, %dma_start3A_110, %dma_start3A_111] : memref<8x10240x128xf32, #tpu.memory_space<hbm>> -> memref<1x10240x128xf32, #tpu.memory_space<hbm>>
      %dma_start3A_113 = tpu.memref_squeeze %dma_start3A_112 : memref<1x10240x128xf32, #tpu.memory_space<hbm>> -> memref<10240x128xf32, #tpu.memory_space<hbm>>
      %dma_start3A_114 = arith.constant 0 : i32
      %dma_start3A_115 = arith.constant 0 : i32
      %dma_start3A_116 = tpu.memref_slice %dma_start3A_113[%dma_start3A_114, %dma_start3A_115] : memref<10240x128xf32, #tpu.memory_space<hbm>> -> memref<10240x128xf32, #tpu.memory_space<hbm>>
      tpu.enqueue_indirect_dma source(%dma_start3A_116 : memref<10240x128xf32, #tpu.memory_space<hbm>>) target(%arg10 : memref<128x128xf32, #tpu.memory_space<vmem>>) offsets(%dma_start3A_109 : memref<128xi32, #tpu.memory_space<vmem>>) semaphore(%arg12 : memref<!tpu.dma_semaphore, #tpu.memory_space<semaphore_mem>>)
      %dma_wait3A_117 = arith.constant 0 : i32
      %dma_wait3A_118 = tpu.memref_slice %arg7[%add3A_106, %dma_wait3A_117] : memref<42x128xi32, #tpu.memory_space<vmem>> -> memref<1x128xi32, #tpu.memory_space<vmem>>
      %dma_wait3A_119 = tpu.memref_squeeze %dma_wait3A_118 : memref<1x128xi32, #tpu.memory_space<vmem>> -> memref<128xi32, #tpu.memory_space<vmem>>
      %dma_wait3A_120 = arith.constant 0 : i32
      %dma_wait3A_121 = arith.constant 0 : i32
      %dma_wait3A_122 = tpu.memref_slice %arg2[%add3A_19, %dma_wait3A_120, %dma_wait3A_121] : memref<8x10240x128xf32, #tpu.memory_space<hbm>> -> memref<1x10240x128xf32, #tpu.memory_space<hbm>>
      %dma_wait3A_123 = tpu.memref_squeeze %dma_wait3A_122 : memref<1x10240x128xf32, #tpu.memory_space<hbm>> -> memref<10240x128xf32, #tpu.memory_space<hbm>>
      %dma_wait3A_124 = arith.constant 0 : i32
      %dma_wait3A_125 = arith.constant 0 : i32
      %dma_wait3A_126 = tpu.memref_slice %dma_wait3A_123[%dma_wait3A_124, %dma_wait3A_125] : memref<10240x128xf32, #tpu.memory_space<hbm>> -> memref<10240x128xf32, #tpu.memory_space<hbm>>
      tpu.wait_indirect_dma semaphore(%arg12 : memref<!tpu.dma_semaphore, #tpu.memory_space<semaphore_mem>>) src(%dma_wait3A_126 : memref<10240x128xf32, #tpu.memory_space<hbm>>) dst(%arg10 : memref<128x128xf32, #tpu.memory_space<vmem>>)
      %add3A_127 = arith.constant 1 : i32
      %add3A_128 = arith.addi %mul3A_72, %add3A_127 : i32
      %dma_start3A_129 = arith.constant 0 : i32
      %dma_start3A_130 = tpu.memref_slice %arg8[%add3A_128, %dma_start3A_129] : memref<40x128xi32, #tpu.memory_space<vmem>> -> memref<1x128xi32, #tpu.memory_space<vmem>>
      %dma_start3A_131 = tpu.memref_squeeze %dma_start3A_130 : memref<1x128xi32, #tpu.memory_space<vmem>> -> memref<128xi32, #tpu.memory_space<vmem>>
      %dma_start3A_132 = arith.constant 0 : i32
      %dma_start3A_133 = arith.constant 0 : i32
      %dma_start3A_134 = tpu.memref_slice %arg11[%dma_start3A_132, %dma_start3A_133] : memref<10240x128xf32, #tpu.memory_space<vmem_shared>> -> memref<10240x128xf32, #tpu.memory_space<vmem_shared>>
      tpu.enqueue_indirect_dma source(%arg10 : memref<128x128xf32, #tpu.memory_space<vmem>>) target(%dma_start3A_134 : memref<10240x128xf32, #tpu.memory_space<vmem_shared>>) offsets(%dma_start3A_131 : memref<128xi32, #tpu.memory_space<vmem>>) semaphore(%arg13 : memref<!tpu.dma_semaphore, #tpu.memory_space<semaphore_mem>>) {add = true}
    }
    %scan3A_50 = arith.constant 20 : i32
    %dma_wait3A_51 = arith.constant 0 : i32
    %dma_wait3A_52 = arith.constant 0 : i32
    %dma_wait3A_53 = tpu.memref_slice %arg8[%dma_wait3A_51, %dma_wait3A_52] : memref<40x128xi32, #tpu.memory_space<vmem>> -> memref<1x128xi32, #tpu.memory_space<vmem>>
    %dma_wait3A_54 = tpu.memref_squeeze %dma_wait3A_53 : memref<1x128xi32, #tpu.memory_space<vmem>> -> memref<128xi32, #tpu.memory_space<vmem>>
    %dma_wait3A_55 = arith.constant 0 : i32
    %dma_wait3A_56 = arith.constant 0 : i32
    %dma_wait3A_57 = tpu.memref_slice %arg11[%dma_wait3A_55, %dma_wait3A_56] : memref<10240x128xf32, #tpu.memory_space<vmem_shared>> -> memref<10240x128xf32, #tpu.memory_space<vmem_shared>>
    tpu.wait_indirect_dma semaphore(%arg13 : memref<!tpu.dma_semaphore, #tpu.memory_space<semaphore_mem>>) src(%arg9 : memref<128x128xf32, #tpu.memory_space<vmem>>) dst(%dma_wait3A_57 : memref<10240x128xf32, #tpu.memory_space<vmem_shared>>)
    %dma_wait3A_58 = arith.constant 0 : i32
    %dma_wait3A_59 = arith.constant 0 : i32
    %dma_wait3A_60 = tpu.memref_slice %arg8[%dma_wait3A_58, %dma_wait3A_59] : memref<40x128xi32, #tpu.memory_space<vmem>> -> memref<1x128xi32, #tpu.memory_space<vmem>>
    %dma_wait3A_61 = tpu.memref_squeeze %dma_wait3A_60 : memref<1x128xi32, #tpu.memory_space<vmem>> -> memref<128xi32, #tpu.memory_space<vmem>>
    %dma_wait3A_62 = arith.constant 0 : i32
    %dma_wait3A_63 = arith.constant 0 : i32
    %dma_wait3A_64 = tpu.memref_slice %arg11[%dma_wait3A_62, %dma_wait3A_63] : memref<10240x128xf32, #tpu.memory_space<vmem_shared>> -> memref<10240x128xf32, #tpu.memory_space<vmem_shared>>
    tpu.wait_indirect_dma semaphore(%arg13 : memref<!tpu.dma_semaphore, #tpu.memory_space<semaphore_mem>>) src(%arg10 : memref<128x128xf32, #tpu.memory_space<vmem>>) dst(%dma_wait3A_64 : memref<10240x128xf32, #tpu.memory_space<vmem_shared>>)
    %barrier3A_65 = arith.constant 0 : index
    tpu.barrier barrier_id(%barrier3A_65)
    %mul3A_66 = arith.constant 640 : i32
    %mul3A_67 = arith.muli %arg1, %mul3A_66 : i32
    %mul3A_68 = arith.constant 640 : i32
    %mul3A_69 = arith.muli %arg1, %mul3A_68 : i32
    "tpu.region"() ({
      %run_scoped3A_70 = tpu.sem_alloc : memref<!tpu.dma_semaphore, #tpu.memory_space<semaphore_mem>>
      %dma_start3A = arith.constant 0 : i32
      %dma_start3A_71 = tpu.memref_slice %arg6[%arg0, %mul3A_69, %dma_start3A] : memref<2x10240x128xf32, #tpu.memory_space<hbm>> -> memref<1x640x128xf32, #tpu.memory_space<hbm>>
      %dma_start3A_72 = tpu.memref_squeeze %dma_start3A_71 : memref<1x640x128xf32, #tpu.memory_space<hbm>> -> memref<640x128xf32, #tpu.memory_space<hbm>>
      %dma_start3A_73 = arith.constant 0 : i32
      %dma_start3A_74 = tpu.memref_slice %arg11[%mul3A_67, %dma_start3A_73] : memref<10240x128xf32, #tpu.memory_space<vmem_shared>> -> memref<640x128xf32, #tpu.memory_space<vmem_shared>>
      tpu.enqueue_dma source(%dma_start3A_74 : memref<640x128xf32, #tpu.memory_space<vmem_shared>>) target(%dma_start3A_72 : memref<640x128xf32, #tpu.memory_space<hbm>>) target_semaphore(%run_scoped3A_70 : memref<!tpu.dma_semaphore, #tpu.memory_space<semaphore_mem>>)
      %dma_wait3A_75 = arith.constant 0 : i32
      %dma_wait3A_76 = tpu.memref_slice %arg6[%arg0, %mul3A_69, %dma_wait3A_75] : memref<2x10240x128xf32, #tpu.memory_space<hbm>> -> memref<1x640x128xf32, #tpu.memory_space<hbm>>
      %dma_wait3A_77 = tpu.memref_squeeze %dma_wait3A_76 : memref<1x640x128xf32, #tpu.memory_space<hbm>> -> memref<640x128xf32, #tpu.memory_space<hbm>>
      %dma_wait3A_78 = arith.constant 0 : i32
      %dma_wait3A_79 = tpu.memref_slice %arg11[%mul3A_67, %dma_wait3A_78] : memref<10240x128xf32, #tpu.memory_space<vmem_shared>> -> memref<640x128xf32, #tpu.memory_space<vmem_shared>>
      tpu.wait_dma2 semaphore(%run_scoped3A_70 : memref<!tpu.dma_semaphore, #tpu.memory_space<semaphore_mem>>) src(%dma_wait3A_79 : memref<640x128xf32, #tpu.memory_space<vmem_shared>>) dst(%dma_wait3A_77 : memref<640x128xf32, #tpu.memory_space<hbm>>)
      tpu.yield
    }) : () -> ()
    return
  }
}

#map = affine_map<(d0, d1) -> (0, 0, 0)>
#map1 = affine_map<(d0, d1) -> (0, 0, 0, 0)>
#map2 = affine_map<(d0, d1) -> (0, 0)>
module attributes {stable_mosaic.version = 14 : i64} {
  func.func @_agg_kernel(%arg0: i32, %arg1: i32, %arg2: memref<8x10240x128xf32, #tpu.memory_space<hbm>>, %arg3: memref<32x2x42x128xi32, #tpu.memory_space<hbm>>, %arg4: memref<32x2x40x128xi32, #tpu.memory_space<hbm>>, %arg5: memref<10240x128xf32, #tpu.memory_space<hbm>>, %arg6: memref<2x10240x128xf32, #tpu.memory_space<hbm>>, %arg7: memref<42x128xi32, #tpu.memory_space<vmem>>, %arg8: memref<40x128xi32, #tpu.memory_space<vmem>>, %arg9: memref<128x128xf32, #tpu.memory_space<vmem>>, %arg10: memref<128x128xf32, #tpu.memory_space<vmem>>, %arg11: memref<10240x128xf32, #tpu.memory_space<vmem_shared>>, %arg12: memref<!tpu.dma_semaphore, #tpu.memory_space<semaphore_mem>>, %arg13: memref<!tpu.dma_semaphore, #tpu.memory_space<semaphore_mem>>) attributes {dimension_semantics = [#tpu.dimension_semantics<core_parallel>, #tpu.dimension_semantics<subcore_parallel>], iteration_bounds = array<i64: 2, 16>, scalar_prefetch = 0 : i64, scratch_operands = 7 : i64, tpu.core_type = #tpu.core_type<sc_vector_subcore>, window_params = [{transform_indices = #map}, {transform_indices = #map1}, {transform_indices = #map1}, {transform_indices = #map2}, {transform_indices = #map}]} {
    %mul3A = arith.constant 16 : i32
    %mul3A_0 = arith.muli %arg0, %mul3A : i32
    %add3A = arith.addi %mul3A_0, %arg1 : i32
    %mul3A_1 = arith.constant 4 : i32
    %mul3A_2 = arith.muli %arg0, %mul3A_1 : i32
    %jit3A = arith.constant 4 : i32
    %div3A = arith.divsi %arg1, %jit3A : i32
    %sign3A = arith.constant 0 : i32
    %sign3A_3 = arith.cmpi sgt, %arg1, %sign3A : i32
    %sign3A_4 = arith.extui %sign3A_3 : i1 to i32
    %sign3A_5 = arith.constant 0 : i32
    %sign3A_6 = arith.cmpi slt, %arg1, %sign3A_5 : i32
    %sign3A_7 = arith.extui %sign3A_6 : i1 to i32
    %sign3A_8 = arith.subi %sign3A_4, %sign3A_7 : i32
    %sign3A_9 = arith.constant 0 : i32
    %sign3A_10 = arith.cmpi sgt, %jit3A, %sign3A_9 : i32
    %sign3A_11 = arith.extui %sign3A_10 : i1 to i32
    %sign3A_12 = arith.constant 0 : i32
    %sign3A_13 = arith.cmpi slt, %jit3A, %sign3A_12 : i32
    %sign3A_14 = arith.extui %sign3A_13 : i1 to i32
    %sign3A_15 = arith.subi %sign3A_11, %sign3A_14 : i32
    %ne3A = arith.cmpi ne, %sign3A_8, %sign3A_15 : i32
    %rem3A = arith.remsi %arg1, %jit3A : i32
    %ne3A_16 = arith.constant 0 : i32
    %ne3A_17 = arith.cmpi ne, %rem3A, %ne3A_16 : i32
    %and3A = arith.andi %ne3A, %ne3A_17 : i1
    %sub3A = arith.constant 1 : i32
    %sub3A_18 = arith.subi %div3A, %sub3A : i32
    %select_n3A = arith.select %and3A, %sub3A_18, %div3A : i32
    %add3A_19 = arith.addi %mul3A_2, %select_n3A : i32
    %mul3A_20 = arith.constant 640 : i32
    %mul3A_21 = arith.muli %arg1, %mul3A_20 : i32
    %mul3A_22 = arith.constant 640 : i32
    %mul3A_23 = arith.muli %arg1, %mul3A_22 : i32
    "tpu.region"() ({
      %run_scoped3A_70 = tpu.sem_alloc : memref<!tpu.dma_semaphore, #tpu.memory_space<semaphore_mem>>
      %dma_start3A = arith.constant 0 : i32
      %dma_start3A_71 = tpu.memref_slice %arg11[%mul3A_23, %dma_start3A] : memref<10240x128xf32, #tpu.memory_space<vmem_shared>> -> memref<640x128xf32, #tpu.memory_space<vmem_shared>>
      %dma_start3A_72 = arith.constant 0 : i32
      %dma_start3A_73 = tpu.memref_slice %arg5[%mul3A_21, %dma_start3A_72] : memref<10240x128xf32, #tpu.memory_space<hbm>> -> memref<640x128xf32, #tpu.memory_space<hbm>>
      tpu.enqueue_dma source(%dma_start3A_73 : memref<640x128xf32, #tpu.memory_space<hbm>>) target(%dma_start3A_71 : memref<640x128xf32, #tpu.memory_space<vmem_shared>>) target_semaphore(%run_scoped3A_70 : memref<!tpu.dma_semaphore, #tpu.memory_space<semaphore_mem>>)
      %dma_wait3A_74 = arith.constant 0 : i32
      %dma_wait3A_75 = tpu.memref_slice %arg11[%mul3A_23, %dma_wait3A_74] : memref<10240x128xf32, #tpu.memory_space<vmem_shared>> -> memref<640x128xf32, #tpu.memory_space<vmem_shared>>
      %dma_wait3A_76 = arith.constant 0 : i32
      %dma_wait3A_77 = tpu.memref_slice %arg5[%mul3A_21, %dma_wait3A_76] : memref<10240x128xf32, #tpu.memory_space<hbm>> -> memref<640x128xf32, #tpu.memory_space<hbm>>
      tpu.wait_dma2 semaphore(%run_scoped3A_70 : memref<!tpu.dma_semaphore, #tpu.memory_space<semaphore_mem>>) src(%dma_wait3A_77 : memref<640x128xf32, #tpu.memory_space<hbm>>) dst(%dma_wait3A_75 : memref<640x128xf32, #tpu.memory_space<vmem_shared>>)
      tpu.yield
    }) : () -> ()
    %barrier3A = arith.constant 0 : index
    tpu.barrier barrier_id(%barrier3A)
    %run_scoped3A = arith.constant 0 : i32
    "tpu.region"() ({
      %run_scoped3A_70 = tpu.sem_alloc : memref<!tpu.dma_semaphore, #tpu.memory_space<semaphore_mem>>
      %dma_start3A = arith.constant 0 : i32
      %dma_start3A_71 = arith.constant 0 : i32
      %dma_start3A_72 = tpu.memref_slice %arg3[%add3A, %run_scoped3A, %dma_start3A, %dma_start3A_71] : memref<32x2x42x128xi32, #tpu.memory_space<hbm>> -> memref<1x1x42x128xi32, #tpu.memory_space<hbm>>
      %dma_start3A_73 = tpu.memref_squeeze %dma_start3A_72 : memref<1x1x42x128xi32, #tpu.memory_space<hbm>> -> memref<42x128xi32, #tpu.memory_space<hbm>>
      %dma_start3A_74 = arith.constant 0 : i32
      %dma_start3A_75 = arith.constant 0 : i32
      %dma_start3A_76 = tpu.memref_slice %arg3[%add3A, %run_scoped3A, %dma_start3A_74, %dma_start3A_75] : memref<32x2x42x128xi32, #tpu.memory_space<hbm>> -> memref<1x1x42x128xi32, #tpu.memory_space<hbm>>
      %dma_start3A_77 = tpu.memref_squeeze %dma_start3A_76 : memref<1x1x42x128xi32, #tpu.memory_space<hbm>> -> memref<42x128xi32, #tpu.memory_space<hbm>>
      tpu.enqueue_dma source(%dma_start3A_77 : memref<42x128xi32, #tpu.memory_space<hbm>>) target(%arg7 : memref<42x128xi32, #tpu.memory_space<vmem>>) target_semaphore(%run_scoped3A_70 : memref<!tpu.dma_semaphore, #tpu.memory_space<semaphore_mem>>)
      %dma_wait3A_78 = arith.constant 0 : i32
      %dma_wait3A_79 = arith.constant 0 : i32
      %dma_wait3A_80 = tpu.memref_slice %arg3[%add3A, %run_scoped3A, %dma_wait3A_78, %dma_wait3A_79] : memref<32x2x42x128xi32, #tpu.memory_space<hbm>> -> memref<1x1x42x128xi32, #tpu.memory_space<hbm>>
      %dma_wait3A_81 = tpu.memref_squeeze %dma_wait3A_80 : memref<1x1x42x128xi32, #tpu.memory_space<hbm>> -> memref<42x128xi32, #tpu.memory_space<hbm>>
      %dma_wait3A_82 = arith.constant 0 : i32
      %dma_wait3A_83 = arith.constant 0 : i32
      %dma_wait3A_84 = tpu.memref_slice %arg3[%add3A, %run_scoped3A, %dma_wait3A_82, %dma_wait3A_83] : memref<32x2x42x128xi32, #tpu.memory_space<hbm>> -> memref<1x1x42x128xi32, #tpu.memory_space<hbm>>
      %dma_wait3A_85 = tpu.memref_squeeze %dma_wait3A_84 : memref<1x1x42x128xi32, #tpu.memory_space<hbm>> -> memref<42x128xi32, #tpu.memory_space<hbm>>
      tpu.wait_dma2 semaphore(%run_scoped3A_70 : memref<!tpu.dma_semaphore, #tpu.memory_space<semaphore_mem>>) src(%dma_wait3A_85 : memref<42x128xi32, #tpu.memory_space<hbm>>) dst(%arg7 : memref<42x128xi32, #tpu.memory_space<vmem>>)
      tpu.yield
    }) : () -> ()
    %run_scoped3A_24 = arith.constant 0 : i32
    "tpu.region"() ({
      %run_scoped3A_70 = tpu.sem_alloc : memref<!tpu.dma_semaphore, #tpu.memory_space<semaphore_mem>>
      %dma_start3A = arith.constant 0 : i32
      %dma_start3A_71 = arith.constant 0 : i32
      %dma_start3A_72 = tpu.memref_slice %arg4[%add3A, %run_scoped3A_24, %dma_start3A, %dma_start3A_71] : memref<32x2x40x128xi32, #tpu.memory_space<hbm>> -> memref<1x1x40x128xi32, #tpu.memory_space<hbm>>
      %dma_start3A_73 = tpu.memref_squeeze %dma_start3A_72 : memref<1x1x40x128xi32, #tpu.memory_space<hbm>> -> memref<40x128xi32, #tpu.memory_space<hbm>>
      %dma_start3A_74 = arith.constant 0 : i32
      %dma_start3A_75 = arith.constant 0 : i32
      %dma_start3A_76 = tpu.memref_slice %arg4[%add3A, %run_scoped3A_24, %dma_start3A_74, %dma_start3A_75] : memref<32x2x40x128xi32, #tpu.memory_space<hbm>> -> memref<1x1x40x128xi32, #tpu.memory_space<hbm>>
      %dma_start3A_77 = tpu.memref_squeeze %dma_start3A_76 : memref<1x1x40x128xi32, #tpu.memory_space<hbm>> -> memref<40x128xi32, #tpu.memory_space<hbm>>
      tpu.enqueue_dma source(%dma_start3A_77 : memref<40x128xi32, #tpu.memory_space<hbm>>) target(%arg8 : memref<40x128xi32, #tpu.memory_space<vmem>>) target_semaphore(%run_scoped3A_70 : memref<!tpu.dma_semaphore, #tpu.memory_space<semaphore_mem>>)
      %dma_wait3A_78 = arith.constant 0 : i32
      %dma_wait3A_79 = arith.constant 0 : i32
      %dma_wait3A_80 = tpu.memref_slice %arg4[%add3A, %run_scoped3A_24, %dma_wait3A_78, %dma_wait3A_79] : memref<32x2x40x128xi32, #tpu.memory_space<hbm>> -> memref<1x1x40x128xi32, #tpu.memory_space<hbm>>
      %dma_wait3A_81 = tpu.memref_squeeze %dma_wait3A_80 : memref<1x1x40x128xi32, #tpu.memory_space<hbm>> -> memref<40x128xi32, #tpu.memory_space<hbm>>
      %dma_wait3A_82 = arith.constant 0 : i32
      %dma_wait3A_83 = arith.constant 0 : i32
      %dma_wait3A_84 = tpu.memref_slice %arg4[%add3A, %run_scoped3A_24, %dma_wait3A_82, %dma_wait3A_83] : memref<32x2x40x128xi32, #tpu.memory_space<hbm>> -> memref<1x1x40x128xi32, #tpu.memory_space<hbm>>
      %dma_wait3A_85 = tpu.memref_squeeze %dma_wait3A_84 : memref<1x1x40x128xi32, #tpu.memory_space<hbm>> -> memref<40x128xi32, #tpu.memory_space<hbm>>
      tpu.wait_dma2 semaphore(%run_scoped3A_70 : memref<!tpu.dma_semaphore, #tpu.memory_space<semaphore_mem>>) src(%dma_wait3A_85 : memref<40x128xi32, #tpu.memory_space<hbm>>) dst(%arg8 : memref<40x128xi32, #tpu.memory_space<vmem>>)
      tpu.yield
    }) : () -> ()
    %scan3A = arith.constant 0 : i32
    %scan3A_25 = arith.constant 0 : i32
    %scan3A_26 = arith.constant 20 : i32
    %scan3A_27 = arith.addi %scan3A_25, %scan3A_26 : i32
    %scan3A_28 = arith.constant 1 : i32
    scf.for %scan3A_70 = %scan3A_25 to %scan3A_27 step %scan3A_28  : i32 {
      %mul3A_71 = arith.constant 2 : i32
      %mul3A_72 = arith.muli %mul3A_71, %scan3A_70 : i32
      %gt3A = arith.constant 0 : i32
      %gt3A_73 = arith.cmpi sgt, %scan3A_70, %gt3A : i32
      %convert_element_type3A = arith.extui %gt3A_73 : i1 to i32
      %cond3A = arith.constant 0 : i32
      %cond3A_74 = arith.cmpi ne, %convert_element_type3A, %cond3A : i32
      scf.if %cond3A_74 {
        %dma_wait3A_135 = arith.constant 0 : i32
        %dma_wait3A_136 = arith.constant 0 : i32
        %dma_wait3A_137 = tpu.memref_slice %arg8[%dma_wait3A_135, %dma_wait3A_136] : memref<40x128xi32, #tpu.memory_space<vmem>> -> memref<1x128xi32, #tpu.memory_space<vmem>>
        %dma_wait3A_138 = tpu.memref_squeeze %dma_wait3A_137 : memref<1x128xi32, #tpu.memory_space<vmem>> -> memref<128xi32, #tpu.memory_space<vmem>>
        %dma_wait3A_139 = arith.constant 0 : i32
        %dma_wait3A_140 = arith.constant 0 : i32
        %dma_wait3A_141 = tpu.memref_slice %arg11[%dma_wait3A_139, %dma_wait3A_140] : memref<10240x128xf32, #tpu.memory_space<vmem_shared>> -> memref<10240x128xf32, #tpu.memory_space<vmem_shared>>
        tpu.wait_indirect_dma semaphore(%arg13 : memref<!tpu.dma_semaphore, #tpu.memory_space<semaphore_mem>>) src(%arg9 : memref<128x128xf32, #tpu.memory_space<vmem>>) dst(%dma_wait3A_141 : memref<10240x128xf32, #tpu.memory_space<vmem_shared>>)
      } else {
      }
      %dma_start3A = arith.constant 0 : i32
      %dma_start3A_75 = tpu.memref_slice %arg7[%mul3A_72, %dma_start3A] : memref<42x128xi32, #tpu.memory_space<vmem>> -> memref<1x128xi32, #tpu.memory_space<vmem>>
      %dma_start3A_76 = tpu.memref_squeeze %dma_start3A_75 : memref<1x128xi32, #tpu.memory_space<vmem>> -> memref<128xi32, #tpu.memory_space<vmem>>
      %dma_start3A_77 = arith.constant 0 : i32
      %dma_start3A_78 = arith.constant 0 : i32
      %dma_start3A_79 = tpu.memref_slice %arg2[%add3A_19, %dma_start3A_77, %dma_start3A_78] : memref<8x10240x128xf32, #tpu.memory_space<hbm>> -> memref<1x10240x128xf32, #tpu.memory_space<hbm>>
      %dma_start3A_80 = tpu.memref_squeeze %dma_start3A_79 : memref<1x10240x128xf32, #tpu.memory_space<hbm>> -> memref<10240x128xf32, #tpu.memory_space<hbm>>
      %dma_start3A_81 = arith.constant 0 : i32
      %dma_start3A_82 = arith.constant 0 : i32
      %dma_start3A_83 = tpu.memref_slice %dma_start3A_80[%dma_start3A_81, %dma_start3A_82] : memref<10240x128xf32, #tpu.memory_space<hbm>> -> memref<10240x128xf32, #tpu.memory_space<hbm>>
      tpu.enqueue_indirect_dma source(%dma_start3A_83 : memref<10240x128xf32, #tpu.memory_space<hbm>>) target(%arg9 : memref<128x128xf32, #tpu.memory_space<vmem>>) offsets(%dma_start3A_76 : memref<128xi32, #tpu.memory_space<vmem>>) semaphore(%arg12 : memref<!tpu.dma_semaphore, #tpu.memory_space<semaphore_mem>>)
      %dma_wait3A_84 = arith.constant 0 : i32
      %dma_wait3A_85 = tpu.memref_slice %arg7[%mul3A_72, %dma_wait3A_84] : memref<42x128xi32, #tpu.memory_space<vmem>> -> memref<1x128xi32, #tpu.memory_space<vmem>>
      %dma_wait3A_86 = tpu.memref_squeeze %dma_wait3A_85 : memref<1x128xi32, #tpu.memory_space<vmem>> -> memref<128xi32, #tpu.memory_space<vmem>>
      %dma_wait3A_87 = arith.constant 0 : i32
      %dma_wait3A_88 = arith.constant 0 : i32
      %dma_wait3A_89 = tpu.memref_slice %arg2[%add3A_19, %dma_wait3A_87, %dma_wait3A_88] : memref<8x10240x128xf32, #tpu.memory_space<hbm>> -> memref<1x10240x128xf32, #tpu.memory_space<hbm>>
      %dma_wait3A_90 = tpu.memref_squeeze %dma_wait3A_89 : memref<1x10240x128xf32, #tpu.memory_space<hbm>> -> memref<10240x128xf32, #tpu.memory_space<hbm>>
      %dma_wait3A_91 = arith.constant 0 : i32
      %dma_wait3A_92 = arith.constant 0 : i32
      %dma_wait3A_93 = tpu.memref_slice %dma_wait3A_90[%dma_wait3A_91, %dma_wait3A_92] : memref<10240x128xf32, #tpu.memory_space<hbm>> -> memref<10240x128xf32, #tpu.memory_space<hbm>>
      tpu.wait_indirect_dma semaphore(%arg12 : memref<!tpu.dma_semaphore, #tpu.memory_space<semaphore_mem>>) src(%dma_wait3A_93 : memref<10240x128xf32, #tpu.memory_space<hbm>>) dst(%arg9 : memref<128x128xf32, #tpu.memory_space<vmem>>)
      %dma_start3A_94 = arith.constant 0 : i32
      %dma_start3A_95 = tpu.memref_slice %arg8[%mul3A_72, %dma_start3A_94] : memref<40x128xi32, #tpu.memory_space<vmem>> -> memref<1x128xi32, #tpu.memory_space<vmem>>
      %dma_start3A_96 = tpu.memref_squeeze %dma_start3A_95 : memref<1x128xi32, #tpu.memory_space<vmem>> -> memref<128xi32, #tpu.memory_space<vmem>>
      %dma_start3A_97 = arith.constant 0 : i32
      %dma_start3A_98 = arith.constant 0 : i32
      %dma_start3A_99 = tpu.memref_slice %arg11[%dma_start3A_97, %dma_start3A_98] : memref<10240x128xf32, #tpu.memory_space<vmem_shared>> -> memref<10240x128xf32, #tpu.memory_space<vmem_shared>>
      tpu.enqueue_indirect_dma source(%arg9 : memref<128x128xf32, #tpu.memory_space<vmem>>) target(%dma_start3A_99 : memref<10240x128xf32, #tpu.memory_space<vmem_shared>>) offsets(%dma_start3A_96 : memref<128xi32, #tpu.memory_space<vmem>>) semaphore(%arg13 : memref<!tpu.dma_semaphore, #tpu.memory_space<semaphore_mem>>) {add = true}
      %gt3A_100 = arith.constant 0 : i32
      %gt3A_101 = arith.cmpi sgt, %scan3A_70, %gt3A_100 : i32
      %convert_element_type3A_102 = arith.extui %gt3A_101 : i1 to i32
      %cond3A_103 = arith.constant 0 : i32
      %cond3A_104 = arith.cmpi ne, %convert_element_type3A_102, %cond3A_103 : i32
      scf.if %cond3A_104 {
        %dma_wait3A_135 = arith.constant 0 : i32
        %dma_wait3A_136 = arith.constant 0 : i32
        %dma_wait3A_137 = tpu.memref_slice %arg8[%dma_wait3A_135, %dma_wait3A_136] : memref<40x128xi32, #tpu.memory_space<vmem>> -> memref<1x128xi32, #tpu.memory_space<vmem>>
        %dma_wait3A_138 = tpu.memref_squeeze %dma_wait3A_137 : memref<1x128xi32, #tpu.memory_space<vmem>> -> memref<128xi32, #tpu.memory_space<vmem>>
        %dma_wait3A_139 = arith.constant 0 : i32
        %dma_wait3A_140 = arith.constant 0 : i32
        %dma_wait3A_141 = tpu.memref_slice %arg11[%dma_wait3A_139, %dma_wait3A_140] : memref<10240x128xf32, #tpu.memory_space<vmem_shared>> -> memref<10240x128xf32, #tpu.memory_space<vmem_shared>>
        tpu.wait_indirect_dma semaphore(%arg13 : memref<!tpu.dma_semaphore, #tpu.memory_space<semaphore_mem>>) src(%arg10 : memref<128x128xf32, #tpu.memory_space<vmem>>) dst(%dma_wait3A_141 : memref<10240x128xf32, #tpu.memory_space<vmem_shared>>)
      } else {
      }
      %add3A_105 = arith.constant 1 : i32
      %add3A_106 = arith.addi %mul3A_72, %add3A_105 : i32
      %dma_start3A_107 = arith.constant 0 : i32
      %dma_start3A_108 = tpu.memref_slice %arg7[%add3A_106, %dma_start3A_107] : memref<42x128xi32, #tpu.memory_space<vmem>> -> memref<1x128xi32, #tpu.memory_space<vmem>>
      %dma_start3A_109 = tpu.memref_squeeze %dma_start3A_108 : memref<1x128xi32, #tpu.memory_space<vmem>> -> memref<128xi32, #tpu.memory_space<vmem>>
      %dma_start3A_110 = arith.constant 0 : i32
      %dma_start3A_111 = arith.constant 0 : i32
      %dma_start3A_112 = tpu.memref_slice %arg2[%add3A_19, %dma_start3A_110, %dma_start3A_111] : memref<8x10240x128xf32, #tpu.memory_space<hbm>> -> memref<1x10240x128xf32, #tpu.memory_space<hbm>>
      %dma_start3A_113 = tpu.memref_squeeze %dma_start3A_112 : memref<1x10240x128xf32, #tpu.memory_space<hbm>> -> memref<10240x128xf32, #tpu.memory_space<hbm>>
      %dma_start3A_114 = arith.constant 0 : i32
      %dma_start3A_115 = arith.constant 0 : i32
      %dma_start3A_116 = tpu.memref_slice %dma_start3A_113[%dma_start3A_114, %dma_start3A_115] : memref<10240x128xf32, #tpu.memory_space<hbm>> -> memref<10240x128xf32, #tpu.memory_space<hbm>>
      tpu.enqueue_indirect_dma source(%dma_start3A_116 : memref<10240x128xf32, #tpu.memory_space<hbm>>) target(%arg10 : memref<128x128xf32, #tpu.memory_space<vmem>>) offsets(%dma_start3A_109 : memref<128xi32, #tpu.memory_space<vmem>>) semaphore(%arg12 : memref<!tpu.dma_semaphore, #tpu.memory_space<semaphore_mem>>)
      %dma_wait3A_117 = arith.constant 0 : i32
      %dma_wait3A_118 = tpu.memref_slice %arg7[%add3A_106, %dma_wait3A_117] : memref<42x128xi32, #tpu.memory_space<vmem>> -> memref<1x128xi32, #tpu.memory_space<vmem>>
      %dma_wait3A_119 = tpu.memref_squeeze %dma_wait3A_118 : memref<1x128xi32, #tpu.memory_space<vmem>> -> memref<128xi32, #tpu.memory_space<vmem>>
      %dma_wait3A_120 = arith.constant 0 : i32
      %dma_wait3A_121 = arith.constant 0 : i32
      %dma_wait3A_122 = tpu.memref_slice %arg2[%add3A_19, %dma_wait3A_120, %dma_wait3A_121] : memref<8x10240x128xf32, #tpu.memory_space<hbm>> -> memref<1x10240x128xf32, #tpu.memory_space<hbm>>
      %dma_wait3A_123 = tpu.memref_squeeze %dma_wait3A_122 : memref<1x10240x128xf32, #tpu.memory_space<hbm>> -> memref<10240x128xf32, #tpu.memory_space<hbm>>
      %dma_wait3A_124 = arith.constant 0 : i32
      %dma_wait3A_125 = arith.constant 0 : i32
      %dma_wait3A_126 = tpu.memref_slice %dma_wait3A_123[%dma_wait3A_124, %dma_wait3A_125] : memref<10240x128xf32, #tpu.memory_space<hbm>> -> memref<10240x128xf32, #tpu.memory_space<hbm>>
      tpu.wait_indirect_dma semaphore(%arg12 : memref<!tpu.dma_semaphore, #tpu.memory_space<semaphore_mem>>) src(%dma_wait3A_126 : memref<10240x128xf32, #tpu.memory_space<hbm>>) dst(%arg10 : memref<128x128xf32, #tpu.memory_space<vmem>>)
      %add3A_127 = arith.constant 1 : i32
      %add3A_128 = arith.addi %mul3A_72, %add3A_127 : i32
      %dma_start3A_129 = arith.constant 0 : i32
      %dma_start3A_130 = tpu.memref_slice %arg8[%add3A_128, %dma_start3A_129] : memref<40x128xi32, #tpu.memory_space<vmem>> -> memref<1x128xi32, #tpu.memory_space<vmem>>
      %dma_start3A_131 = tpu.memref_squeeze %dma_start3A_130 : memref<1x128xi32, #tpu.memory_space<vmem>> -> memref<128xi32, #tpu.memory_space<vmem>>
      %dma_start3A_132 = arith.constant 0 : i32
      %dma_start3A_133 = arith.constant 0 : i32
      %dma_start3A_134 = tpu.memref_slice %arg11[%dma_start3A_132, %dma_start3A_133] : memref<10240x128xf32, #tpu.memory_space<vmem_shared>> -> memref<10240x128xf32, #tpu.memory_space<vmem_shared>>
      tpu.enqueue_indirect_dma source(%arg10 : memref<128x128xf32, #tpu.memory_space<vmem>>) target(%dma_start3A_134 : memref<10240x128xf32, #tpu.memory_space<vmem_shared>>) offsets(%dma_start3A_131 : memref<128xi32, #tpu.memory_space<vmem>>) semaphore(%arg13 : memref<!tpu.dma_semaphore, #tpu.memory_space<semaphore_mem>>) {add = true}
    }
    %scan3A_29 = arith.constant 20 : i32
    %dma_wait3A = arith.constant 0 : i32
    %dma_wait3A_30 = arith.constant 0 : i32
    %dma_wait3A_31 = tpu.memref_slice %arg8[%dma_wait3A, %dma_wait3A_30] : memref<40x128xi32, #tpu.memory_space<vmem>> -> memref<1x128xi32, #tpu.memory_space<vmem>>
    %dma_wait3A_32 = tpu.memref_squeeze %dma_wait3A_31 : memref<1x128xi32, #tpu.memory_space<vmem>> -> memref<128xi32, #tpu.memory_space<vmem>>
    %dma_wait3A_33 = arith.constant 0 : i32
    %dma_wait3A_34 = arith.constant 0 : i32
    %dma_wait3A_35 = tpu.memref_slice %arg11[%dma_wait3A_33, %dma_wait3A_34] : memref<10240x128xf32, #tpu.memory_space<vmem_shared>> -> memref<10240x128xf32, #tpu.memory_space<vmem_shared>>
    tpu.wait_indirect_dma semaphore(%arg13 : memref<!tpu.dma_semaphore, #tpu.memory_space<semaphore_mem>>) src(%arg9 : memref<128x128xf32, #tpu.memory_space<vmem>>) dst(%dma_wait3A_35 : memref<10240x128xf32, #tpu.memory_space<vmem_shared>>)
    %dma_wait3A_36 = arith.constant 0 : i32
    %dma_wait3A_37 = arith.constant 0 : i32
    %dma_wait3A_38 = tpu.memref_slice %arg8[%dma_wait3A_36, %dma_wait3A_37] : memref<40x128xi32, #tpu.memory_space<vmem>> -> memref<1x128xi32, #tpu.memory_space<vmem>>
    %dma_wait3A_39 = tpu.memref_squeeze %dma_wait3A_38 : memref<1x128xi32, #tpu.memory_space<vmem>> -> memref<128xi32, #tpu.memory_space<vmem>>
    %dma_wait3A_40 = arith.constant 0 : i32
    %dma_wait3A_41 = arith.constant 0 : i32
    %dma_wait3A_42 = tpu.memref_slice %arg11[%dma_wait3A_40, %dma_wait3A_41] : memref<10240x128xf32, #tpu.memory_space<vmem_shared>> -> memref<10240x128xf32, #tpu.memory_space<vmem_shared>>
    tpu.wait_indirect_dma semaphore(%arg13 : memref<!tpu.dma_semaphore, #tpu.memory_space<semaphore_mem>>) src(%arg10 : memref<128x128xf32, #tpu.memory_space<vmem>>) dst(%dma_wait3A_42 : memref<10240x128xf32, #tpu.memory_space<vmem_shared>>)
    %run_scoped3A_43 = arith.constant 1 : i32
    "tpu.region"() ({
      %run_scoped3A_70 = tpu.sem_alloc : memref<!tpu.dma_semaphore, #tpu.memory_space<semaphore_mem>>
      %dma_start3A = arith.constant 0 : i32
      %dma_start3A_71 = arith.constant 0 : i32
      %dma_start3A_72 = tpu.memref_slice %arg3[%add3A, %run_scoped3A_43, %dma_start3A, %dma_start3A_71] : memref<32x2x42x128xi32, #tpu.memory_space<hbm>> -> memref<1x1x42x128xi32, #tpu.memory_space<hbm>>
      %dma_start3A_73 = tpu.memref_squeeze %dma_start3A_72 : memref<1x1x42x128xi32, #tpu.memory_space<hbm>> -> memref<42x128xi32, #tpu.memory_space<hbm>>
      %dma_start3A_74 = arith.constant 0 : i32
      %dma_start3A_75 = arith.constant 0 : i32
      %dma_start3A_76 = tpu.memref_slice %arg3[%add3A, %run_scoped3A_43, %dma_start3A_74, %dma_start3A_75] : memref<32x2x42x128xi32, #tpu.memory_space<hbm>> -> memref<1x1x42x128xi32, #tpu.memory_space<hbm>>
      %dma_start3A_77 = tpu.memref_squeeze %dma_start3A_76 : memref<1x1x42x128xi32, #tpu.memory_space<hbm>> -> memref<42x128xi32, #tpu.memory_space<hbm>>
      tpu.enqueue_dma source(%dma_start3A_77 : memref<42x128xi32, #tpu.memory_space<hbm>>) target(%arg7 : memref<42x128xi32, #tpu.memory_space<vmem>>) target_semaphore(%run_scoped3A_70 : memref<!tpu.dma_semaphore, #tpu.memory_space<semaphore_mem>>)
      %dma_wait3A_78 = arith.constant 0 : i32
      %dma_wait3A_79 = arith.constant 0 : i32
      %dma_wait3A_80 = tpu.memref_slice %arg3[%add3A, %run_scoped3A_43, %dma_wait3A_78, %dma_wait3A_79] : memref<32x2x42x128xi32, #tpu.memory_space<hbm>> -> memref<1x1x42x128xi32, #tpu.memory_space<hbm>>
      %dma_wait3A_81 = tpu.memref_squeeze %dma_wait3A_80 : memref<1x1x42x128xi32, #tpu.memory_space<hbm>> -> memref<42x128xi32, #tpu.memory_space<hbm>>
      %dma_wait3A_82 = arith.constant 0 : i32
      %dma_wait3A_83 = arith.constant 0 : i32
      %dma_wait3A_84 = tpu.memref_slice %arg3[%add3A, %run_scoped3A_43, %dma_wait3A_82, %dma_wait3A_83] : memref<32x2x42x128xi32, #tpu.memory_space<hbm>> -> memref<1x1x42x128xi32, #tpu.memory_space<hbm>>
      %dma_wait3A_85 = tpu.memref_squeeze %dma_wait3A_84 : memref<1x1x42x128xi32, #tpu.memory_space<hbm>> -> memref<42x128xi32, #tpu.memory_space<hbm>>
      tpu.wait_dma2 semaphore(%run_scoped3A_70 : memref<!tpu.dma_semaphore, #tpu.memory_space<semaphore_mem>>) src(%dma_wait3A_85 : memref<42x128xi32, #tpu.memory_space<hbm>>) dst(%arg7 : memref<42x128xi32, #tpu.memory_space<vmem>>)
      tpu.yield
    }) : () -> ()
    %run_scoped3A_44 = arith.constant 1 : i32
    "tpu.region"() ({
      %run_scoped3A_70 = tpu.sem_alloc : memref<!tpu.dma_semaphore, #tpu.memory_space<semaphore_mem>>
      %dma_start3A = arith.constant 0 : i32
      %dma_start3A_71 = arith.constant 0 : i32
      %dma_start3A_72 = tpu.memref_slice %arg4[%add3A, %run_scoped3A_44, %dma_start3A, %dma_start3A_71] : memref<32x2x40x128xi32, #tpu.memory_space<hbm>> -> memref<1x1x40x128xi32, #tpu.memory_space<hbm>>
      %dma_start3A_73 = tpu.memref_squeeze %dma_start3A_72 : memref<1x1x40x128xi32, #tpu.memory_space<hbm>> -> memref<40x128xi32, #tpu.memory_space<hbm>>
      %dma_start3A_74 = arith.constant 0 : i32
      %dma_start3A_75 = arith.constant 0 : i32
      %dma_start3A_76 = tpu.memref_slice %arg4[%add3A, %run_scoped3A_44, %dma_start3A_74, %dma_start3A_75] : memref<32x2x40x128xi32, #tpu.memory_space<hbm>> -> memref<1x1x40x128xi32, #tpu.memory_space<hbm>>
      %dma_start3A_77 = tpu.memref_squeeze %dma_start3A_76 : memref<1x1x40x128xi32, #tpu.memory_space<hbm>> -> memref<40x128xi32, #tpu.memory_space<hbm>>
      tpu.enqueue_dma source(%dma_start3A_77 : memref<40x128xi32, #tpu.memory_space<hbm>>) target(%arg8 : memref<40x128xi32, #tpu.memory_space<vmem>>) target_semaphore(%run_scoped3A_70 : memref<!tpu.dma_semaphore, #tpu.memory_space<semaphore_mem>>)
      %dma_wait3A_78 = arith.constant 0 : i32
      %dma_wait3A_79 = arith.constant 0 : i32
      %dma_wait3A_80 = tpu.memref_slice %arg4[%add3A, %run_scoped3A_44, %dma_wait3A_78, %dma_wait3A_79] : memref<32x2x40x128xi32, #tpu.memory_space<hbm>> -> memref<1x1x40x128xi32, #tpu.memory_space<hbm>>
      %dma_wait3A_81 = tpu.memref_squeeze %dma_wait3A_80 : memref<1x1x40x128xi32, #tpu.memory_space<hbm>> -> memref<40x128xi32, #tpu.memory_space<hbm>>
      %dma_wait3A_82 = arith.constant 0 : i32
      %dma_wait3A_83 = arith.constant 0 : i32
      %dma_wait3A_84 = tpu.memref_slice %arg4[%add3A, %run_scoped3A_44, %dma_wait3A_82, %dma_wait3A_83] : memref<32x2x40x128xi32, #tpu.memory_space<hbm>> -> memref<1x1x40x128xi32, #tpu.memory_space<hbm>>
      %dma_wait3A_85 = tpu.memref_squeeze %dma_wait3A_84 : memref<1x1x40x128xi32, #tpu.memory_space<hbm>> -> memref<40x128xi32, #tpu.memory_space<hbm>>
      tpu.wait_dma2 semaphore(%run_scoped3A_70 : memref<!tpu.dma_semaphore, #tpu.memory_space<semaphore_mem>>) src(%dma_wait3A_85 : memref<40x128xi32, #tpu.memory_space<hbm>>) dst(%arg8 : memref<40x128xi32, #tpu.memory_space<vmem>>)
      tpu.yield
    }) : () -> ()
    %scan3A_45 = arith.constant 0 : i32
    %scan3A_46 = arith.constant 0 : i32
    %scan3A_47 = arith.constant 20 : i32
    %scan3A_48 = arith.addi %scan3A_46, %scan3A_47 : i32
    %scan3A_49 = arith.constant 1 : i32
    scf.for %scan3A_70 = %scan3A_46 to %scan3A_48 step %scan3A_49  : i32 {
      %mul3A_71 = arith.constant 2 : i32
      %mul3A_72 = arith.muli %mul3A_71, %scan3A_70 : i32
      %gt3A = arith.constant 0 : i32
      %gt3A_73 = arith.cmpi sgt, %scan3A_70, %gt3A : i32
      %convert_element_type3A = arith.extui %gt3A_73 : i1 to i32
      %cond3A = arith.constant 0 : i32
      %cond3A_74 = arith.cmpi ne, %convert_element_type3A, %cond3A : i32
      scf.if %cond3A_74 {
        %dma_wait3A_135 = arith.constant 0 : i32
        %dma_wait3A_136 = arith.constant 0 : i32
        %dma_wait3A_137 = tpu.memref_slice %arg8[%dma_wait3A_135, %dma_wait3A_136] : memref<40x128xi32, #tpu.memory_space<vmem>> -> memref<1x128xi32, #tpu.memory_space<vmem>>
        %dma_wait3A_138 = tpu.memref_squeeze %dma_wait3A_137 : memref<1x128xi32, #tpu.memory_space<vmem>> -> memref<128xi32, #tpu.memory_space<vmem>>
        %dma_wait3A_139 = arith.constant 0 : i32
        %dma_wait3A_140 = arith.constant 0 : i32
        %dma_wait3A_141 = tpu.memref_slice %arg11[%dma_wait3A_139, %dma_wait3A_140] : memref<10240x128xf32, #tpu.memory_space<vmem_shared>> -> memref<10240x128xf32, #tpu.memory_space<vmem_shared>>
        tpu.wait_indirect_dma semaphore(%arg13 : memref<!tpu.dma_semaphore, #tpu.memory_space<semaphore_mem>>) src(%arg9 : memref<128x128xf32, #tpu.memory_space<vmem>>) dst(%dma_wait3A_141 : memref<10240x128xf32, #tpu.memory_space<vmem_shared>>)
      } else {
      }
      %dma_start3A = arith.constant 0 : i32
      %dma_start3A_75 = tpu.memref_slice %arg7[%mul3A_72, %dma_start3A] : memref<42x128xi32, #tpu.memory_space<vmem>> -> memref<1x128xi32, #tpu.memory_space<vmem>>
      %dma_start3A_76 = tpu.memref_squeeze %dma_start3A_75 : memref<1x128xi32, #tpu.memory_space<vmem>> -> memref<128xi32, #tpu.memory_space<vmem>>
      %dma_start3A_77 = arith.constant 0 : i32
      %dma_start3A_78 = arith.constant 0 : i32
      %dma_start3A_79 = tpu.memref_slice %arg2[%add3A_19, %dma_start3A_77, %dma_start3A_78] : memref<8x10240x128xf32, #tpu.memory_space<hbm>> -> memref<1x10240x128xf32, #tpu.memory_space<hbm>>
      %dma_start3A_80 = tpu.memref_squeeze %dma_start3A_79 : memref<1x10240x128xf32, #tpu.memory_space<hbm>> -> memref<10240x128xf32, #tpu.memory_space<hbm>>
      %dma_start3A_81 = arith.constant 0 : i32
      %dma_start3A_82 = arith.constant 0 : i32
      %dma_start3A_83 = tpu.memref_slice %dma_start3A_80[%dma_start3A_81, %dma_start3A_82] : memref<10240x128xf32, #tpu.memory_space<hbm>> -> memref<10240x128xf32, #tpu.memory_space<hbm>>
      tpu.enqueue_indirect_dma source(%dma_start3A_83 : memref<10240x128xf32, #tpu.memory_space<hbm>>) target(%arg9 : memref<128x128xf32, #tpu.memory_space<vmem>>) offsets(%dma_start3A_76 : memref<128xi32, #tpu.memory_space<vmem>>) semaphore(%arg12 : memref<!tpu.dma_semaphore, #tpu.memory_space<semaphore_mem>>)
      %dma_wait3A_84 = arith.constant 0 : i32
      %dma_wait3A_85 = tpu.memref_slice %arg7[%mul3A_72, %dma_wait3A_84] : memref<42x128xi32, #tpu.memory_space<vmem>> -> memref<1x128xi32, #tpu.memory_space<vmem>>
      %dma_wait3A_86 = tpu.memref_squeeze %dma_wait3A_85 : memref<1x128xi32, #tpu.memory_space<vmem>> -> memref<128xi32, #tpu.memory_space<vmem>>
      %dma_wait3A_87 = arith.constant 0 : i32
      %dma_wait3A_88 = arith.constant 0 : i32
      %dma_wait3A_89 = tpu.memref_slice %arg2[%add3A_19, %dma_wait3A_87, %dma_wait3A_88] : memref<8x10240x128xf32, #tpu.memory_space<hbm>> -> memref<1x10240x128xf32, #tpu.memory_space<hbm>>
      %dma_wait3A_90 = tpu.memref_squeeze %dma_wait3A_89 : memref<1x10240x128xf32, #tpu.memory_space<hbm>> -> memref<10240x128xf32, #tpu.memory_space<hbm>>
      %dma_wait3A_91 = arith.constant 0 : i32
      %dma_wait3A_92 = arith.constant 0 : i32
      %dma_wait3A_93 = tpu.memref_slice %dma_wait3A_90[%dma_wait3A_91, %dma_wait3A_92] : memref<10240x128xf32, #tpu.memory_space<hbm>> -> memref<10240x128xf32, #tpu.memory_space<hbm>>
      tpu.wait_indirect_dma semaphore(%arg12 : memref<!tpu.dma_semaphore, #tpu.memory_space<semaphore_mem>>) src(%dma_wait3A_93 : memref<10240x128xf32, #tpu.memory_space<hbm>>) dst(%arg9 : memref<128x128xf32, #tpu.memory_space<vmem>>)
      %dma_start3A_94 = arith.constant 0 : i32
      %dma_start3A_95 = tpu.memref_slice %arg8[%mul3A_72, %dma_start3A_94] : memref<40x128xi32, #tpu.memory_space<vmem>> -> memref<1x128xi32, #tpu.memory_space<vmem>>
      %dma_start3A_96 = tpu.memref_squeeze %dma_start3A_95 : memref<1x128xi32, #tpu.memory_space<vmem>> -> memref<128xi32, #tpu.memory_space<vmem>>
      %dma_start3A_97 = arith.constant 0 : i32
      %dma_start3A_98 = arith.constant 0 : i32
      %dma_start3A_99 = tpu.memref_slice %arg11[%dma_start3A_97, %dma_start3A_98] : memref<10240x128xf32, #tpu.memory_space<vmem_shared>> -> memref<10240x128xf32, #tpu.memory_space<vmem_shared>>
      tpu.enqueue_indirect_dma source(%arg9 : memref<128x128xf32, #tpu.memory_space<vmem>>) target(%dma_start3A_99 : memref<10240x128xf32, #tpu.memory_space<vmem_shared>>) offsets(%dma_start3A_96 : memref<128xi32, #tpu.memory_space<vmem>>) semaphore(%arg13 : memref<!tpu.dma_semaphore, #tpu.memory_space<semaphore_mem>>) {add = true}
      %gt3A_100 = arith.constant 0 : i32
      %gt3A_101 = arith.cmpi sgt, %scan3A_70, %gt3A_100 : i32
      %convert_element_type3A_102 = arith.extui %gt3A_101 : i1 to i32
      %cond3A_103 = arith.constant 0 : i32
      %cond3A_104 = arith.cmpi ne, %convert_element_type3A_102, %cond3A_103 : i32
      scf.if %cond3A_104 {
        %dma_wait3A_135 = arith.constant 0 : i32
        %dma_wait3A_136 = arith.constant 0 : i32
        %dma_wait3A_137 = tpu.memref_slice %arg8[%dma_wait3A_135, %dma_wait3A_136] : memref<40x128xi32, #tpu.memory_space<vmem>> -> memref<1x128xi32, #tpu.memory_space<vmem>>
        %dma_wait3A_138 = tpu.memref_squeeze %dma_wait3A_137 : memref<1x128xi32, #tpu.memory_space<vmem>> -> memref<128xi32, #tpu.memory_space<vmem>>
        %dma_wait3A_139 = arith.constant 0 : i32
        %dma_wait3A_140 = arith.constant 0 : i32
        %dma_wait3A_141 = tpu.memref_slice %arg11[%dma_wait3A_139, %dma_wait3A_140] : memref<10240x128xf32, #tpu.memory_space<vmem_shared>> -> memref<10240x128xf32, #tpu.memory_space<vmem_shared>>
        tpu.wait_indirect_dma semaphore(%arg13 : memref<!tpu.dma_semaphore, #tpu.memory_space<semaphore_mem>>) src(%arg10 : memref<128x128xf32, #tpu.memory_space<vmem>>) dst(%dma_wait3A_141 : memref<10240x128xf32, #tpu.memory_space<vmem_shared>>)
      } else {
      }
      %add3A_105 = arith.constant 1 : i32
      %add3A_106 = arith.addi %mul3A_72, %add3A_105 : i32
      %dma_start3A_107 = arith.constant 0 : i32
      %dma_start3A_108 = tpu.memref_slice %arg7[%add3A_106, %dma_start3A_107] : memref<42x128xi32, #tpu.memory_space<vmem>> -> memref<1x128xi32, #tpu.memory_space<vmem>>
      %dma_start3A_109 = tpu.memref_squeeze %dma_start3A_108 : memref<1x128xi32, #tpu.memory_space<vmem>> -> memref<128xi32, #tpu.memory_space<vmem>>
      %dma_start3A_110 = arith.constant 0 : i32
      %dma_start3A_111 = arith.constant 0 : i32
      %dma_start3A_112 = tpu.memref_slice %arg2[%add3A_19, %dma_start3A_110, %dma_start3A_111] : memref<8x10240x128xf32, #tpu.memory_space<hbm>> -> memref<1x10240x128xf32, #tpu.memory_space<hbm>>
      %dma_start3A_113 = tpu.memref_squeeze %dma_start3A_112 : memref<1x10240x128xf32, #tpu.memory_space<hbm>> -> memref<10240x128xf32, #tpu.memory_space<hbm>>
      %dma_start3A_114 = arith.constant 0 : i32
      %dma_start3A_115 = arith.constant 0 : i32
      %dma_start3A_116 = tpu.memref_slice %dma_start3A_113[%dma_start3A_114, %dma_start3A_115] : memref<10240x128xf32, #tpu.memory_space<hbm>> -> memref<10240x128xf32, #tpu.memory_space<hbm>>
      tpu.enqueue_indirect_dma source(%dma_start3A_116 : memref<10240x128xf32, #tpu.memory_space<hbm>>) target(%arg10 : memref<128x128xf32, #tpu.memory_space<vmem>>) offsets(%dma_start3A_109 : memref<128xi32, #tpu.memory_space<vmem>>) semaphore(%arg12 : memref<!tpu.dma_semaphore, #tpu.memory_space<semaphore_mem>>)
      %dma_wait3A_117 = arith.constant 0 : i32
      %dma_wait3A_118 = tpu.memref_slice %arg7[%add3A_106, %dma_wait3A_117] : memref<42x128xi32, #tpu.memory_space<vmem>> -> memref<1x128xi32, #tpu.memory_space<vmem>>
      %dma_wait3A_119 = tpu.memref_squeeze %dma_wait3A_118 : memref<1x128xi32, #tpu.memory_space<vmem>> -> memref<128xi32, #tpu.memory_space<vmem>>
      %dma_wait3A_120 = arith.constant 0 : i32
      %dma_wait3A_121 = arith.constant 0 : i32
      %dma_wait3A_122 = tpu.memref_slice %arg2[%add3A_19, %dma_wait3A_120, %dma_wait3A_121] : memref<8x10240x128xf32, #tpu.memory_space<hbm>> -> memref<1x10240x128xf32, #tpu.memory_space<hbm>>
      %dma_wait3A_123 = tpu.memref_squeeze %dma_wait3A_122 : memref<1x10240x128xf32, #tpu.memory_space<hbm>> -> memref<10240x128xf32, #tpu.memory_space<hbm>>
      %dma_wait3A_124 = arith.constant 0 : i32
      %dma_wait3A_125 = arith.constant 0 : i32
      %dma_wait3A_126 = tpu.memref_slice %dma_wait3A_123[%dma_wait3A_124, %dma_wait3A_125] : memref<10240x128xf32, #tpu.memory_space<hbm>> -> memref<10240x128xf32, #tpu.memory_space<hbm>>
      tpu.wait_indirect_dma semaphore(%arg12 : memref<!tpu.dma_semaphore, #tpu.memory_space<semaphore_mem>>) src(%dma_wait3A_126 : memref<10240x128xf32, #tpu.memory_space<hbm>>) dst(%arg10 : memref<128x128xf32, #tpu.memory_space<vmem>>)
      %add3A_127 = arith.constant 1 : i32
      %add3A_128 = arith.addi %mul3A_72, %add3A_127 : i32
      %dma_start3A_129 = arith.constant 0 : i32
      %dma_start3A_130 = tpu.memref_slice %arg8[%add3A_128, %dma_start3A_129] : memref<40x128xi32, #tpu.memory_space<vmem>> -> memref<1x128xi32, #tpu.memory_space<vmem>>
      %dma_start3A_131 = tpu.memref_squeeze %dma_start3A_130 : memref<1x128xi32, #tpu.memory_space<vmem>> -> memref<128xi32, #tpu.memory_space<vmem>>
      %dma_start3A_132 = arith.constant 0 : i32
      %dma_start3A_133 = arith.constant 0 : i32
      %dma_start3A_134 = tpu.memref_slice %arg11[%dma_start3A_132, %dma_start3A_133] : memref<10240x128xf32, #tpu.memory_space<vmem_shared>> -> memref<10240x128xf32, #tpu.memory_space<vmem_shared>>
      tpu.enqueue_indirect_dma source(%arg10 : memref<128x128xf32, #tpu.memory_space<vmem>>) target(%dma_start3A_134 : memref<10240x128xf32, #tpu.memory_space<vmem_shared>>) offsets(%dma_start3A_131 : memref<128xi32, #tpu.memory_space<vmem>>) semaphore(%arg13 : memref<!tpu.dma_semaphore, #tpu.memory_space<semaphore_mem>>) {add = true}
    }
    %scan3A_50 = arith.constant 20 : i32
    %dma_wait3A_51 = arith.constant 0 : i32
    %dma_wait3A_52 = arith.constant 0 : i32
    %dma_wait3A_53 = tpu.memref_slice %arg8[%dma_wait3A_51, %dma_wait3A_52] : memref<40x128xi32, #tpu.memory_space<vmem>> -> memref<1x128xi32, #tpu.memory_space<vmem>>
    %dma_wait3A_54 = tpu.memref_squeeze %dma_wait3A_53 : memref<1x128xi32, #tpu.memory_space<vmem>> -> memref<128xi32, #tpu.memory_space<vmem>>
    %dma_wait3A_55 = arith.constant 0 : i32
    %dma_wait3A_56 = arith.constant 0 : i32
    %dma_wait3A_57 = tpu.memref_slice %arg11[%dma_wait3A_55, %dma_wait3A_56] : memref<10240x128xf32, #tpu.memory_space<vmem_shared>> -> memref<10240x128xf32, #tpu.memory_space<vmem_shared>>
    tpu.wait_indirect_dma semaphore(%arg13 : memref<!tpu.dma_semaphore, #tpu.memory_space<semaphore_mem>>) src(%arg9 : memref<128x128xf32, #tpu.memory_space<vmem>>) dst(%dma_wait3A_57 : memref<10240x128xf32, #tpu.memory_space<vmem_shared>>)
    %dma_wait3A_58 = arith.constant 0 : i32
    %dma_wait3A_59 = arith.constant 0 : i32
    %dma_wait3A_60 = tpu.memref_slice %arg8[%dma_wait3A_58, %dma_wait3A_59] : memref<40x128xi32, #tpu.memory_space<vmem>> -> memref<1x128xi32, #tpu.memory_space<vmem>>
    %dma_wait3A_61 = tpu.memref_squeeze %dma_wait3A_60 : memref<1x128xi32, #tpu.memory_space<vmem>> -> memref<128xi32, #tpu.memory_space<vmem>>
    %dma_wait3A_62 = arith.constant 0 : i32
    %dma_wait3A_63 = arith.constant 0 : i32
    %dma_wait3A_64 = tpu.memref_slice %arg11[%dma_wait3A_62, %dma_wait3A_63] : memref<10240x128xf32, #tpu.memory_space<vmem_shared>> -> memref<10240x128xf32, #tpu.memory_space<vmem_shared>>
    tpu.wait_indirect_dma semaphore(%arg13 : memref<!tpu.dma_semaphore, #tpu.memory_space<semaphore_mem>>) src(%arg10 : memref<128x128xf32, #tpu.memory_space<vmem>>) dst(%dma_wait3A_64 : memref<10240x128xf32, #tpu.memory_space<vmem_shared>>)
    %barrier3A_65 = arith.constant 0 : index
    tpu.barrier barrier_id(%barrier3A_65)
    %mul3A_66 = arith.constant 640 : i32
    %mul3A_67 = arith.muli %arg1, %mul3A_66 : i32
    %mul3A_68 = arith.constant 640 : i32
    %mul3A_69 = arith.muli %arg1, %mul3A_68 : i32
    "tpu.region"() ({
      %run_scoped3A_70 = tpu.sem_alloc : memref<!tpu.dma_semaphore, #tpu.memory_space<semaphore_mem>>
      %dma_start3A = arith.constant 0 : i32
      %dma_start3A_71 = tpu.memref_slice %arg6[%arg0, %mul3A_69, %dma_start3A] : memref<2x10240x128xf32, #tpu.memory_space<hbm>> -> memref<1x640x128xf32, #tpu.memory_space<hbm>>
      %dma_start3A_72 = tpu.memref_squeeze %dma_start3A_71 : memref<1x640x128xf32, #tpu.memory_space<hbm>> -> memref<640x128xf32, #tpu.memory_space<hbm>>
      %dma_start3A_73 = arith.constant 0 : i32
      %dma_start3A_74 = tpu.memref_slice %arg11[%mul3A_67, %dma_start3A_73] : memref<10240x128xf32, #tpu.memory_space<vmem_shared>> -> memref<640x128xf32, #tpu.memory_space<vmem_shared>>
      tpu.enqueue_dma source(%dma_start3A_74 : memref<640x128xf32, #tpu.memory_space<vmem_shared>>) target(%dma_start3A_72 : memref<640x128xf32, #tpu.memory_space<hbm>>) target_semaphore(%run_scoped3A_70 : memref<!tpu.dma_semaphore, #tpu.memory_space<semaphore_mem>>)
      %dma_wait3A_75 = arith.constant 0 : i32
      %dma_wait3A_76 = tpu.memref_slice %arg6[%arg0, %mul3A_69, %dma_wait3A_75] : memref<2x10240x128xf32, #tpu.memory_space<hbm>> -> memref<1x640x128xf32, #tpu.memory_space<hbm>>
      %dma_wait3A_77 = tpu.memref_squeeze %dma_wait3A_76 : memref<1x640x128xf32, #tpu.memory_space<hbm>> -> memref<640x128xf32, #tpu.memory_space<hbm>>
      %dma_wait3A_78 = arith.constant 0 : i32
      %dma_wait3A_79 = tpu.memref_slice %arg11[%mul3A_67, %dma_wait3A_78] : memref<10240x128xf32, #tpu.memory_space<vmem_shared>> -> memref<640x128xf32, #tpu.memory_space<vmem_shared>>
      tpu.wait_dma2 semaphore(%run_scoped3A_70 : memref<!tpu.dma_semaphore, #tpu.memory_space<semaphore_mem>>) src(%dma_wait3A_79 : memref<640x128xf32, #tpu.memory_space<vmem_shared>>) dst(%dma_wait3A_77 : memref<640x128xf32, #tpu.memory_space<hbm>>)
      tpu.yield
    }) : () -> ()
    return
  }
}

module attributes {stable_mosaic.version = 14 : i64} {
  func.func @_mm1_body(%arg0: i32, %arg1: memref<1280x128xf32, #tpu.memory_space<vmem>>, %arg2: memref<128x128xf32, #tpu.memory_space<vmem>>, %arg3: memref<2x2x1280xf32, #tpu.memory_space<vmem>>, %arg4: memref<8x1280x128xf32, #tpu.memory_space<vmem>>) attributes {dimension_semantics = [#tpu.dimension_semantics<arbitrary>], iteration_bounds = array<i64: 8>, scalar_prefetch = 0 : i64, scratch_operands = 0 : i64, tpu.core_type = #tpu.core_type<tc>, window_params = [{transform_indices = @transform_0, window_bounds = array<i64: 1280, 128>}, {pipeline_mode = #tpu.pipeline_mode<synchronous>, transform_indices = @transform_1, window_bounds = array<i64: 128, 128>}, {transform_indices = @transform_2, window_bounds = array<i64: 2, 2, 1280>}, {transform_indices = @transform_3, window_bounds = array<i64: 8, 1280, 128>}]} {
    %get3A = arith.constant 0 : index
    %get3A_0 = arith.constant 0 : index
    %get3A_1 = arith.constant 0 : index
    %get3A_2 = vector.load %arg3[%get3A, %get3A_0, %get3A_1] : memref<2x2x1280xf32, #tpu.memory_space<vmem>>, vector<1x1x1280xf32>
    %get3A_3 = vector.shape_cast %get3A_2 : vector<1x1x1280xf32> to vector<1280xf32>
    %get3A_4 = arith.constant 1 : index
    %get3A_5 = arith.constant 0 : index
    %get3A_6 = arith.constant 0 : index
    %get3A_7 = vector.load %arg3[%get3A_4, %get3A_5, %get3A_6] : memref<2x2x1280xf32, #tpu.memory_space<vmem>>, vector<1x1x1280xf32>
    %get3A_8 = vector.shape_cast %get3A_7 : vector<1x1x1280xf32> to vector<1280xf32>
    %add3A = arith.addf %get3A_3, %get3A_8 : vector<1280xf32>
    %max3A = arith.constant 1.000000e+00 : f32
    %max3A_9 = vector.broadcast %max3A : f32 to vector<1280xf32>
    %max3A_10 = arith.maximumf %add3A, %max3A_9 : vector<1280xf32>
    %rsqrt3A = math.rsqrt %max3A_10 : vector<1280xf32>
    %get3A_11 = arith.constant 0 : index
    %get3A_12 = arith.constant 0 : index
    %get3A_13 = vector.load %arg1[%get3A_11, %get3A_12] : memref<1280x128xf32, #tpu.memory_space<vmem>>, vector<1280x128xf32>
    %get3A_14 = arith.constant 0 : index
    %get3A_15 = arith.constant 0 : index
    %get3A_16 = vector.load %arg2[%get3A_14, %get3A_15] : memref<128x128xf32, #tpu.memory_space<vmem>>, vector<128x128xf32>
    %dot_general3A = arith.constant dense<0.000000e+00> : vector<1280x128xf32>
    %dot_general3A_17 = tpu.matmul %get3A_13, %get3A_16, %dot_general3A {dimension_numbers = #tpu.dot_dimension_numbers<[1], [0], [0], [1], [0, 0, 1, 1], [], []>, transpose_lhs_hint = false} : vector<1280x128xf32>, vector<128x128xf32>, vector<1280x128xf32> -> vector<1280x128xf32>
    %broadcast_in_dim3A = vector.shape_cast %rsqrt3A : vector<1280xf32> to vector<1280x1xf32>
    %mul3A = vector.broadcast %broadcast_in_dim3A : vector<1280x1xf32> to vector<1280x128xf32>
    %mul3A_18 = arith.mulf %dot_general3A_17, %mul3A : vector<1280x128xf32>
    %swap3A = arith.constant 0 : index
    %swap3A_19 = arith.constant 0 : index
    %swap3A_20 = arith.constant 0 : index
    %swap3A_21 = vector.load %arg4[%swap3A, %swap3A_19, %swap3A_20] : memref<8x1280x128xf32, #tpu.memory_space<vmem>>, vector<1x1280x128xf32>
    %swap3A_22 = vector.shape_cast %swap3A_21 : vector<1x1280x128xf32> to vector<1280x128xf32>
    %swap3A_23 = vector.shape_cast %mul3A_18 : vector<1280x128xf32> to vector<1x1280x128xf32>
    tpu.vector_store %arg4[%swap3A, %swap3A_19, %swap3A_20], %swap3A_23 {strides = array<i32>} : memref<8x1280x128xf32, #tpu.memory_space<vmem>>, vector<1x1280x128xf32>,
    %swap3A_24 = arith.constant 1 : index
    %swap3A_25 = arith.constant 0 : index
    %swap3A_26 = arith.constant 0 : index
    %swap3A_27 = vector.load %arg4[%swap3A_24, %swap3A_25, %swap3A_26] : memref<8x1280x128xf32, #tpu.memory_space<vmem>>, vector<1x1280x128xf32>
    %swap3A_28 = vector.shape_cast %swap3A_27 : vector<1x1280x128xf32> to vector<1280x128xf32>
    %swap3A_29 = vector.shape_cast %mul3A_18 : vector<1280x128xf32> to vector<1x1280x128xf32>
    tpu.vector_store %arg4[%swap3A_24, %swap3A_25, %swap3A_26], %swap3A_29 {strides = array<i32>} : memref<8x1280x128xf32, #tpu.memory_space<vmem>>, vector<1x1280x128xf32>,
    %swap3A_30 = arith.constant 2 : index
    %swap3A_31 = arith.constant 0 : index
    %swap3A_32 = arith.constant 0 : index
    %swap3A_33 = vector.load %arg4[%swap3A_30, %swap3A_31, %swap3A_32] : memref<8x1280x128xf32, #tpu.memory_space<vmem>>, vector<1x1280x128xf32>
    %swap3A_34 = vector.shape_cast %swap3A_33 : vector<1x1280x128xf32> to vector<1280x128xf32>
    %swap3A_35 = vector.shape_cast %mul3A_18 : vector<1280x128xf32> to vector<1x1280x128xf32>
    tpu.vector_store %arg4[%swap3A_30, %swap3A_31, %swap3A_32], %swap3A_35 {strides = array<i32>} : memref<8x1280x128xf32, #tpu.memory_space<vmem>>, vector<1x1280x128xf32>,
    %swap3A_36 = arith.constant 3 : index
    %swap3A_37 = arith.constant 0 : index
    %swap3A_38 = arith.constant 0 : index
    %swap3A_39 = vector.load %arg4[%swap3A_36, %swap3A_37, %swap3A_38] : memref<8x1280x128xf32, #tpu.memory_space<vmem>>, vector<1x1280x128xf32>
    %swap3A_40 = vector.shape_cast %swap3A_39 : vector<1x1280x128xf32> to vector<1280x128xf32>
    %swap3A_41 = vector.shape_cast %mul3A_18 : vector<1280x128xf32> to vector<1x1280x128xf32>
    tpu.vector_store %arg4[%swap3A_36, %swap3A_37, %swap3A_38], %swap3A_41 {strides = array<i32>} : memref<8x1280x128xf32, #tpu.memory_space<vmem>>, vector<1x1280x128xf32>,
    %swap3A_42 = arith.constant 4 : index
    %swap3A_43 = arith.constant 0 : index
    %swap3A_44 = arith.constant 0 : index
    %swap3A_45 = vector.load %arg4[%swap3A_42, %swap3A_43, %swap3A_44] : memref<8x1280x128xf32, #tpu.memory_space<vmem>>, vector<1x1280x128xf32>
    %swap3A_46 = vector.shape_cast %swap3A_45 : vector<1x1280x128xf32> to vector<1280x128xf32>
    %swap3A_47 = vector.shape_cast %mul3A_18 : vector<1280x128xf32> to vector<1x1280x128xf32>
    tpu.vector_store %arg4[%swap3A_42, %swap3A_43, %swap3A_44], %swap3A_47 {strides = array<i32>} : memref<8x1280x128xf32, #tpu.memory_space<vmem>>, vector<1x1280x128xf32>,
    %swap3A_48 = arith.constant 5 : index
    %swap3A_49 = arith.constant 0 : index
    %swap3A_50 = arith.constant 0 : index
    %swap3A_51 = vector.load %arg4[%swap3A_48, %swap3A_49, %swap3A_50] : memref<8x1280x128xf32, #tpu.memory_space<vmem>>, vector<1x1280x128xf32>
    %swap3A_52 = vector.shape_cast %swap3A_51 : vector<1x1280x128xf32> to vector<1280x128xf32>
    %swap3A_53 = vector.shape_cast %mul3A_18 : vector<1280x128xf32> to vector<1x1280x128xf32>
    tpu.vector_store %arg4[%swap3A_48, %swap3A_49, %swap3A_50], %swap3A_53 {strides = array<i32>} : memref<8x1280x128xf32, #tpu.memory_space<vmem>>, vector<1x1280x128xf32>,
    %swap3A_54 = arith.constant 6 : index
    %swap3A_55 = arith.constant 0 : index
    %swap3A_56 = arith.constant 0 : index
    %swap3A_57 = vector.load %arg4[%swap3A_54, %swap3A_55, %swap3A_56] : memref<8x1280x128xf32, #tpu.memory_space<vmem>>, vector<1x1280x128xf32>
    %swap3A_58 = vector.shape_cast %swap3A_57 : vector<1x1280x128xf32> to vector<1280x128xf32>
    %swap3A_59 = vector.shape_cast %mul3A_18 : vector<1280x128xf32> to vector<1x1280x128xf32>
    tpu.vector_store %arg4[%swap3A_54, %swap3A_55, %swap3A_56], %swap3A_59 {strides = array<i32>} : memref<8x1280x128xf32, #tpu.memory_space<vmem>>, vector<1x1280x128xf32>,
    %swap3A_60 = arith.constant 7 : index
    %swap3A_61 = arith.constant 0 : index
    %swap3A_62 = arith.constant 0 : index
    %swap3A_63 = vector.load %arg4[%swap3A_60, %swap3A_61, %swap3A_62] : memref<8x1280x128xf32, #tpu.memory_space<vmem>>, vector<1x1280x128xf32>
    %swap3A_64 = vector.shape_cast %swap3A_63 : vector<1x1280x128xf32> to vector<1280x128xf32>
    %swap3A_65 = vector.shape_cast %mul3A_18 : vector<1280x128xf32> to vector<1x1280x128xf32>
    tpu.vector_store %arg4[%swap3A_60, %swap3A_61, %swap3A_62], %swap3A_65 {strides = array<i32>} : memref<8x1280x128xf32, #tpu.memory_space<vmem>>, vector<1x1280x128xf32>,
    return
  }
  func.func @transform_0(%arg0: i32) -> (i32, i32) {
    %c0_i32 = arith.constant 0 : i32
    %c0_i32_0 = arith.constant 0 : i32
    return %arg0, %c0_i32 : i32, i32
  }
  func.func @transform_1(%arg0: i32) -> (i32, i32) {
    %c0_i32 = arith.constant 0 : i32
    %c0_i32_0 = arith.constant 0 : i32
    %c0_i32_1 = arith.constant 0 : i32
    return %c0_i32, %c0_i32_0 : i32, i32
  }
  func.func @transform_2(%arg0: i32) -> (i32, i32, i32) {
    %c0_i32 = arith.constant 0 : i32
    %c0_i32_0 = arith.constant 0 : i32
    %c0_i32_1 = arith.constant 0 : i32
    return %c0_i32, %c0_i32_0, %arg0 : i32, i32, i32
  }
  func.func @transform_3(%arg0: i32) -> (i32, i32, i32) {
    %c0_i32 = arith.constant 0 : i32
    %c0_i32_0 = arith.constant 0 : i32
    %c0_i32_1 = arith.constant 0 : i32
    return %c0_i32, %arg0, %c0_i32_0 : i32, i32, i32
  }
}

module attributes {stable_mosaic.version = 14 : i64} {
  func.func @_mm2_body(%arg0: i32, %arg1: memref<2x1280x128xf32, #tpu.memory_space<vmem>>, %arg2: memref<2x2x1280xf32, #tpu.memory_space<vmem>>, %arg3: memref<1x128xf32, #tpu.memory_space<vmem>>, %arg4: memref<128x128xf32, #tpu.memory_space<vmem>>, %arg5: memref<8x1280x128xf32, #tpu.memory_space<vmem>>) attributes {dimension_semantics = [#tpu.dimension_semantics<arbitrary>], iteration_bounds = array<i64: 8>, scalar_prefetch = 0 : i64, scratch_operands = 0 : i64, tpu.core_type = #tpu.core_type<tc>, window_params = [{transform_indices = @transform_0, window_bounds = array<i64: 2, 1280, 128>}, {transform_indices = @transform_1, window_bounds = array<i64: 2, 2, 1280>}, {pipeline_mode = #tpu.pipeline_mode<synchronous>, transform_indices = @transform_2, window_bounds = array<i64: 1, 128>}, {pipeline_mode = #tpu.pipeline_mode<synchronous>, transform_indices = @transform_3, window_bounds = array<i64: 128, 128>}, {transform_indices = @transform_4, window_bounds = array<i64: 8, 1280, 128>}]} {
    %get3A = arith.constant 0 : index
    %get3A_0 = arith.constant 0 : index
    %get3A_1 = arith.constant 0 : index
    %get3A_2 = vector.load %arg1[%get3A, %get3A_0, %get3A_1] : memref<2x1280x128xf32, #tpu.memory_space<vmem>>, vector<1x1280x128xf32>
    %get3A_3 = vector.shape_cast %get3A_2 : vector<1x1280x128xf32> to vector<1280x128xf32>
    %get3A_4 = arith.constant 1 : index
    %get3A_5 = arith.constant 0 : index
    %get3A_6 = arith.constant 0 : index
    %get3A_7 = vector.load %arg1[%get3A_4, %get3A_5, %get3A_6] : memref<2x1280x128xf32, #tpu.memory_space<vmem>>, vector<1x1280x128xf32>
    %get3A_8 = vector.shape_cast %get3A_7 : vector<1x1280x128xf32> to vector<1280x128xf32>
    %add3A = arith.addf %get3A_3, %get3A_8 : vector<1280x128xf32>
    %get3A_9 = arith.constant 0 : index
    %get3A_10 = arith.constant 1 : index
    %get3A_11 = arith.constant 0 : index
    %get3A_12 = vector.load %arg2[%get3A_9, %get3A_10, %get3A_11] : memref<2x2x1280xf32, #tpu.memory_space<vmem>>, vector<1x1x1280xf32>
    %get3A_13 = vector.shape_cast %get3A_12 : vector<1x1x1280xf32> to vector<1280xf32>
    %get3A_14 = arith.constant 1 : index
    %get3A_15 = arith.constant 1 : index
    %get3A_16 = arith.constant 0 : index
    %get3A_17 = vector.load %arg2[%get3A_14, %get3A_15, %get3A_16] : memref<2x2x1280xf32, #tpu.memory_space<vmem>>, vector<1x1x1280xf32>
    %get3A_18 = vector.shape_cast %get3A_17 : vector<1x1x1280xf32> to vector<1280xf32>
    %add3A_19 = arith.addf %get3A_13, %get3A_18 : vector<1280xf32>
    %max3A = arith.constant 1.000000e+00 : f32
    %max3A_20 = vector.broadcast %max3A : f32 to vector<1280xf32>
    %max3A_21 = arith.maximumf %add3A_19, %max3A_20 : vector<1280xf32>
    %rsqrt3A = math.rsqrt %max3A_21 : vector<1280xf32>
    %get3A_22 = arith.constant 0 : index
    %get3A_23 = arith.constant 0 : index
    %get3A_24 = arith.constant 0 : index
    %get3A_25 = vector.load %arg2[%get3A_22, %get3A_23, %get3A_24] : memref<2x2x1280xf32, #tpu.memory_space<vmem>>, vector<1x1x1280xf32>
    %get3A_26 = vector.shape_cast %get3A_25 : vector<1x1x1280xf32> to vector<1280xf32>
    %get3A_27 = arith.constant 1 : index
    %get3A_28 = arith.constant 0 : index
    %get3A_29 = arith.constant 0 : index
    %get3A_30 = vector.load %arg2[%get3A_27, %get3A_28, %get3A_29] : memref<2x2x1280xf32, #tpu.memory_space<vmem>>, vector<1x1x1280xf32>
    %get3A_31 = vector.shape_cast %get3A_30 : vector<1x1x1280xf32> to vector<1280xf32>
    %add3A_32 = arith.addf %get3A_26, %get3A_31 : vector<1280xf32>
    %max3A_33 = arith.constant 1.000000e+00 : f32
    %max3A_34 = vector.broadcast %max3A_33 : f32 to vector<1280xf32>
    %max3A_35 = arith.maximumf %add3A_32, %max3A_34 : vector<1280xf32>
    %rsqrt3A_36 = math.rsqrt %max3A_35 : vector<1280xf32>
    %broadcast_in_dim3A = vector.shape_cast %rsqrt3A : vector<1280xf32> to vector<1280x1xf32>
    %mul3A = vector.broadcast %broadcast_in_dim3A : vector<1280x1xf32> to vector<1280x128xf32>
    %mul3A_37 = arith.mulf %add3A, %mul3A : vector<1280x128xf32>
    %get3A_38 = arith.constant 0 : index
    %get3A_39 = arith.constant 0 : index
    %get3A_40 = vector.load %arg3[%get3A_38, %get3A_39] : memref<1x128xf32, #tpu.memory_space<vmem>>, vector<1x128xf32>
    %get3A_41 = vector.shape_cast %get3A_40 : vector<1x128xf32> to vector<128xf32>
    %broadcast_in_dim3A_42 = vector.shape_cast %get3A_41 : vector<128xf32> to vector<1x128xf32>
    %add3A_43 = vector.broadcast %broadcast_in_dim3A_42 : vector<1x128xf32> to vector<1280x128xf32>
    %add3A_44 = arith.addf %mul3A_37, %add3A_43 : vector<1280x128xf32>
    %max3A_45 = arith.constant 0.000000e+00 : f32
    %max3A_46 = vector.broadcast %max3A_45 : f32 to vector<1280x128xf32>
    %max3A_47 = arith.maximumf %add3A_44, %max3A_46 : vector<1280x128xf32>
    %get3A_48 = arith.constant 0 : index
    %get3A_49 = arith.constant 0 : index
    %get3A_50 = vector.load %arg4[%get3A_48, %get3A_49] : memref<128x128xf32, #tpu.memory_space<vmem>>, vector<128x128xf32>
    %dot_general3A = arith.constant dense<0.000000e+00> : vector<1280x128xf32>
    %dot_general3A_51 = tpu.matmul %max3A_47, %get3A_50, %dot_general3A {dimension_numbers = #tpu.dot_dimension_numbers<[1], [0], [0], [1], [0, 0, 1, 1], [], []>, transpose_lhs_hint = false} : vector<1280x128xf32>, vector<128x128xf32>, vector<1280x128xf32> -> vector<1280x128xf32>
    %broadcast_in_dim3A_52 = vector.shape_cast %rsqrt3A_36 : vector<1280xf32> to vector<1280x1xf32>
    %mul3A_53 = vector.broadcast %broadcast_in_dim3A_52 : vector<1280x1xf32> to vector<1280x128xf32>
    %mul3A_54 = arith.mulf %dot_general3A_51, %mul3A_53 : vector<1280x128xf32>
    %swap3A = arith.constant 0 : index
    %swap3A_55 = arith.constant 0 : index
    %swap3A_56 = arith.constant 0 : index
    %swap3A_57 = vector.load %arg5[%swap3A, %swap3A_55, %swap3A_56] : memref<8x1280x128xf32, #tpu.memory_space<vmem>>, vector<1x1280x128xf32>
    %swap3A_58 = vector.shape_cast %swap3A_57 : vector<1x1280x128xf32> to vector<1280x128xf32>
    %swap3A_59 = vector.shape_cast %mul3A_54 : vector<1280x128xf32> to vector<1x1280x128xf32>
    tpu.vector_store %arg5[%swap3A, %swap3A_55, %swap3A_56], %swap3A_59 {strides = array<i32>} : memref<8x1280x128xf32, #tpu.memory_space<vmem>>, vector<1x1280x128xf32>,
    %swap3A_60 = arith.constant 1 : index
    %swap3A_61 = arith.constant 0 : index
    %swap3A_62 = arith.constant 0 : index
    %swap3A_63 = vector.load %arg5[%swap3A_60, %swap3A_61, %swap3A_62] : memref<8x1280x128xf32, #tpu.memory_space<vmem>>, vector<1x1280x128xf32>
    %swap3A_64 = vector.shape_cast %swap3A_63 : vector<1x1280x128xf32> to vector<1280x128xf32>
    %swap3A_65 = vector.shape_cast %mul3A_54 : vector<1280x128xf32> to vector<1x1280x128xf32>
    tpu.vector_store %arg5[%swap3A_60, %swap3A_61, %swap3A_62], %swap3A_65 {strides = array<i32>} : memref<8x1280x128xf32, #tpu.memory_space<vmem>>, vector<1x1280x128xf32>,
    %swap3A_66 = arith.constant 2 : index
    %swap3A_67 = arith.constant 0 : index
    %swap3A_68 = arith.constant 0 : index
    %swap3A_69 = vector.load %arg5[%swap3A_66, %swap3A_67, %swap3A_68] : memref<8x1280x128xf32, #tpu.memory_space<vmem>>, vector<1x1280x128xf32>
    %swap3A_70 = vector.shape_cast %swap3A_69 : vector<1x1280x128xf32> to vector<1280x128xf32>
    %swap3A_71 = vector.shape_cast %mul3A_54 : vector<1280x128xf32> to vector<1x1280x128xf32>
    tpu.vector_store %arg5[%swap3A_66, %swap3A_67, %swap3A_68], %swap3A_71 {strides = array<i32>} : memref<8x1280x128xf32, #tpu.memory_space<vmem>>, vector<1x1280x128xf32>,
    %swap3A_72 = arith.constant 3 : index
    %swap3A_73 = arith.constant 0 : index
    %swap3A_74 = arith.constant 0 : index
    %swap3A_75 = vector.load %arg5[%swap3A_72, %swap3A_73, %swap3A_74] : memref<8x1280x128xf32, #tpu.memory_space<vmem>>, vector<1x1280x128xf32>
    %swap3A_76 = vector.shape_cast %swap3A_75 : vector<1x1280x128xf32> to vector<1280x128xf32>
    %swap3A_77 = vector.shape_cast %mul3A_54 : vector<1280x128xf32> to vector<1x1280x128xf32>
    tpu.vector_store %arg5[%swap3A_72, %swap3A_73, %swap3A_74], %swap3A_77 {strides = array<i32>} : memref<8x1280x128xf32, #tpu.memory_space<vmem>>, vector<1x1280x128xf32>,
    %swap3A_78 = arith.constant 4 : index
    %swap3A_79 = arith.constant 0 : index
    %swap3A_80 = arith.constant 0 : index
    %swap3A_81 = vector.load %arg5[%swap3A_78, %swap3A_79, %swap3A_80] : memref<8x1280x128xf32, #tpu.memory_space<vmem>>, vector<1x1280x128xf32>
    %swap3A_82 = vector.shape_cast %swap3A_81 : vector<1x1280x128xf32> to vector<1280x128xf32>
    %swap3A_83 = vector.shape_cast %mul3A_54 : vector<1280x128xf32> to vector<1x1280x128xf32>
    tpu.vector_store %arg5[%swap3A_78, %swap3A_79, %swap3A_80], %swap3A_83 {strides = array<i32>} : memref<8x1280x128xf32, #tpu.memory_space<vmem>>, vector<1x1280x128xf32>,
    %swap3A_84 = arith.constant 5 : index
    %swap3A_85 = arith.constant 0 : index
    %swap3A_86 = arith.constant 0 : index
    %swap3A_87 = vector.load %arg5[%swap3A_84, %swap3A_85, %swap3A_86] : memref<8x1280x128xf32, #tpu.memory_space<vmem>>, vector<1x1280x128xf32>
    %swap3A_88 = vector.shape_cast %swap3A_87 : vector<1x1280x128xf32> to vector<1280x128xf32>
    %swap3A_89 = vector.shape_cast %mul3A_54 : vector<1280x128xf32> to vector<1x1280x128xf32>
    tpu.vector_store %arg5[%swap3A_84, %swap3A_85, %swap3A_86], %swap3A_89 {strides = array<i32>} : memref<8x1280x128xf32, #tpu.memory_space<vmem>>, vector<1x1280x128xf32>,
    %swap3A_90 = arith.constant 6 : index
    %swap3A_91 = arith.constant 0 : index
    %swap3A_92 = arith.constant 0 : index
    %swap3A_93 = vector.load %arg5[%swap3A_90, %swap3A_91, %swap3A_92] : memref<8x1280x128xf32, #tpu.memory_space<vmem>>, vector<1x1280x128xf32>
    %swap3A_94 = vector.shape_cast %swap3A_93 : vector<1x1280x128xf32> to vector<1280x128xf32>
    %swap3A_95 = vector.shape_cast %mul3A_54 : vector<1280x128xf32> to vector<1x1280x128xf32>
    tpu.vector_store %arg5[%swap3A_90, %swap3A_91, %swap3A_92], %swap3A_95 {strides = array<i32>} : memref<8x1280x128xf32, #tpu.memory_space<vmem>>, vector<1x1280x128xf32>,
    %swap3A_96 = arith.constant 7 : index
    %swap3A_97 = arith.constant 0 : index
    %swap3A_98 = arith.constant 0 : index
    %swap3A_99 = vector.load %arg5[%swap3A_96, %swap3A_97, %swap3A_98] : memref<8x1280x128xf32, #tpu.memory_space<vmem>>, vector<1x1280x128xf32>
    %swap3A_100 = vector.shape_cast %swap3A_99 : vector<1x1280x128xf32> to vector<1280x128xf32>
    %swap3A_101 = vector.shape_cast %mul3A_54 : vector<1280x128xf32> to vector<1x1280x128xf32>
    tpu.vector_store %arg5[%swap3A_96, %swap3A_97, %swap3A_98], %swap3A_101 {strides = array<i32>} : memref<8x1280x128xf32, #tpu.memory_space<vmem>>, vector<1x1280x128xf32>,
    return
  }
  func.func @transform_0(%arg0: i32) -> (i32, i32, i32) {
    %c0_i32 = arith.constant 0 : i32
    %c0_i32_0 = arith.constant 0 : i32
    %c0_i32_1 = arith.constant 0 : i32
    return %c0_i32, %arg0, %c0_i32_0 : i32, i32, i32
  }
  func.func @transform_1(%arg0: i32) -> (i32, i32, i32) {
    %c0_i32 = arith.constant 0 : i32
    %c0_i32_0 = arith.constant 0 : i32
    %c0_i32_1 = arith.constant 0 : i32
    return %c0_i32, %c0_i32_0, %arg0 : i32, i32, i32
  }
  func.func @transform_2(%arg0: i32) -> (i32, i32) {
    %c0_i32 = arith.constant 0 : i32
    %c0_i32_0 = arith.constant 0 : i32
    %c0_i32_1 = arith.constant 0 : i32
    return %c0_i32, %c0_i32_0 : i32, i32
  }
  func.func @transform_3(%arg0: i32) -> (i32, i32) {
    %c0_i32 = arith.constant 0 : i32
    %c0_i32_0 = arith.constant 0 : i32
    %c0_i32_1 = arith.constant 0 : i32
    return %c0_i32, %c0_i32_0 : i32, i32
  }
  func.func @transform_4(%arg0: i32) -> (i32, i32, i32) {
    %c0_i32 = arith.constant 0 : i32
    %c0_i32_0 = arith.constant 0 : i32
    %c0_i32_1 = arith.constant 0 : i32
    return %c0_i32, %arg0, %c0_i32_0 : i32, i32, i32
  }
}

module attributes {stable_mosaic.version = 14 : i64} {
  func.func @_fin_body(%arg0: i32, %arg1: memref<2x1280x128xf32, #tpu.memory_space<vmem>>, %arg2: memref<2x2x1280xf32, #tpu.memory_space<vmem>>, %arg3: memref<1x128xf32, #tpu.memory_space<vmem>>, %arg4: memref<1280x128xf32, #tpu.memory_space<vmem>>) attributes {dimension_semantics = [#tpu.dimension_semantics<arbitrary>], iteration_bounds = array<i64: 8>, scalar_prefetch = 0 : i64, scratch_operands = 0 : i64, tpu.core_type = #tpu.core_type<tc>, window_params = [{transform_indices = @transform_0, window_bounds = array<i64: 2, 1280, 128>}, {transform_indices = @transform_1, window_bounds = array<i64: 2, 2, 1280>}, {pipeline_mode = #tpu.pipeline_mode<synchronous>, transform_indices = @transform_2, window_bounds = array<i64: 1, 128>}, {transform_indices = @transform_3, window_bounds = array<i64: 1280, 128>}]} {
    %get3A = arith.constant 0 : index
    %get3A_0 = arith.constant 0 : index
    %get3A_1 = arith.constant 0 : index
    %get3A_2 = vector.load %arg1[%get3A, %get3A_0, %get3A_1] : memref<2x1280x128xf32, #tpu.memory_space<vmem>>, vector<1x1280x128xf32>
    %get3A_3 = vector.shape_cast %get3A_2 : vector<1x1280x128xf32> to vector<1280x128xf32>
    %get3A_4 = arith.constant 1 : index
    %get3A_5 = arith.constant 0 : index
    %get3A_6 = arith.constant 0 : index
    %get3A_7 = vector.load %arg1[%get3A_4, %get3A_5, %get3A_6] : memref<2x1280x128xf32, #tpu.memory_space<vmem>>, vector<1x1280x128xf32>
    %get3A_8 = vector.shape_cast %get3A_7 : vector<1x1280x128xf32> to vector<1280x128xf32>
    %add3A = arith.addf %get3A_3, %get3A_8 : vector<1280x128xf32>
    %get3A_9 = arith.constant 0 : index
    %get3A_10 = arith.constant 1 : index
    %get3A_11 = arith.constant 0 : index
    %get3A_12 = vector.load %arg2[%get3A_9, %get3A_10, %get3A_11] : memref<2x2x1280xf32, #tpu.memory_space<vmem>>, vector<1x1x1280xf32>
    %get3A_13 = vector.shape_cast %get3A_12 : vector<1x1x1280xf32> to vector<1280xf32>
    %get3A_14 = arith.constant 1 : index
    %get3A_15 = arith.constant 1 : index
    %get3A_16 = arith.constant 0 : index
    %get3A_17 = vector.load %arg2[%get3A_14, %get3A_15, %get3A_16] : memref<2x2x1280xf32, #tpu.memory_space<vmem>>, vector<1x1x1280xf32>
    %get3A_18 = vector.shape_cast %get3A_17 : vector<1x1x1280xf32> to vector<1280xf32>
    %add3A_19 = arith.addf %get3A_13, %get3A_18 : vector<1280xf32>
    %max3A = arith.constant 1.000000e+00 : f32
    %max3A_20 = vector.broadcast %max3A : f32 to vector<1280xf32>
    %max3A_21 = arith.maximumf %add3A_19, %max3A_20 : vector<1280xf32>
    %rsqrt3A = math.rsqrt %max3A_21 : vector<1280xf32>
    %broadcast_in_dim3A = vector.shape_cast %rsqrt3A : vector<1280xf32> to vector<1280x1xf32>
    %mul3A = vector.broadcast %broadcast_in_dim3A : vector<1280x1xf32> to vector<1280x128xf32>
    %mul3A_22 = arith.mulf %add3A, %mul3A : vector<1280x128xf32>
    %get3A_23 = arith.constant 0 : index
    %get3A_24 = arith.constant 0 : index
    %get3A_25 = vector.load %arg3[%get3A_23, %get3A_24] : memref<1x128xf32, #tpu.memory_space<vmem>>, vector<1x128xf32>
    %get3A_26 = vector.shape_cast %get3A_25 : vector<1x128xf32> to vector<128xf32>
    %broadcast_in_dim3A_27 = vector.shape_cast %get3A_26 : vector<128xf32> to vector<1x128xf32>
    %add3A_28 = vector.broadcast %broadcast_in_dim3A_27 : vector<1x128xf32> to vector<1280x128xf32>
    %add3A_29 = arith.addf %mul3A_22, %add3A_28 : vector<1280x128xf32>
    %swap3A = arith.constant 0 : index
    %swap3A_30 = arith.constant 0 : index
    %swap3A_31 = vector.load %arg4[%swap3A, %swap3A_30] : memref<1280x128xf32, #tpu.memory_space<vmem>>, vector<1280x128xf32>
    tpu.vector_store %arg4[%swap3A, %swap3A_30], %add3A_29 {strides = array<i32>} : memref<1280x128xf32, #tpu.memory_space<vmem>>, vector<1280x128xf32>,
    return
  }
  func.func @transform_0(%arg0: i32) -> (i32, i32, i32) {
    %c0_i32 = arith.constant 0 : i32
    %c0_i32_0 = arith.constant 0 : i32
    %c0_i32_1 = arith.constant 0 : i32
    return %c0_i32, %arg0, %c0_i32_0 : i32, i32, i32
  }
  func.func @transform_1(%arg0: i32) -> (i32, i32, i32) {
    %c0_i32 = arith.constant 0 : i32
    %c0_i32_0 = arith.constant 0 : i32
    %c0_i32_1 = arith.constant 0 : i32
    return %c0_i32, %c0_i32_0, %arg0 : i32, i32, i32
  }
  func.func @transform_2(%arg0: i32) -> (i32, i32) {
    %c0_i32 = arith.constant 0 : i32
    %c0_i32_0 = arith.constant 0 : i32
    %c0_i32_1 = arith.constant 0 : i32
    return %c0_i32, %c0_i32_0 : i32, i32
  }
  func.func @transform_3(%arg0: i32) -> (i32, i32) {
    %c0_i32 = arith.constant 0 : i32
    %c0_i32_0 = arith.constant 0 : i32
    return %arg0, %c0_i32 : i32, i32
  }
}

</mosaic_0001>

<sc_bundles>
// kernel: kernel.11.cloned.1.call-start
scs
__scs_entry_jumppad:
0x0: {  	(pc) =	sbr.rel $0x88, $3  }
0x1: {  	(tag) =	ssettag $0x0;
	lr =	simm.s32 $0x1  }
0x2: {  	[smem:$0x3F9B] =	sst lr;
	_ =	strace $0xD0000000  }
0x3: {  	_ = 	snop  }
0x4: {  	_ = 	snop  }
0x5: {  	_ = 	snop  }
0x6: {  	_ = 	snop  }
0x7: {  	_ = 	snop  }
__scs_overlays_trampoline_lowered:
0x8: {  	[smem:$0x3FAA] =	sst s0  }
0x9: {  	[smem:$0x3FAB] =	sst s1  }
0xa: {  	[smem:$0x3FAC] =	sst s2  }
0xb: {  	[smem:$0x3FAD] =	sst s3  }
0xc: {  	[smem:$0x3FAE] =	sst s4  }
0xd: {  	[smem:$0x3FAF] =	sst s5  }
0xe: {  	[smem:$0x3FB0] =	sst s6  }
0xf: {  	[smem:$0x3FB1] =	sst s7  }
0x10: {  	[smem:$0x3FB2] =	sst s8  }
0x11: {  	[smem:$0x3FB3] =	sst s9;
	s0 =	simm.s32 @!p0 $0x0  }
0x12: {  	s1 =	sld [smem:$0x3F99];
	s0 =	simm.s32 @p0 $0x1  }
0x13: {  	[smem:$0x3FB4] =	sst s0;
	s0 =	simm.s32 @!p1 $0x0  }
0x14: {  	s2 =	sld [smem:$0x3F98];
	s0 =	simm.s32 @p1 $0x1  }
0x15: {  	[smem:$0x3FB5] =	sst s0;
	s0 =	simm.s32 @!p2 $0x0  }
0x16: {  	s3 =	sld [smem:$0x3FDB];
	s0 =	simm.s32 @p2 $0x1  }
0x17: {  	s4 =	simm.s32 $0x1BF5;
	[smem:$0x3FB7] =	sst s0  }
0x18: {  	s0 =	sld [smem:$0x3F9A];
	_ =	swait.ge [sflag:s4], $0x0  }
0x19: {  	s7 =	sld [smem:$0x3F9B]  }
0x1a: {  	s8 =	sadd.s32 $0xFFFFE003, lr  }
0x1b: {  	s9 =	sadd.s32 $0xFFFFFEF7, lr;
	s5 =	simm.s32 $0xFFFFFFFF;
	p2 =	slt.u32 s8, $0xFFFFF086  }
0x1c: {  	p1 =	slt.u32 s9, $0xF7A;
	s5 =	simm.s32 @!p2 $0x0  }
0x1d: {  	s5 =	simm.s32 @p1 $0x1;
	p0 =	seq.s32 s7, s2  }
0x1e: {  	s7 =	smul.u32 @!p0 $0xF7A, s2;
	p2 =	seq.s32 @!p0 s5, $0x0  }
0x1f: {  	s9 =	smul.u32 $0xF7A, s1;
	s8 =	simm.s32 @!p0 $0x1BF5;
	p2 =	por !p2, p0  }
0x20: {  	[sflag:s8] =	ssyncset.s32 @!p0 $0xFFFFF086;
	s6 =	sadd.s32 @!p0 s3, s7;
	s7 =	simm.s32 @!p0 $0x108  }
0x21: {  	s3 =	sadd.s32 s3, s9;
	s6 =	sadd.s32 @!p0 $0x88, s6;
	s7 =	simm.s32 @p2 $0x1082  }
0x22: {  	[simem:s7], [sflag:s8] =	dma.local @!p0 [hbm:s6], $0xF7A  }
0x23: {  	s9 =	sor.u32 $0xD0000000, s2;
	s6 =	simm.s32 $0x108;
	_ =	swait.ge @!p0 [sflag:s8], $0x0  }
0x24: {  	s3 =	sadd.s32 $0x88, s3;
	s6 =	simm.s32 @!p1 $0x1082;
	[sflag:s4] =	ssyncset.s32 $0xFFFFF086  }
0x25: {  	[simem:s6], [sflag:s4] =	dma.local [hbm:s3], $0xF7A  }
0x26: {  	[smem:$0x3F9B] =	sst s1;
	(tag) =	ssettag s2;
	_ =	strace s9  }
0x27: {  	s1 =	sld [smem:$0x3FAB]  }
0x28: {  	s2 =	sld [smem:$0x3FAC]  }
0x29: {  	s4 =	sld [smem:$0x3FAE]  }
0x2a: {  	p0 =	seq.s32 s5, $0x0;
	s5 =	sld [smem:$0x3FAF]  }
0x2b: {  	s6 =	sld [smem:$0x3FB0]  }
0x2c: {  	s7 =	sld [smem:$0x3FB1]  }
0x2d: {  	s3 =	simm.s32 $0x108;
	s8 =	sld [smem:$0x3FB2]  }
0x2e: {  	s3 =	simm.s32 @!p0 $0x1082;
	s9 =	sld [smem:$0x3FB3]  }
0x2f: {  	lr =	sadd.s32 s0, s3;
	s0 =	sld [smem:$0x3FAA]  }
0x30: {  	s3 =	sld [smem:$0x3FAD]  }
0x31: {  	[smem:$0x3FB6] =	sst s10  }
0x32: {  	s10 =	sld [smem:$0x3FB4];
	_ =	sdelay $0x3  }
0x33: {  	p0 =	seq.s32 s10, $0x1;
	s10 =	sld [smem:$0x3FB6];
	_ =	sdelay $0x3  }
0x34: {  	[smem:$0x3FB6] =	sst s10  }
0x35: {  	s10 =	sld [smem:$0x3FB5];
	_ =	sdelay $0x3  }
0x36: {  	p1 =	seq.s32 s10, $0x1;
	s10 =	sld [smem:$0x3FB6];
	_ =	sdelay $0x3  }
0x37: {  	[smem:$0x3FB6] =	sst s10  }
0x38: {  	s10 =	sld [smem:$0x3FB7]  }
0x39: {  	_ = 	snop;
	(pc) =	sbr.ind lr, $3  }
0x3a: {  	_ = 	snop  }
0x3b: {  	_ = 	snop  }
0x3c: {  	p2 =	seq.s32 s10, $0x1;
	s10 =	sld [smem:$0x3FB6]  }
0x3d: {  	_ =	shalt  }
0x3e: {  	_ =	shalt  }
0x3f: {  	_ =	shalt  }
0x40: {  	_ =	shalt  }
0x41: {  	_ =	shalt  }
0x42: {  	_ =	shalt  }
0x43: {  	_ =	shalt  }
0x44: {  	_ =	shalt  }
0x45: {  	_ =	shalt  }
0x46: {  	_ =	shalt  }
0x47: {  	_ =	shalt  }
0x48: {  	_ =	shalt  }
0x49: {  	_ =	shalt  }
0x4a: {  	_ =	shalt  }
0x4b: {  	_ =	shalt  }
0x4c: {  	_ =	shalt  }
0x4d: {  	_ =	shalt  }
0x4e: {  	_ =	shalt  }
0x4f: {  	_ =	shalt  }
0x50: {  	_ =	shalt  }
0x51: {  	_ =	shalt  }
0x52: {  	_ =	shalt  }
0x53: {  	_ =	shalt  }
0x54: {  	_ =	shalt  }
0x55: {  	_ =	shalt  }
0x56: {  	_ =	shalt  }
0x57: {  	_ =	shalt  }
0x58: {  	_ =	shalt  }
0x59: {  	_ =	shalt  }
0x5a: {  	_ =	shalt  }
0x5b: {  	_ =	shalt  }
0x5c: {  	_ =	shalt  }
0x5d: {  	_ =	shalt  }
0x5e: {  	_ =	shalt  }
0x5f: {  	_ =	shalt  }
0x60: {  	_ =	shalt  }
0x61: {  	_ =	shalt  }
0x62: {  	_ =	shalt  }
0x63: {  	_ =	shalt  }
0x64: {  	_ =	shalt  }
0x65: {  	_ =	shalt  }
0x66: {  	_ =	shalt  }
0x67: {  	_ =	shalt  }
0x68: {  	_ =	shalt  }
0x69: {  	_ =	shalt  }
0x6a: {  	_ =	shalt  }
0x6b: {  	_ =	shalt  }
0x6c: {  	_ =	shalt  }
0x6d: {  	_ =	shalt  }
0x6e: {  	_ =	shalt  }
0x6f: {  	_ =	shalt  }
0x70: {  	_ =	shalt  }
0x71: {  	_ =	shalt  }
0x72: {  	_ =	shalt  }
0x73: {  	_ =	shalt  }
0x74: {  	_ =	shalt  }
0x75: {  	_ =	shalt  }
0x76: {  	_ =	shalt  }
0x77: {  	_ =	shalt  }
0x78: {  	_ =	shalt  }
0x79: {  	_ =	shalt  }
0x7a: {  	_ =	shalt  }
0x7b: {  	_ =	shalt  }
0x7c: {  	_ =	shalt  }
0x7d: {  	_ =	shalt  }
0x7e: {  	_ =	shalt  }
0x7f: {  	_ =	shalt  }
0x80: {  	_ =	shalt  }
0x81: {  	_ =	shalt  }
0x82: {  	_ =	shalt  }
0x83: {  	_ =	shalt  }
0x84: {  	_ =	shalt  }
0x85: {  	_ =	shalt  }
0x86: {  	_ =	shalt  }
0x87: {  	_ =	shalt  }
.Lfunc_end0:
.L_simem_size_0:
called_computation.1_lowered:
.L_overlay_start_0:
0x88: {  	s2 =	sld [smem:$0x3FD9]  }
0x89: {  	s3 =	sld [smem:$0x3FFE];
	_ =	sdelay $0x1  }
0x8a: {  	s1 =	srdreg.scid  }
0x8b: {  	s0 =	sand.u32 $0x1, s1  }
0x8c: {  	s17 =	sshll.u32 s0, $0xA;
	s2 =	sadd.s32 s3, s2  }
0x8d: {  	s2 =	sadd.s32 s2, s17  }
0x8e: {  	[smem:$0x3FC2] =	sst s2  }
0x8f: {  	_ = 	snop  }
0x90: {  	s2 =	sld [smem:$0x3FD0];
	(tm) =	ssettm $0x1  }
0x91: {  	s18 =	sld [smem:$0x3FFB];
	_ =	sdelay $0x3  }
0x92: {  	_ =	strace s18  }
0x93: {  	s3 =	sld [smem:$0x3FFC];
	_ =	sdelay $0x3  }
0x94: {  	_ =	strace s3  }
0x95: {  	s3 =	sld [smem:$0x3FFD];
	_ =	sdelay $0x3  }
0x96: {  	_ =	strace s3  }
0x97: {  	_ =	strace $0x8FFFFFFF  }
0x98: {  	s19 =	sld [smem:$0x3FDB];
	_ =	sdelay $0x1  }
0x99: {  	s4 =	simm.s32 $_scs_section_size  }
0x9a: {  	s5 =	simm.s32 $_size__tile_overlayer_lowered;
	s6 =	simm.s32 $_tile_overlayer_lowered  }
0x9b: {  	s22 =	simm.s32 $0x1BFF;
	s21 =	sshll.u32 s6, $0x1;
	s3 =	sadd.s32 s4, s19  }
0x9c: {  	s7 =	simm.s32 $0x0;
	s20 =	sshll.u32 s5, $0x1;
	s5 =	sadd.s32 s21, s3  }
0x9d: {  	[timem:s7], [sflag:s22] =	dma.local [hbm:s5], s20  }
0x9e: {  	_ =	swait.ge [sflag:s22], s20  }
0x9f: {  	s4 =	ssub.s32 $0x0, s20;
	[sflag:s22] =	ssyncset.done $0x0  }
0xa0: {  	[sflag:s22] =	ssyncadd.s32 s4;
	_ =	sdelay $0x1  }
0xa1: {  	s23 =	simm.s32 $0x1B8B  }
0xa2: {  	_ =	swait.ge [sflag:s23], $0x1  }
0xa3: {  	[sflag:s23] =	ssyncset.done $0x0  }
0xa4: {  	s25 =	simm.s32 $0x1B8E;
	s24 =	sld [smem:$0x3FFE];
	[sflag:s23] =	ssyncadd.s32 $0xFFFFFFFF  }
0xa5: {  	s26 =	simm.s32 $execute0_lowered;
	[smem:$0x3FD2] =	sst s25  }
0xa6: {  	s5 =	sshll.u32 s26, $0x1;
	_ =	strace $0x80000049;
	[dreg:$0x1] =	wrdreg $0xFFFFFFFF  }
0xa7: {  	s28 =	simm.s32 $_size_execute0_lowered;
	s3 =	sadd.s32 s3, s5;
	[dreg:$0x0] =	wrdreg $0x0  }
0xa8: {  	s5 =	sshll.u32 s28, $0x1;
	[dreg:$0x2] =	wrdreg s3  }
0xa9: {  	[dreg:$0x3] =	wrdreg s5  }
0xaa: {  	[dreg:$0x4] =	wrdreg $0xC0  }
0xab: {  	_ =	task [dreg:s7], $0x5FFFF  }
0xac: {  	[dreg:$0x1] =	wrdreg $0xFFFFFFFF  }
0xad: {  	[dreg:$0x0] =	wrdreg $0x60  }
0xae: {  	[dreg:$0x2] =	wrdreg s24  }
0xaf: {  	[dreg:$0x3] =	wrdreg s2  }
0xb0: {  	[dreg:$0x4] =	wrdreg $0xAC000  }
0xb1: {  	[dreg:$0x5] =	wrdreg $0x9  }
0xb2: {  	_ =	task.clear_ibuf [dreg:s7], $0x6FFFF;
	_ =	strace $0x90000049  }
0xb3: {  	s29 =	simm.s32 $0x9;
	_ =	strace $0x8000004B  }
0xb4: {  	_ =	swait.ge [sflag:s29], $0x1  }
0xb5: {  	[sflag:s29] =	ssyncadd.s32 $0xFFFFFFFF  }
0xb6: {  	_ =	strace $0x9000004B  }
0xb7: {  	_ =	sfence  }
0xb8: {  	s30 =	sld [smem:$0x0];
	_ =	sdelay $0x2  }
0xb9: {  	s31 =	sshll.u32 s1, $0xD;
	s1 =	sshrl.u32 s1, $0x2  }
0xba: {  	s3 =	sand.u32 $0x4000, s31;
	s1 =	sadd.s32 s1, s30  }
0xbb: {  	s0 =	sor.u32 s3, s0;
	s1 =	sshll.u32 s1, $0x11  }
0xbc: {  	s0 =	sor.u32 s1, s0  }
0xbd: {  	s0 =	sadd.s32 $0x8F2B, s0  }
0xbe: {  	[sflag:s0] =	ssyncadd.remote.s32 $0x1  }
0xbf: {  	_ =	sfence.sel $0xFFFF  }
0xc0: {  	[dreg:$0x0] =	wrdreg $0xFFFFFFFF;
	(pc) =	sbr.abs _section_cstart, $3  }
0xc1: {  	[dreg:$0x1] =	wrdreg $0xFFFFFFFF  }
0xc2: {  	_ =	task.clear_ibuf [dreg:s7], $0x2FFFF;
	_ =	strace $0x9FFFFFFF  }
0xc3: {  	(tm) =	ssettm $0x7FFFFFFF  }
tec
execute0_lowered:
.L_overlay_start_1:
0x0: {  	(tag) =	ssettag $0x1  }
0x1: {  	s1 =	srdreg.scid;
	s5 =	rddreg [dreg:$0x0]  }
0x2: {  	s0 =	stileid.u32;
	s6 =	rddreg [dreg:$0x1]  }
0x3: {  	s3 =	simm.s32 $0x0;
	s17 =	simm.s32 $0x2C00;
	s18 =	simm.s32 $0x1  }
0x4: {  	s19 =	simm.s32 $0x6C00;
	s20 =	simm.s32 $0x1880;
	s21 =	simm.s32 $0x2  }
0x5: {  	s22 =	simm.s32 $0x0;
	s4 =	sand.u32 $0x1, s1;
	s10 =	smul.u32 $0x14000, s0  }
0x6: {  	s2 =	sshrl.u32 s0, $0x2;
	[smem:$0x7FF] =	sst s3;
	s28 =	smul.u32 $0x50000, s0  }
0x7: {  	s30 =	sshll.u32 s0, $0x6;
	s1 =	sshll.u32 s4, $0x2;
	s24 =	sshll.u32 s4, $0x4  }
0x8: {  	s11 =	smul.u32 $0x140000, s4;
	s4 =	ssub.s32 $0x2, s4;
	s1 =	sor.u32 s2, s1  }
0x9: {  	s8 =	sor.u32 s0, s24;
	s2 =	rddreg [dreg:$0x2];
	s7 =	smul.u32 $0x28000, s1  }
0xa: {  	s25 =	sshrl.u32 s10, $0x3;
	s29 =	sshrl.u32 s4, $0x1;
	s9 =	smul.u32 $0x2800, s8  }
0xb: {  	s1 =	rddreg [dreg:$0x3];
	_ =	strace $0x8000004A;
	s26 =	sadd.s32 s10, s11  }
0xc: {  	s10 =	sshrl.u32 s28, $0x2;
	s8 =	smul.u32 $0x3000, s8;
	s15 =	ssub.s32 s4, s29  }
0xd: {  	s16 =	sadd.s32 s10, s2;
	s9 =	sshrl.u32 s9, $0x3;
	s12 =	sadd.s32 s7, s5  }
0xe: {  	s7 =	sadd.s32 s25, s5;
	s31 =	sshrl.u32 s8, $0x3;
	s13 =	sadd.s32 s9, s5  }
0xf: {  	s9 =	sshrl.u32 s26, $0x3;
	s4 =	sadd.s32 $0x14C000, s7;
	s6 =	sadd.s32 s6, s31  }
0x10: {  	s8 =	sadd.s32 $0xC000, s12;
	s12 =	smax.u32 s15, $0x1;
	s15 =	simm.s32 $0x1800  }
0x11: {  	s14 =	sadd.s32 s9, s5;
	s5 =	sor.u32 $0x1C03, s30;
	s7 =	sadd.s32 $0x2000, s13  }
0x12: {  	s9 =	sadd.s32 $0x300, s6;
	s10 =	sadd.s32 $0x2280, s13;
	s13 =	sshrl.u32 s16, $0x3  }
0x13: {  	s16 =	simm.s32 $0x80;
	s11 =	sadd.s32 $0x174000, s14;
	s14 =	simm.s32 $0x3  }
.LBB2_1:
0x14: {  	[spmem:s13], [sflag:s5] =	dma.local [hbm:s4], $0x2800  }
0x15: {  	_ =	swait.ge [sflag:s14], $0x2800  }
0x16: {  	[sflag:s14] =	ssyncset.done $0x0  }
0x17: {  	[sflag:s14] =	ssyncadd.s32 $0xFFFFD800  }
0x18: {  	[bflag:$0x0] =	sbarrier.arrive $0xFFFF  }
0x19: {  	[tilespmem:s3], [sflag:$0x3] =	stream.linear.gather [hbm4b:s6+s3], $0x1500, $0x38;
	[tilespmem:$0x1EC00] =	vst v63  }
0x1a: {  	_ =	swait.ge [sflag:s14], $0x1500  }
0x1b: {  	[sflag:s14] =	ssyncset.done $0x0  }
0x1c: {  	[sflag:s14] =	ssyncadd.s32 $0xFFFFEB00  }
0x1d: {  	[tilespmem:s15], [sflag:$0x3] =	stream.linear.gather [hbm4b:s7+s3], $0x1400, $0x38;
	[tilespmem:$0x1EC00] =	vst v63  }
0x1e: {  	_ =	swait.ge [sflag:s14], $0x1400  }
0x1f: {  	[sflag:s14] =	ssyncset.done $0x0  }
0x20: {  	[sflag:s14] =	ssyncadd.s32 $0xFFFFEC00  }
0x21: {  	[tilespmem:s17], [sflag:$0x1] =	stream.indirect.gather [hbm4b:s8+s16], $0x80, s3, s16, $0xb8;
	[tilespmem:$0x1EC00] =	vst v63  }
0x22: {  	_ =	swait.ge [sflag:s18], $0x4000  }
0x23: {  	[sflag:s18] =	ssyncset.done $0x0  }
0x24: {  	[sflag:s18] =	ssyncadd.s32 $0xFFFFC000  }
0x25: {  	[spmem:s2] =	stream.indirect.scatter.add.f32 [tilespmem:s17], [sflag:$0x2], $0x80, s15, s16, $0xb8;
	[tilespmem:$0x1EC00] =	vst v63  }
0x26: {  	_ = 	snop  }
0x27: {  	[tilespmem:s19], [sflag:$0x1] =	stream.indirect.gather [hbm4b:s8+s16], $0x80, s16, s16, $0xb8;
	[tilespmem:$0x1EC00] =	vst v63  }
0x28: {  	_ =	swait.ge [sflag:s18], $0x4000  }
0x29: {  	[sflag:s18] =	ssyncset.done $0x0  }
0x2a: {  	[sflag:s18] =	ssyncadd.s32 $0xFFFFC000  }
0x2b: {  	[spmem:s2] =	stream.indirect.scatter.add.f32 [tilespmem:s19], [sflag:$0x2], $0x80, s20, s16, $0xb8;
	[tilespmem:$0x1EC00] =	vst v63  }
0x2c: {  	_ =	swait.ge [sflag:s21], $0x4000  }
0x2d: {  	[sflag:s21] =	ssyncset.done $0x0  }
0x2e: {  	s23 =	simm.s32 $0x100;
	[sflag:s21] =	ssyncadd.s32 $0xFFFFC000  }
0x2f: {  	[tilespmem:s17], [sflag:$0x1] =	stream.indirect.gather [hbm4b:s8+s16], $0x80, s23, s16, $0xb8;
	[tilespmem:$0x1EC00] =	vst v63  }
0x30: {  	_ =	swait.ge [sflag:s18], $0x4000  }
0x31: {  	[sflag:s18] =	ssyncset.done $0x0  }
0x32: {  	s30 =	simm.s32 $0x1900;
	[sflag:s18] =	ssyncadd.s32 $0xFFFFC000  }
0x33: {  	[spmem:s2] =	stream.indirect.scatter.add.f32 [tilespmem:s17], [sflag:$0x2], $0x80, s30, s16, $0xb8;
	[tilespmem:$0x1EC00] =	vst v63  }
0x34: {  	_ =	swait.ge [sflag:s21], $0x4000  }
0x35: {  	[sflag:s21] =	ssyncset.done $0x0  }
0x36: {  	s31 =	simm.s32 $0x180;
	[sflag:s21] =	ssyncadd.s32 $0xFFFFC000  }
0x37: {  	[tilespmem:s19], [sflag:$0x1] =	stream.indirect.gather [hbm4b:s8+s16], $0x80, s31, s16, $0xb8;
	[tilespmem:$0x1EC00] =	vst v63  }
0x38: {  	_ =	swait.ge [sflag:s18], $0x4000  }
0x39: {  	[sflag:s18] =	ssyncset.done $0x0  }
0x3a: {  	s24 =	simm.s32 $0x1980;
	s23 =	simm.s32 $0xFFFFB800;
	[sflag:s18] =	ssyncadd.s32 $0xFFFFC000  }
.LBB2_2:
0x3b: {  	[spmem:s2] =	stream.indirect.scatter.add.f32 [tilespmem:s19], [sflag:$0x2], $0x80, s24, s16, $0xb8;
	[tilespmem:$0x1EC00] =	vst v63  }
0x3c: {  	s24 =	smov.u32 s23  }
0x3d: {  	p0 =	sne.s32 s23, $0xFFFFFC00;
	s23 =	sadd.s32 $0x400, s23;
	_ =	swait.ge [sflag:s21], $0x4000  }
0x3e: {  	s24 =	sshra.s32 s24, $0x2;
	[sflag:s21] =	ssyncset.done $0x0  }
0x3f: {  	s25 =	sadd.s32 $0x1400, s24;
	[sflag:s21] =	ssyncadd.s32 $0xFFFFC000  }
0x40: {  	[tilespmem:s17], [sflag:$0x1] =	stream.indirect.gather [hbm4b:s8+s16], $0x80, s25, s16, $0xb8;
	[tilespmem:$0x1EC00] =	vst v63  }
0x41: {  	_ =	swait.ge [sflag:s18], $0x4000  }
0x42: {  	[sflag:s18] =	ssyncset.done $0x0  }
0x43: {  	s25 =	sadd.s32 $0x2C00, s24;
	[sflag:s18] =	ssyncadd.s32 $0xFFFFC000  }
0x44: {  	[spmem:s2] =	stream.indirect.scatter.add.f32 [tilespmem:s17], [sflag:$0x2], $0x80, s25, s16, $0xb8;
	[tilespmem:$0x1EC00] =	vst v63  }
0x45: {  	_ =	swait.ge [sflag:s21], $0x4000  }
0x46: {  	[sflag:s21] =	ssyncset.done $0x0  }
.Ltmp0:
0x47: {  	s25 =	sadd.s32 $0x1480, s24;
	[sflag:s21] =	ssyncadd.s32 $0xFFFFC000;
	(pc) =	sbr.rel @p0 .LBB2_2-.Ltmp0, $4  }
0x48: {  	[tilespmem:s19], [sflag:$0x1] =	stream.indirect.gather [hbm4b:s8+s16], $0x80, s25, s16, $0xb8;
	[tilespmem:$0x1EC00] =	vst v63  }
0x49: {  	_ =	swait.ge [sflag:s18], $0x4000  }
0x4a: {  	[sflag:s18] =	ssyncset.done $0x0  }
0x4b: {  	s24 =	sadd.s32 $0x2C80, s24;
	[sflag:s18] =	ssyncadd.s32 $0xFFFFC000  }
0x4c: {  	[spmem:s2] =	stream.indirect.scatter.add.f32 [tilespmem:s19], [sflag:$0x2], $0x80, s24, s16, $0xb8;
	[tilespmem:$0x1EC00] =	vst v63  }
0x4d: {  	_ =	swait.ge [sflag:s21], $0x4000  }
0x4e: {  	[sflag:s21] =	ssyncset.done $0x0  }
0x4f: {  	[sflag:s21] =	ssyncadd.s32 $0xFFFFC000  }
0x50: {  	_ =	swait.ge [sflag:s21], $0x4000  }
0x51: {  	[sflag:s21] =	ssyncset.done $0x0  }
0x52: {  	[sflag:s21] =	ssyncadd.s32 $0xFFFFC000  }
0x53: {  	[tilespmem:s3], [sflag:$0x3] =	stream.linear.gather [hbm4b:s9+s3], $0x1500, $0x38;
	[tilespmem:$0x1EC00] =	vst v63  }
0x54: {  	_ =	swait.ge [sflag:s14], $0x1500  }
0x55: {  	[sflag:s14] =	ssyncset.done $0x0  }
0x56: {  	[sflag:s14] =	ssyncadd.s32 $0xFFFFEB00  }
0x57: {  	[tilespmem:s15], [sflag:$0x3] =	stream.linear.gather [hbm4b:s10+s3], $0x1400, $0x38;
	[tilespmem:$0x1EC00] =	vst v63  }
0x58: {  	_ =	swait.ge [sflag:s14], $0x1400  }
0x59: {  	[sflag:s14] =	ssyncset.done $0x0  }
0x5a: {  	[sflag:s14] =	ssyncadd.s32 $0xFFFFEC00  }
0x5b: {  	[tilespmem:s17], [sflag:$0x1] =	stream.indirect.gather [hbm4b:s8+s16], $0x80, s3, s16, $0xb8;
	[tilespmem:$0x1EC00] =	vst v63  }
0x5c: {  	_ =	swait.ge [sflag:s18], $0x4000  }
0x5d: {  	[sflag:s18] =	ssyncset.done $0x0  }
0x5e: {  	[sflag:s18] =	ssyncadd.s32 $0xFFFFC000  }
0x5f: {  	[spmem:s2] =	stream.indirect.scatter.add.f32 [tilespmem:s17], [sflag:$0x2], $0x80, s15, s16, $0xb8;
	[tilespmem:$0x1EC00] =	vst v63  }
0x60: {  	_ = 	snop  }
0x61: {  	[tilespmem:s19], [sflag:$0x1] =	stream.indirect.gather [hbm4b:s8+s16], $0x80, s16, s16, $0xb8;
	[tilespmem:$0x1EC00] =	vst v63  }
0x62: {  	_ =	swait.ge [sflag:s18], $0x4000  }
0x63: {  	[sflag:s18] =	ssyncset.done $0x0  }
0x64: {  	[sflag:s18] =	ssyncadd.s32 $0xFFFFC000  }
0x65: {  	[spmem:s2] =	stream.indirect.scatter.add.f32 [tilespmem:s19], [sflag:$0x2], $0x80, s20, s16, $0xb8;
	[tilespmem:$0x1EC00] =	vst v63  }
0x66: {  	_ =	swait.ge [sflag:s21], $0x4000  }
0x67: {  	[sflag:s21] =	ssyncset.done $0x0  }
0x68: {  	s23 =	simm.s32 $0x100;
	[sflag:s21] =	ssyncadd.s32 $0xFFFFC000  }
0x69: {  	[tilespmem:s17], [sflag:$0x1] =	stream.indirect.gather [hbm4b:s8+s16], $0x80, s23, s16, $0xb8;
	[tilespmem:$0x1EC00] =	vst v63  }
0x6a: {  	_ =	swait.ge [sflag:s18], $0x4000  }
0x6b: {  	[sflag:s18] =	ssyncset.done $0x0  }
0x6c: {  	s30 =	simm.s32 $0x1900;
	[sflag:s18] =	ssyncadd.s32 $0xFFFFC000  }
0x6d: {  	[spmem:s2] =	stream.indirect.scatter.add.f32 [tilespmem:s17], [sflag:$0x2], $0x80, s30, s16, $0xb8;
	[tilespmem:$0x1EC00] =	vst v63  }
0x6e: {  	_ =	swait.ge [sflag:s21], $0x4000  }
0x6f: {  	[sflag:s21] =	ssyncset.done $0x0  }
0x70: {  	s31 =	simm.s32 $0x180;
	[sflag:s21] =	ssyncadd.s32 $0xFFFFC000  }
0x71: {  	[tilespmem:s19], [sflag:$0x1] =	stream.indirect.gather [hbm4b:s8+s16], $0x80, s31, s16, $0xb8;
	[tilespmem:$0x1EC00] =	vst v63  }
0x72: {  	_ =	swait.ge [sflag:s18], $0x4000  }
0x73: {  	[sflag:s18] =	ssyncset.done $0x0  }
0x74: {  	s24 =	simm.s32 $0x1980;
	s23 =	simm.s32 $0xFFFFB800;
	[sflag:s18] =	ssyncadd.s32 $0xFFFFC000  }
.LBB2_4:
0x75: {  	[spmem:s2] =	stream.indirect.scatter.add.f32 [tilespmem:s19], [sflag:$0x2], $0x80, s24, s16, $0xb8;
	[tilespmem:$0x1EC00] =	vst v63  }
0x76: {  	s24 =	smov.u32 s23  }
0x77: {  	p0 =	sne.s32 s23, $0xFFFFFC00;
	s23 =	sadd.s32 $0x400, s23;
	_ =	swait.ge [sflag:s21], $0x4000  }
0x78: {  	s24 =	sshra.s32 s24, $0x2;
	[sflag:s21] =	ssyncset.done $0x0  }
0x79: {  	s25 =	sadd.s32 $0x1400, s24;
	[sflag:s21] =	ssyncadd.s32 $0xFFFFC000  }
0x7a: {  	[tilespmem:s17], [sflag:$0x1] =	stream.indirect.gather [hbm4b:s8+s16], $0x80, s25, s16, $0xb8;
	[tilespmem:$0x1EC00] =	vst v63  }
0x7b: {  	_ =	swait.ge [sflag:s18], $0x4000  }
0x7c: {  	[sflag:s18] =	ssyncset.done $0x0  }
0x7d: {  	s25 =	sadd.s32 $0x2C00, s24;
	[sflag:s18] =	ssyncadd.s32 $0xFFFFC000  }
0x7e: {  	[spmem:s2] =	stream.indirect.scatter.add.f32 [tilespmem:s17], [sflag:$0x2], $0x80, s25, s16, $0xb8;
	[tilespmem:$0x1EC00] =	vst v63  }
0x7f: {  	_ =	swait.ge [sflag:s21], $0x4000  }
0x80: {  	[sflag:s21] =	ssyncset.done $0x0  }
.Ltmp1:
0x81: {  	s25 =	sadd.s32 $0x1480, s24;
	[sflag:s21] =	ssyncadd.s32 $0xFFFFC000;
	(pc) =	sbr.rel @p0 .LBB2_4-.Ltmp1, $4  }
0x82: {  	[tilespmem:s19], [sflag:$0x1] =	stream.indirect.gather [hbm4b:s8+s16], $0x80, s25, s16, $0xb8;
	[tilespmem:$0x1EC00] =	vst v63  }
0x83: {  	_ =	swait.ge [sflag:s18], $0x4000  }
0x84: {  	[sflag:s18] =	ssyncset.done $0x0  }
0x85: {  	s24 =	sadd.s32 $0x2C80, s24;
	[sflag:s18] =	ssyncadd.s32 $0xFFFFC000  }
0x86: {  	[spmem:s2] =	stream.indirect.scatter.add.f32 [tilespmem:s19], [sflag:$0x2], $0x80, s24, s16, $0xb8;
	[tilespmem:$0x1EC00] =	vst v63  }
0x87: {  	_ =	swait.ge [sflag:s21], $0x4000  }
0x88: {  	[sflag:s21] =	ssyncset.done $0x0  }
0x89: {  	[sflag:s21] =	ssyncadd.s32 $0xFFFFC000  }
0x8a: {  	_ =	swait.ge [sflag:s21], $0x4000  }
0x8b: {  	s22 =	sadd.s32 $0x1, s22;
	[sflag:s21] =	ssyncset.done $0x0  }
0x8c: {  	p0 =	sne.s32 s22, s12;
	[sflag:s21] =	ssyncadd.s32 $0xFFFFC000  }
.Ltmp2:
0x8d: {  	[bflag:$0x0] =	sbarrier.arrive $0xFFFF;
	(pc) =	sbr.rel @p0 .LBB2_1-.Ltmp2, $4  }
0x8e: {  	[hbm:s11], [sflag:s5] =	dma.local [spmem:s13], $0x2800  }
0x8f: {  	_ =	swait.ge [sflag:s14], $0x2800  }
0x90: {  	[sflag:s14] =	ssyncset.done $0x0  }
0x91: {  	[sflag:s14] =	ssyncadd.s32 $0xFFFFD800  }
0x92: {  	_ =	sfence.sel $0x180000  }
0x93: {  	[bflag:$0x0] =	sbarrier.arrive $0xFFFF  }
0x94: {  	p0 =	sne.s32 s0, $0x0;
	_ =	strace $0x9000004A  }
0x95: {  	s0 =	sadd.s32 @!p0 $0x100000, s1;
	[bflag:$0x2] =	sbarrier.arrive $0xFFFF  }
0x96: {  	[sflag:s0] =	ssyncadd.tile.s32 @!p0 $0x1;
	_ =	shalt  }
.Lfunc_end2:
_tile_overlayer_lowered:
.L_overlay_start_2:
0x97: {  	(tag) =	ssettag $0x2  }
0x98: {  	s0 =	rddreg [dreg:$0x0];
	s2 =	stileid.u32  }
0x99: {  	s1 =	rddreg [dreg:$0x1];
	p0 =	sne.s32 s2, $0x0  }
0x9a: {  	s3 =	rddreg [dreg:$0x2];
	[bflag:$0x3] =	sbarrier.arrive $0xFFFF;
	s2 =	simm.s32 @!p0 $0x1C03  }
0x9b: {  	[timem:s3], [sflag:s2] =	dma.local @!p0 [hbm:s0], s1  }
0x9c: {  	s0 =	simm.s32 @!p0 $0x3  }
0x9d: {  	_ =	swait.ge @!p0 [sflag:s0], s1  }
0x9e: {  	s1 =	ssub.s32 @!p0 $0x0, s1;
	[sflag:s0] =	ssyncset.done @!p0 $0x0  }
0x9f: {  	[sflag:s0] =	ssyncadd.s32 @!p0 s1  }
0xa0: {  	[bflag:$0x3] =	sbarrier.arrive $0xFFFF  }
0xa1: {  	_ =	shalt  }

// kernel: kernel.14.cloned.1.call-start
scs
__scs_entry_jumppad:
0x0: {  	(pc) =	sbr.rel $0x88, $3  }
0x1: {  	(tag) =	ssettag $0x0;
	lr =	simm.s32 $0x1  }
0x2: {  	[smem:$0x3F9B] =	sst lr;
	_ =	strace $0xD0000000  }
0x3: {  	_ = 	snop  }
0x4: {  	_ = 	snop  }
0x5: {  	_ = 	snop  }
0x6: {  	_ = 	snop  }
0x7: {  	_ = 	snop  }
__scs_overlays_trampoline_lowered:
0x8: {  	[smem:$0x3FAA] =	sst s0  }
0x9: {  	[smem:$0x3FAB] =	sst s1  }
0xa: {  	[smem:$0x3FAC] =	sst s2  }
0xb: {  	[smem:$0x3FAD] =	sst s3  }
0xc: {  	[smem:$0x3FAE] =	sst s4  }
0xd: {  	[smem:$0x3FAF] =	sst s5  }
0xe: {  	[smem:$0x3FB0] =	sst s6  }
0xf: {  	[smem:$0x3FB1] =	sst s7  }
0x10: {  	[smem:$0x3FB2] =	sst s8  }
0x11: {  	[smem:$0x3FB3] =	sst s9;
	s0 =	simm.s32 @!p0 $0x0  }
0x12: {  	s1 =	sld [smem:$0x3F99];
	s0 =	simm.s32 @p0 $0x1  }
0x13: {  	[smem:$0x3FB4] =	sst s0;
	s0 =	simm.s32 @!p1 $0x0  }
0x14: {  	s2 =	sld [smem:$0x3F98];
	s0 =	simm.s32 @p1 $0x1  }
0x15: {  	[smem:$0x3FB5] =	sst s0;
	s0 =	simm.s32 @!p2 $0x0  }
0x16: {  	s3 =	sld [smem:$0x3FDB];
	s0 =	simm.s32 @p2 $0x1  }
0x17: {  	s4 =	simm.s32 $0x1BF5;
	[smem:$0x3FB7] =	sst s0  }
0x18: {  	s0 =	sld [smem:$0x3F9A];
	_ =	swait.ge [sflag:s4], $0x0  }
0x19: {  	s7 =	sld [smem:$0x3F9B]  }
0x1a: {  	s8 =	sadd.s32 $0xFFFFE003, lr  }
0x1b: {  	s9 =	sadd.s32 $0xFFFFFEF7, lr;
	s5 =	simm.s32 $0xFFFFFFFF;
	p2 =	slt.u32 s8, $0xFFFFF086  }
0x1c: {  	p1 =	slt.u32 s9, $0xF7A;
	s5 =	simm.s32 @!p2 $0x0  }
0x1d: {  	s5 =	simm.s32 @p1 $0x1;
	p0 =	seq.s32 s7, s2  }
0x1e: {  	s7 =	smul.u32 @!p0 $0xF7A, s2;
	p2 =	seq.s32 @!p0 s5, $0x0  }
0x1f: {  	s9 =	smul.u32 $0xF7A, s1;
	s8 =	simm.s32 @!p0 $0x1BF5;
	p2 =	por !p2, p0  }
0x20: {  	[sflag:s8] =	ssyncset.s32 @!p0 $0xFFFFF086;
	s6 =	sadd.s32 @!p0 s3, s7;
	s7 =	simm.s32 @!p0 $0x108  }
0x21: {  	s3 =	sadd.s32 s3, s9;
	s6 =	sadd.s32 @!p0 $0x88, s6;
	s7 =	simm.s32 @p2 $0x1082  }
0x22: {  	[simem:s7], [sflag:s8] =	dma.local @!p0 [hbm:s6], $0xF7A  }
0x23: {  	s9 =	sor.u32 $0xD0000000, s2;
	s6 =	simm.s32 $0x108;
	_ =	swait.ge @!p0 [sflag:s8], $0x0  }
0x24: {  	s3 =	sadd.s32 $0x88, s3;
	s6 =	simm.s32 @!p1 $0x1082;
	[sflag:s4] =	ssyncset.s32 $0xFFFFF086  }
0x25: {  	[simem:s6], [sflag:s4] =	dma.local [hbm:s3], $0xF7A  }
0x26: {  	[smem:$0x3F9B] =	sst s1;
	(tag) =	ssettag s2;
	_ =	strace s9  }
0x27: {  	s1 =	sld [smem:$0x3FAB]  }
0x28: {  	s2 =	sld [smem:$0x3FAC]  }
0x29: {  	s4 =	sld [smem:$0x3FAE]  }
0x2a: {  	p0 =	seq.s32 s5, $0x0;
	s5 =	sld [smem:$0x3FAF]  }
0x2b: {  	s6 =	sld [smem:$0x3FB0]  }
0x2c: {  	s7 =	sld [smem:$0x3FB1]  }
0x2d: {  	s3 =	simm.s32 $0x108;
	s8 =	sld [smem:$0x3FB2]  }
0x2e: {  	s3 =	simm.s32 @!p0 $0x1082;
	s9 =	sld [smem:$0x3FB3]  }
0x2f: {  	lr =	sadd.s32 s0, s3;
	s0 =	sld [smem:$0x3FAA]  }
0x30: {  	s3 =	sld [smem:$0x3FAD]  }
0x31: {  	[smem:$0x3FB6] =	sst s10  }
0x32: {  	s10 =	sld [smem:$0x3FB4];
	_ =	sdelay $0x3  }
0x33: {  	p0 =	seq.s32 s10, $0x1;
	s10 =	sld [smem:$0x3FB6];
	_ =	sdelay $0x3  }
0x34: {  	[smem:$0x3FB6] =	sst s10  }
0x35: {  	s10 =	sld [smem:$0x3FB5];
	_ =	sdelay $0x3  }
0x36: {  	p1 =	seq.s32 s10, $0x1;
	s10 =	sld [smem:$0x3FB6];
	_ =	sdelay $0x3  }
0x37: {  	[smem:$0x3FB6] =	sst s10  }
0x38: {  	s10 =	sld [smem:$0x3FB7]  }
0x39: {  	_ = 	snop;
	(pc) =	sbr.ind lr, $3  }
0x3a: {  	_ = 	snop  }
0x3b: {  	_ = 	snop  }
0x3c: {  	p2 =	seq.s32 s10, $0x1;
	s10 =	sld [smem:$0x3FB6]  }
0x3d: {  	_ =	shalt  }
0x3e: {  	_ =	shalt  }
0x3f: {  	_ =	shalt  }
0x40: {  	_ =	shalt  }
0x41: {  	_ =	shalt  }
0x42: {  	_ =	shalt  }
0x43: {  	_ =	shalt  }
0x44: {  	_ =	shalt  }
0x45: {  	_ =	shalt  }
0x46: {  	_ =	shalt  }
0x47: {  	_ =	shalt  }
0x48: {  	_ =	shalt  }
0x49: {  	_ =	shalt  }
0x4a: {  	_ =	shalt  }
0x4b: {  	_ =	shalt  }
0x4c: {  	_ =	shalt  }
0x4d: {  	_ =	shalt  }
0x4e: {  	_ =	shalt  }
0x4f: {  	_ =	shalt  }
0x50: {  	_ =	shalt  }
0x51: {  	_ =	shalt  }
0x52: {  	_ =	shalt  }
0x53: {  	_ =	shalt  }
0x54: {  	_ =	shalt  }
0x55: {  	_ =	shalt  }
0x56: {  	_ =	shalt  }
0x57: {  	_ =	shalt  }
0x58: {  	_ =	shalt  }
0x59: {  	_ =	shalt  }
0x5a: {  	_ =	shalt  }
0x5b: {  	_ =	shalt  }
0x5c: {  	_ =	shalt  }
0x5d: {  	_ =	shalt  }
0x5e: {  	_ =	shalt  }
0x5f: {  	_ =	shalt  }
0x60: {  	_ =	shalt  }
0x61: {  	_ =	shalt  }
0x62: {  	_ =	shalt  }
0x63: {  	_ =	shalt  }
0x64: {  	_ =	shalt  }
0x65: {  	_ =	shalt  }
0x66: {  	_ =	shalt  }
0x67: {  	_ =	shalt  }
0x68: {  	_ =	shalt  }
0x69: {  	_ =	shalt  }
0x6a: {  	_ =	shalt  }
0x6b: {  	_ =	shalt  }
0x6c: {  	_ =	shalt  }
0x6d: {  	_ =	shalt  }
0x6e: {  	_ =	shalt  }
0x6f: {  	_ =	shalt  }
0x70: {  	_ =	shalt  }
0x71: {  	_ =	shalt  }
0x72: {  	_ =	shalt  }
0x73: {  	_ =	shalt  }
0x74: {  	_ =	shalt  }
0x75: {  	_ =	shalt  }
0x76: {  	_ =	shalt  }
0x77: {  	_ =	shalt  }
0x78: {  	_ =	shalt  }
0x79: {  	_ =	shalt  }
0x7a: {  	_ =	shalt  }
0x7b: {  	_ =	shalt  }
0x7c: {  	_ =	shalt  }
0x7d: {  	_ =	shalt  }
0x7e: {  	_ =	shalt  }
0x7f: {  	_ =	shalt  }
0x80: {  	_ =	shalt  }
0x81: {  	_ =	shalt  }
0x82: {  	_ =	shalt  }
0x83: {  	_ =	shalt  }
0x84: {  	_ =	shalt  }
0x85: {  	_ =	shalt  }
0x86: {  	_ =	shalt  }
0x87: {  	_ =	shalt  }
.Lfunc_end0:
.L_simem_size_0:
called_computation.2_lowered:
.L_overlay_start_0:
0x88: {  	s2 =	sld [smem:$0x3FD9]  }
0x89: {  	s3 =	sld [smem:$0x3FFE];
	_ =	sdelay $0x1  }
0x8a: {  	s1 =	srdreg.scid  }
0x8b: {  	s0 =	sand.u32 $0x1, s1  }
0x8c: {  	s17 =	sshll.u32 s0, $0xA;
	s2 =	sadd.s32 s3, s2  }
0x8d: {  	s2 =	sadd.s32 s2, s17  }
0x8e: {  	[smem:$0x3FC2] =	sst s2  }
0x8f: {  	_ = 	snop  }
0x90: {  	s2 =	sld [smem:$0x3FD0];
	(tm) =	ssettm $0x1  }
0x91: {  	s18 =	sld [smem:$0x3FFB];
	_ =	sdelay $0x3  }
0x92: {  	_ =	strace s18  }
0x93: {  	s3 =	sld [smem:$0x3FFC];
	_ =	sdelay $0x3  }
0x94: {  	_ =	strace s3  }
0x95: {  	s3 =	sld [smem:$0x3FFD];
	_ =	sdelay $0x3  }
0x96: {  	_ =	strace s3  }
0x97: {  	_ =	strace $0x8FFFFFFF  }
0x98: {  	s19 =	sld [smem:$0x3FDB];
	_ =	sdelay $0x1  }
0x99: {  	s4 =	simm.s32 $_scs_section_size  }
0x9a: {  	s5 =	simm.s32 $_size__tile_overlayer_lowered;
	s6 =	simm.s32 $_tile_overlayer_lowered  }
0x9b: {  	s22 =	simm.s32 $0x1BFF;
	s21 =	sshll.u32 s6, $0x1;
	s3 =	sadd.s32 s4, s19  }
0x9c: {  	s7 =	simm.s32 $0x0;
	s20 =	sshll.u32 s5, $0x1;
	s5 =	sadd.s32 s21, s3  }
0x9d: {  	[timem:s7], [sflag:s22] =	dma.local [hbm:s5], s20  }
0x9e: {  	_ =	swait.ge [sflag:s22], s20  }
0x9f: {  	s4 =	ssub.s32 $0x0, s20;
	[sflag:s22] =	ssyncset.done $0x0  }
0xa0: {  	[sflag:s22] =	ssyncadd.s32 s4;
	_ =	sdelay $0x1  }
0xa1: {  	s23 =	simm.s32 $0x1B8B  }
0xa2: {  	_ =	swait.ge [sflag:s23], $0x1  }
0xa3: {  	[sflag:s23] =	ssyncset.done $0x0  }
0xa4: {  	s25 =	simm.s32 $0x1B8E;
	s24 =	sld [smem:$0x3FFE];
	[sflag:s23] =	ssyncadd.s32 $0xFFFFFFFF  }
0xa5: {  	s26 =	simm.s32 $execute0_lowered;
	[smem:$0x3FD2] =	sst s25  }
0xa6: {  	s5 =	sshll.u32 s26, $0x1;
	_ =	strace $0x8000004C;
	[dreg:$0x1] =	wrdreg $0xFFFFFFFF  }
0xa7: {  	s28 =	simm.s32 $_size_execute0_lowered;
	s3 =	sadd.s32 s3, s5;
	[dreg:$0x0] =	wrdreg $0x0  }
0xa8: {  	s5 =	sshll.u32 s28, $0x1;
	[dreg:$0x2] =	wrdreg s3  }
0xa9: {  	[dreg:$0x3] =	wrdreg s5  }
0xaa: {  	[dreg:$0x4] =	wrdreg $0xC0  }
0xab: {  	_ =	task [dreg:s7], $0x5FFFF  }
0xac: {  	[dreg:$0x1] =	wrdreg $0xFFFFFFFF  }
0xad: {  	[dreg:$0x0] =	wrdreg $0x60  }
0xae: {  	[dreg:$0x2] =	wrdreg s24  }
0xaf: {  	[dreg:$0x3] =	wrdreg s2  }
0xb0: {  	[dreg:$0x4] =	wrdreg $0xAC000  }
0xb1: {  	[dreg:$0x5] =	wrdreg $0x9  }
0xb2: {  	_ =	task.clear_ibuf [dreg:s7], $0x6FFFF;
	_ =	strace $0x9000004C  }
0xb3: {  	s29 =	simm.s32 $0x9;
	_ =	strace $0x8000004E  }
0xb4: {  	_ =	swait.ge [sflag:s29], $0x1  }
0xb5: {  	[sflag:s29] =	ssyncadd.s32 $0xFFFFFFFF  }
0xb6: {  	_ =	strace $0x9000004E  }
0xb7: {  	_ =	sfence  }
0xb8: {  	s30 =	sld [smem:$0x0];
	_ =	sdelay $0x2  }
0xb9: {  	s31 =	sshll.u32 s1, $0xD;
	s1 =	sshrl.u32 s1, $0x2  }
0xba: {  	s3 =	sand.u32 $0x4000, s31;
	s1 =	sadd.s32 s1, s30  }
0xbb: {  	s0 =	sor.u32 s3, s0;
	s1 =	sshll.u32 s1, $0x11  }
0xbc: {  	s0 =	sor.u32 s1, s0  }
0xbd: {  	s0 =	sadd.s32 $0x8F2B, s0  }
0xbe: {  	[sflag:s0] =	ssyncadd.remote.s32 $0x1  }
0xbf: {  	_ =	sfence.sel $0xFFFF  }
0xc0: {  	[dreg:$0x0] =	wrdreg $0xFFFFFFFF;
	(pc) =	sbr.abs _section_cstart, $3  }
0xc1: {  	[dreg:$0x1] =	wrdreg $0xFFFFFFFF  }
0xc2: {  	_ =	task.clear_ibuf [dreg:s7], $0x2FFFF;
	_ =	strace $0x9FFFFFFF  }
0xc3: {  	(tm) =	ssettm $0x7FFFFFFF  }
tec
execute0_lowered:
.L_overlay_start_1:
0x0: {  	(tag) =	ssettag $0x1  }
0x1: {  	s1 =	srdreg.scid;
	s5 =	rddreg [dreg:$0x0]  }
0x2: {  	s0 =	stileid.u32;
	s6 =	rddreg [dreg:$0x1]  }
0x3: {  	s3 =	simm.s32 $0x0;
	s17 =	simm.s32 $0x2C00;
	s18 =	simm.s32 $0x1  }
0x4: {  	s19 =	simm.s32 $0x6C00;
	s20 =	simm.s32 $0x1880;
	s21 =	simm.s32 $0x2  }
0x5: {  	s22 =	simm.s32 $0x0;
	s4 =	sand.u32 $0x1, s1;
	s10 =	smul.u32 $0x14000, s0  }
0x6: {  	s2 =	sshrl.u32 s0, $0x2;
	[smem:$0x7FF] =	sst s3;
	s28 =	smul.u32 $0x50000, s0  }
0x7: {  	s30 =	sshll.u32 s0, $0x6;
	s1 =	sshll.u32 s4, $0x2;
	s24 =	sshll.u32 s4, $0x4  }
0x8: {  	s11 =	smul.u32 $0x140000, s4;
	s4 =	ssub.s32 $0x2, s4;
	s1 =	sor.u32 s2, s1  }
0x9: {  	s8 =	sor.u32 s0, s24;
	s2 =	rddreg [dreg:$0x2];
	s7 =	smul.u32 $0x28000, s1  }
0xa: {  	s25 =	sshrl.u32 s10, $0x3;
	s29 =	sshrl.u32 s4, $0x1;
	s9 =	smul.u32 $0x2800, s8  }
0xb: {  	s1 =	rddreg [dreg:$0x3];
	_ =	strace $0x8000004D;
	s26 =	sadd.s32 s10, s11  }
0xc: {  	s10 =	sshrl.u32 s28, $0x2;
	s8 =	smul.u32 $0x3000, s8;
	s15 =	ssub.s32 s4, s29  }
0xd: {  	s16 =	sadd.s32 s10, s2;
	s9 =	sshrl.u32 s9, $0x3;
	s12 =	sadd.s32 s7, s5  }
0xe: {  	s7 =	sadd.s32 s25, s5;
	s31 =	sshrl.u32 s8, $0x3;
	s13 =	sadd.s32 s9, s5  }
0xf: {  	s9 =	sshrl.u32 s26, $0x3;
	s4 =	sadd.s32 $0x14C000, s7;
	s6 =	sadd.s32 s6, s31  }
0x10: {  	s8 =	sadd.s32 $0xC000, s12;
	s12 =	smax.u32 s15, $0x1;
	s15 =	simm.s32 $0x1800  }
0x11: {  	s14 =	sadd.s32 s9, s5;
	s5 =	sor.u32 $0x1C03, s30;
	s7 =	sadd.s32 $0x2000, s13  }
0x12: {  	s9 =	sadd.s32 $0x300, s6;
	s10 =	sadd.s32 $0x2280, s13;
	s13 =	sshrl.u32 s16, $0x3  }
0x13: {  	s16 =	simm.s32 $0x80;
	s11 =	sadd.s32 $0x174000, s14;
	s14 =	simm.s32 $0x3  }
.LBB2_1:
0x14: {  	[spmem:s13], [sflag:s5] =	dma.local [hbm:s4], $0x2800  }
0x15: {  	_ =	swait.ge [sflag:s14], $0x2800  }
0x16: {  	[sflag:s14] =	ssyncset.done $0x0  }
0x17: {  	[sflag:s14] =	ssyncadd.s32 $0xFFFFD800  }
0x18: {  	[bflag:$0x0] =	sbarrier.arrive $0xFFFF  }
0x19: {  	[tilespmem:s3], [sflag:$0x3] =	stream.linear.gather [hbm4b:s6+s3], $0x1500, $0x38;
	[tilespmem:$0x1EC00] =	vst v63  }
0x1a: {  	_ =	swait.ge [sflag:s14], $0x1500  }
0x1b: {  	[sflag:s14] =	ssyncset.done $0x0  }
0x1c: {  	[sflag:s14] =	ssyncadd.s32 $0xFFFFEB00  }
0x1d: {  	[tilespmem:s15], [sflag:$0x3] =	stream.linear.gather [hbm4b:s7+s3], $0x1400, $0x38;
	[tilespmem:$0x1EC00] =	vst v63  }
0x1e: {  	_ =	swait.ge [sflag:s14], $0x1400  }
0x1f: {  	[sflag:s14] =	ssyncset.done $0x0  }
0x20: {  	[sflag:s14] =	ssyncadd.s32 $0xFFFFEC00  }
0x21: {  	[tilespmem:s17], [sflag:$0x1] =	stream.indirect.gather [hbm4b:s8+s16], $0x80, s3, s16, $0xb8;
	[tilespmem:$0x1EC00] =	vst v63  }
0x22: {  	_ =	swait.ge [sflag:s18], $0x4000  }
0x23: {  	[sflag:s18] =	ssyncset.done $0x0  }
0x24: {  	[sflag:s18] =	ssyncadd.s32 $0xFFFFC000  }
0x25: {  	[spmem:s2] =	stream.indirect.scatter.add.f32 [tilespmem:s17], [sflag:$0x2], $0x80, s15, s16, $0xb8;
	[tilespmem:$0x1EC00] =	vst v63  }
0x26: {  	_ = 	snop  }
0x27: {  	[tilespmem:s19], [sflag:$0x1] =	stream.indirect.gather [hbm4b:s8+s16], $0x80, s16, s16, $0xb8;
	[tilespmem:$0x1EC00] =	vst v63  }
0x28: {  	_ =	swait.ge [sflag:s18], $0x4000  }
0x29: {  	[sflag:s18] =	ssyncset.done $0x0  }
0x2a: {  	[sflag:s18] =	ssyncadd.s32 $0xFFFFC000  }
0x2b: {  	[spmem:s2] =	stream.indirect.scatter.add.f32 [tilespmem:s19], [sflag:$0x2], $0x80, s20, s16, $0xb8;
	[tilespmem:$0x1EC00] =	vst v63  }
0x2c: {  	_ =	swait.ge [sflag:s21], $0x4000  }
0x2d: {  	[sflag:s21] =	ssyncset.done $0x0  }
0x2e: {  	s23 =	simm.s32 $0x100;
	[sflag:s21] =	ssyncadd.s32 $0xFFFFC000  }
0x2f: {  	[tilespmem:s17], [sflag:$0x1] =	stream.indirect.gather [hbm4b:s8+s16], $0x80, s23, s16, $0xb8;
	[tilespmem:$0x1EC00] =	vst v63  }
0x30: {  	_ =	swait.ge [sflag:s18], $0x4000  }
0x31: {  	[sflag:s18] =	ssyncset.done $0x0  }
0x32: {  	s30 =	simm.s32 $0x1900;
	[sflag:s18] =	ssyncadd.s32 $0xFFFFC000  }
0x33: {  	[spmem:s2] =	stream.indirect.scatter.add.f32 [tilespmem:s17], [sflag:$0x2], $0x80, s30, s16, $0xb8;
	[tilespmem:$0x1EC00] =	vst v63  }
0x34: {  	_ =	swait.ge [sflag:s21], $0x4000  }
0x35: {  	[sflag:s21] =	ssyncset.done $0x0  }
0x36: {  	s31 =	simm.s32 $0x180;
	[sflag:s21] =	ssyncadd.s32 $0xFFFFC000  }
0x37: {  	[tilespmem:s19], [sflag:$0x1] =	stream.indirect.gather [hbm4b:s8+s16], $0x80, s31, s16, $0xb8;
	[tilespmem:$0x1EC00] =	vst v63  }
0x38: {  	_ =	swait.ge [sflag:s18], $0x4000  }
0x39: {  	[sflag:s18] =	ssyncset.done $0x0  }
0x3a: {  	s24 =	simm.s32 $0x1980;
	s23 =	simm.s32 $0xFFFFB800;
	[sflag:s18] =	ssyncadd.s32 $0xFFFFC000  }
.LBB2_2:
0x3b: {  	[spmem:s2] =	stream.indirect.scatter.add.f32 [tilespmem:s19], [sflag:$0x2], $0x80, s24, s16, $0xb8;
	[tilespmem:$0x1EC00] =	vst v63  }
0x3c: {  	s24 =	smov.u32 s23  }
0x3d: {  	p0 =	sne.s32 s23, $0xFFFFFC00;
	s23 =	sadd.s32 $0x400, s23;
	_ =	swait.ge [sflag:s21], $0x4000  }
0x3e: {  	s24 =	sshra.s32 s24, $0x2;
	[sflag:s21] =	ssyncset.done $0x0  }
0x3f: {  	s25 =	sadd.s32 $0x1400, s24;
	[sflag:s21] =	ssyncadd.s32 $0xFFFFC000  }
0x40: {  	[tilespmem:s17], [sflag:$0x1] =	stream.indirect.gather [hbm4b:s8+s16], $0x80, s25, s16, $0xb8;
	[tilespmem:$0x1EC00] =	vst v63  }
0x41: {  	_ =	swait.ge [sflag:s18], $0x4000  }
0x42: {  	[sflag:s18] =	ssyncset.done $0x0  }
0x43: {  	s25 =	sadd.s32 $0x2C00, s24;
	[sflag:s18] =	ssyncadd.s32 $0xFFFFC000  }
0x44: {  	[spmem:s2] =	stream.indirect.scatter.add.f32 [tilespmem:s17], [sflag:$0x2], $0x80, s25, s16, $0xb8;
	[tilespmem:$0x1EC00] =	vst v63  }
0x45: {  	_ =	swait.ge [sflag:s21], $0x4000  }
0x46: {  	[sflag:s21] =	ssyncset.done $0x0  }
.Ltmp0:
0x47: {  	s25 =	sadd.s32 $0x1480, s24;
	[sflag:s21] =	ssyncadd.s32 $0xFFFFC000;
	(pc) =	sbr.rel @p0 .LBB2_2-.Ltmp0, $4  }
0x48: {  	[tilespmem:s19], [sflag:$0x1] =	stream.indirect.gather [hbm4b:s8+s16], $0x80, s25, s16, $0xb8;
	[tilespmem:$0x1EC00] =	vst v63  }
0x49: {  	_ =	swait.ge [sflag:s18], $0x4000  }
0x4a: {  	[sflag:s18] =	ssyncset.done $0x0  }
0x4b: {  	s24 =	sadd.s32 $0x2C80, s24;
	[sflag:s18] =	ssyncadd.s32 $0xFFFFC000  }
0x4c: {  	[spmem:s2] =	stream.indirect.scatter.add.f32 [tilespmem:s19], [sflag:$0x2], $0x80, s24, s16, $0xb8;
	[tilespmem:$0x1EC00] =	vst v63  }
0x4d: {  	_ =	swait.ge [sflag:s21], $0x4000  }
0x4e: {  	[sflag:s21] =	ssyncset.done $0x0  }
0x4f: {  	[sflag:s21] =	ssyncadd.s32 $0xFFFFC000  }
0x50: {  	_ =	swait.ge [sflag:s21], $0x4000  }
0x51: {  	[sflag:s21] =	ssyncset.done $0x0  }
0x52: {  	[sflag:s21] =	ssyncadd.s32 $0xFFFFC000  }
0x53: {  	[tilespmem:s3], [sflag:$0x3] =	stream.linear.gather [hbm4b:s9+s3], $0x1500, $0x38;
	[tilespmem:$0x1EC00] =	vst v63  }
0x54: {  	_ =	swait.ge [sflag:s14], $0x1500  }
0x55: {  	[sflag:s14] =	ssyncset.done $0x0  }
0x56: {  	[sflag:s14] =	ssyncadd.s32 $0xFFFFEB00  }
0x57: {  	[tilespmem:s15], [sflag:$0x3] =	stream.linear.gather [hbm4b:s10+s3], $0x1400, $0x38;
	[tilespmem:$0x1EC00] =	vst v63  }
0x58: {  	_ =	swait.ge [sflag:s14], $0x1400  }
0x59: {  	[sflag:s14] =	ssyncset.done $0x0  }
0x5a: {  	[sflag:s14] =	ssyncadd.s32 $0xFFFFEC00  }
0x5b: {  	[tilespmem:s17], [sflag:$0x1] =	stream.indirect.gather [hbm4b:s8+s16], $0x80, s3, s16, $0xb8;
	[tilespmem:$0x1EC00] =	vst v63  }
0x5c: {  	_ =	swait.ge [sflag:s18], $0x4000  }
0x5d: {  	[sflag:s18] =	ssyncset.done $0x0  }
0x5e: {  	[sflag:s18] =	ssyncadd.s32 $0xFFFFC000  }
0x5f: {  	[spmem:s2] =	stream.indirect.scatter.add.f32 [tilespmem:s17], [sflag:$0x2], $0x80, s15, s16, $0xb8;
	[tilespmem:$0x1EC00] =	vst v63  }
0x60: {  	_ = 	snop  }
0x61: {  	[tilespmem:s19], [sflag:$0x1] =	stream.indirect.gather [hbm4b:s8+s16], $0x80, s16, s16, $0xb8;
	[tilespmem:$0x1EC00] =	vst v63  }
0x62: {  	_ =	swait.ge [sflag:s18], $0x4000  }
0x63: {  	[sflag:s18] =	ssyncset.done $0x0  }
0x64: {  	[sflag:s18] =	ssyncadd.s32 $0xFFFFC000  }
0x65: {  	[spmem:s2] =	stream.indirect.scatter.add.f32 [tilespmem:s19], [sflag:$0x2], $0x80, s20, s16, $0xb8;
	[tilespmem:$0x1EC00] =	vst v63  }
0x66: {  	_ =	swait.ge [sflag:s21], $0x4000  }
0x67: {  	[sflag:s21] =	ssyncset.done $0x0  }
0x68: {  	s23 =	simm.s32 $0x100;
	[sflag:s21] =	ssyncadd.s32 $0xFFFFC000  }
0x69: {  	[tilespmem:s17], [sflag:$0x1] =	stream.indirect.gather [hbm4b:s8+s16], $0x80, s23, s16, $0xb8;
	[tilespmem:$0x1EC00] =	vst v63  }
0x6a: {  	_ =	swait.ge [sflag:s18], $0x4000  }
0x6b: {  	[sflag:s18] =	ssyncset.done $0x0  }
0x6c: {  	s30 =	simm.s32 $0x1900;
	[sflag:s18] =	ssyncadd.s32 $0xFFFFC000  }
0x6d: {  	[spmem:s2] =	stream.indirect.scatter.add.f32 [tilespmem:s17], [sflag:$0x2], $0x80, s30, s16, $0xb8;
	[tilespmem:$0x1EC00] =	vst v63  }
0x6e: {  	_ =	swait.ge [sflag:s21], $0x4000  }
0x6f: {  	[sflag:s21] =	ssyncset.done $0x0  }
0x70: {  	s31 =	simm.s32 $0x180;
	[sflag:s21] =	ssyncadd.s32 $0xFFFFC000  }
0x71: {  	[tilespmem:s19], [sflag:$0x1] =	stream.indirect.gather [hbm4b:s8+s16], $0x80, s31, s16, $0xb8;
	[tilespmem:$0x1EC00] =	vst v63  }
0x72: {  	_ =	swait.ge [sflag:s18], $0x4000  }
0x73: {  	[sflag:s18] =	ssyncset.done $0x0  }
0x74: {  	s24 =	simm.s32 $0x1980;
	s23 =	simm.s32 $0xFFFFB800;
	[sflag:s18] =	ssyncadd.s32 $0xFFFFC000  }
.LBB2_4:
0x75: {  	[spmem:s2] =	stream.indirect.scatter.add.f32 [tilespmem:s19], [sflag:$0x2], $0x80, s24, s16, $0xb8;
	[tilespmem:$0x1EC00] =	vst v63  }
0x76: {  	s24 =	smov.u32 s23  }
0x77: {  	p0 =	sne.s32 s23, $0xFFFFFC00;
	s23 =	sadd.s32 $0x400, s23;
	_ =	swait.ge [sflag:s21], $0x4000  }
0x78: {  	s24 =	sshra.s32 s24, $0x2;
	[sflag:s21] =	ssyncset.done $0x0  }
0x79: {  	s25 =	sadd.s32 $0x1400, s24;
	[sflag:s21] =	ssyncadd.s32 $0xFFFFC000  }
0x7a: {  	[tilespmem:s17], [sflag:$0x1] =	stream.indirect.gather [hbm4b:s8+s16], $0x80, s25, s16, $0xb8;
	[tilespmem:$0x1EC00] =	vst v63  }
0x7b: {  	_ =	swait.ge [sflag:s18], $0x4000  }
0x7c: {  	[sflag:s18] =	ssyncset.done $0x0  }
0x7d: {  	s25 =	sadd.s32 $0x2C00, s24;
	[sflag:s18] =	ssyncadd.s32 $0xFFFFC000  }
0x7e: {  	[spmem:s2] =	stream.indirect.scatter.add.f32 [tilespmem:s17], [sflag:$0x2], $0x80, s25, s16, $0xb8;
	[tilespmem:$0x1EC00] =	vst v63  }
0x7f: {  	_ =	swait.ge [sflag:s21], $0x4000  }
0x80: {  	[sflag:s21] =	ssyncset.done $0x0  }
.Ltmp1:
0x81: {  	s25 =	sadd.s32 $0x1480, s24;
	[sflag:s21] =	ssyncadd.s32 $0xFFFFC000;
	(pc) =	sbr.rel @p0 .LBB2_4-.Ltmp1, $4  }
0x82: {  	[tilespmem:s19], [sflag:$0x1] =	stream.indirect.gather [hbm4b:s8+s16], $0x80, s25, s16, $0xb8;
	[tilespmem:$0x1EC00] =	vst v63  }
0x83: {  	_ =	swait.ge [sflag:s18], $0x4000  }
0x84: {  	[sflag:s18] =	ssyncset.done $0x0  }
0x85: {  	s24 =	sadd.s32 $0x2C80, s24;
	[sflag:s18] =	ssyncadd.s32 $0xFFFFC000  }
0x86: {  	[spmem:s2] =	stream.indirect.scatter.add.f32 [tilespmem:s19], [sflag:$0x2], $0x80, s24, s16, $0xb8;
	[tilespmem:$0x1EC00] =	vst v63  }
0x87: {  	_ =	swait.ge [sflag:s21], $0x4000  }
0x88: {  	[sflag:s21] =	ssyncset.done $0x0  }
0x89: {  	[sflag:s21] =	ssyncadd.s32 $0xFFFFC000  }
0x8a: {  	_ =	swait.ge [sflag:s21], $0x4000  }
0x8b: {  	s22 =	sadd.s32 $0x1, s22;
	[sflag:s21] =	ssyncset.done $0x0  }
0x8c: {  	p0 =	sne.s32 s22, s12;
	[sflag:s21] =	ssyncadd.s32 $0xFFFFC000  }
.Ltmp2:
0x8d: {  	[bflag:$0x0] =	sbarrier.arrive $0xFFFF;
	(pc) =	sbr.rel @p0 .LBB2_1-.Ltmp2, $4  }
0x8e: {  	[hbm:s11], [sflag:s5] =	dma.local [spmem:s13], $0x2800  }
0x8f: {  	_ =	swait.ge [sflag:s14], $0x2800  }
0x90: {  	[sflag:s14] =	ssyncset.done $0x0  }
0x91: {  	[sflag:s14] =	ssyncadd.s32 $0xFFFFD800  }
0x92: {  	_ =	sfence.sel $0x180000  }
0x93: {  	[bflag:$0x0] =	sbarrier.arrive $0xFFFF  }
0x94: {  	p0 =	sne.s32 s0, $0x0;
	_ =	strace $0x9000004D  }
0x95: {  	s0 =	sadd.s32 @!p0 $0x100000, s1;
	[bflag:$0x2] =	sbarrier.arrive $0xFFFF  }
0x96: {  	[sflag:s0] =	ssyncadd.tile.s32 @!p0 $0x1;
	_ =	shalt  }
.Lfunc_end2:
_tile_overlayer_lowered:
.L_overlay_start_2:
0x97: {  	(tag) =	ssettag $0x2  }
0x98: {  	s0 =	rddreg [dreg:$0x0];
	s2 =	stileid.u32  }
0x99: {  	s1 =	rddreg [dreg:$0x1];
	p0 =	sne.s32 s2, $0x0  }
0x9a: {  	s3 =	rddreg [dreg:$0x2];
	[bflag:$0x3] =	sbarrier.arrive $0xFFFF;
	s2 =	simm.s32 @!p0 $0x1C03  }
0x9b: {  	[timem:s3], [sflag:s2] =	dma.local @!p0 [hbm:s0], s1  }
0x9c: {  	s0 =	simm.s32 @!p0 $0x3  }
0x9d: {  	_ =	swait.ge @!p0 [sflag:s0], s1  }
0x9e: {  	s1 =	ssub.s32 @!p0 $0x0, s1;
	[sflag:s0] =	ssyncset.done @!p0 $0x0  }
0x9f: {  	[sflag:s0] =	ssyncadd.s32 @!p0 s1  }
0xa0: {  	[bflag:$0x3] =	sbarrier.arrive $0xFFFF  }
0xa1: {  	_ =	shalt  }

// kernel: kernel.8.cloned.1.call-start
scs
__scs_entry_jumppad:
0x0: {  	(pc) =	sbr.rel $0x88, $3  }
0x1: {  	(tag) =	ssettag $0x0;
	lr =	simm.s32 $0x1  }
0x2: {  	[smem:$0x3F9B] =	sst lr;
	_ =	strace $0xD0000000  }
0x3: {  	_ = 	snop  }
0x4: {  	_ = 	snop  }
0x5: {  	_ = 	snop  }
0x6: {  	_ = 	snop  }
0x7: {  	_ = 	snop  }
__scs_overlays_trampoline_lowered:
0x8: {  	[smem:$0x3FAA] =	sst s0  }
0x9: {  	[smem:$0x3FAB] =	sst s1  }
0xa: {  	[smem:$0x3FAC] =	sst s2  }
0xb: {  	[smem:$0x3FAD] =	sst s3  }
0xc: {  	[smem:$0x3FAE] =	sst s4  }
0xd: {  	[smem:$0x3FAF] =	sst s5  }
0xe: {  	[smem:$0x3FB0] =	sst s6  }
0xf: {  	[smem:$0x3FB1] =	sst s7  }
0x10: {  	[smem:$0x3FB2] =	sst s8  }
0x11: {  	[smem:$0x3FB3] =	sst s9;
	s0 =	simm.s32 @!p0 $0x0  }
0x12: {  	s1 =	sld [smem:$0x3F99];
	s0 =	simm.s32 @p0 $0x1  }
0x13: {  	[smem:$0x3FB4] =	sst s0;
	s0 =	simm.s32 @!p1 $0x0  }
0x14: {  	s2 =	sld [smem:$0x3F98];
	s0 =	simm.s32 @p1 $0x1  }
0x15: {  	[smem:$0x3FB5] =	sst s0;
	s0 =	simm.s32 @!p2 $0x0  }
0x16: {  	s3 =	sld [smem:$0x3FDB];
	s0 =	simm.s32 @p2 $0x1  }
0x17: {  	s4 =	simm.s32 $0x1BF5;
	[smem:$0x3FB7] =	sst s0  }
0x18: {  	s0 =	sld [smem:$0x3F9A];
	_ =	swait.ge [sflag:s4], $0x0  }
0x19: {  	s7 =	sld [smem:$0x3F9B]  }
0x1a: {  	s8 =	sadd.s32 $0xFFFFE003, lr  }
0x1b: {  	s9 =	sadd.s32 $0xFFFFFEF7, lr;
	s5 =	simm.s32 $0xFFFFFFFF;
	p2 =	slt.u32 s8, $0xFFFFF086  }
0x1c: {  	p1 =	slt.u32 s9, $0xF7A;
	s5 =	simm.s32 @!p2 $0x0  }
0x1d: {  	s5 =	simm.s32 @p1 $0x1;
	p0 =	seq.s32 s7, s2  }
0x1e: {  	s7 =	smul.u32 @!p0 $0xF7A, s2;
	p2 =	seq.s32 @!p0 s5, $0x0  }
0x1f: {  	s9 =	smul.u32 $0xF7A, s1;
	s8 =	simm.s32 @!p0 $0x1BF5;
	p2 =	por !p2, p0  }
0x20: {  	[sflag:s8] =	ssyncset.s32 @!p0 $0xFFFFF086;
	s6 =	sadd.s32 @!p0 s3, s7;
	s7 =	simm.s32 @!p0 $0x108  }
0x21: {  	s3 =	sadd.s32 s3, s9;
	s6 =	sadd.s32 @!p0 $0x88, s6;
	s7 =	simm.s32 @p2 $0x1082  }
0x22: {  	[simem:s7], [sflag:s8] =	dma.local @!p0 [hbm:s6], $0xF7A  }
0x23: {  	s9 =	sor.u32 $0xD0000000, s2;
	s6 =	simm.s32 $0x108;
	_ =	swait.ge @!p0 [sflag:s8], $0x0  }
0x24: {  	s3 =	sadd.s32 $0x88, s3;
	s6 =	simm.s32 @!p1 $0x1082;
	[sflag:s4] =	ssyncset.s32 $0xFFFFF086  }
0x25: {  	[simem:s6], [sflag:s4] =	dma.local [hbm:s3], $0xF7A  }
0x26: {  	[smem:$0x3F9B] =	sst s1;
	(tag) =	ssettag s2;
	_ =	strace s9  }
0x27: {  	s1 =	sld [smem:$0x3FAB]  }
0x28: {  	s2 =	sld [smem:$0x3FAC]  }
0x29: {  	s4 =	sld [smem:$0x3FAE]  }
0x2a: {  	p0 =	seq.s32 s5, $0x0;
	s5 =	sld [smem:$0x3FAF]  }
0x2b: {  	s6 =	sld [smem:$0x3FB0]  }
0x2c: {  	s7 =	sld [smem:$0x3FB1]  }
0x2d: {  	s3 =	simm.s32 $0x108;
	s8 =	sld [smem:$0x3FB2]  }
0x2e: {  	s3 =	simm.s32 @!p0 $0x1082;
	s9 =	sld [smem:$0x3FB3]  }
0x2f: {  	lr =	sadd.s32 s0, s3;
	s0 =	sld [smem:$0x3FAA]  }
0x30: {  	s3 =	sld [smem:$0x3FAD]  }
0x31: {  	[smem:$0x3FB6] =	sst s10  }
0x32: {  	s10 =	sld [smem:$0x3FB4];
	_ =	sdelay $0x3  }
0x33: {  	p0 =	seq.s32 s10, $0x1;
	s10 =	sld [smem:$0x3FB6];
	_ =	sdelay $0x3  }
0x34: {  	[smem:$0x3FB6] =	sst s10  }
0x35: {  	s10 =	sld [smem:$0x3FB5];
	_ =	sdelay $0x3  }
0x36: {  	p1 =	seq.s32 s10, $0x1;
	s10 =	sld [smem:$0x3FB6];
	_ =	sdelay $0x3  }
0x37: {  	[smem:$0x3FB6] =	sst s10  }
0x38: {  	s10 =	sld [smem:$0x3FB7]  }
0x39: {  	_ = 	snop;
	(pc) =	sbr.ind lr, $3  }
0x3a: {  	_ = 	snop  }
0x3b: {  	_ = 	snop  }
0x3c: {  	p2 =	seq.s32 s10, $0x1;
	s10 =	sld [smem:$0x3FB6]  }
0x3d: {  	_ =	shalt  }
0x3e: {  	_ =	shalt  }
0x3f: {  	_ =	shalt  }
0x40: {  	_ =	shalt  }
0x41: {  	_ =	shalt  }
0x42: {  	_ =	shalt  }
0x43: {  	_ =	shalt  }
0x44: {  	_ =	shalt  }
0x45: {  	_ =	shalt  }
0x46: {  	_ =	shalt  }
0x47: {  	_ =	shalt  }
0x48: {  	_ =	shalt  }
0x49: {  	_ =	shalt  }
0x4a: {  	_ =	shalt  }
0x4b: {  	_ =	shalt  }
0x4c: {  	_ =	shalt  }
0x4d: {  	_ =	shalt  }
0x4e: {  	_ =	shalt  }
0x4f: {  	_ =	shalt  }
0x50: {  	_ =	shalt  }
0x51: {  	_ =	shalt  }
0x52: {  	_ =	shalt  }
0x53: {  	_ =	shalt  }
0x54: {  	_ =	shalt  }
0x55: {  	_ =	shalt  }
0x56: {  	_ =	shalt  }
0x57: {  	_ =	shalt  }
0x58: {  	_ =	shalt  }
0x59: {  	_ =	shalt  }
0x5a: {  	_ =	shalt  }
0x5b: {  	_ =	shalt  }
0x5c: {  	_ =	shalt  }
0x5d: {  	_ =	shalt  }
0x5e: {  	_ =	shalt  }
0x5f: {  	_ =	shalt  }
0x60: {  	_ =	shalt  }
0x61: {  	_ =	shalt  }
0x62: {  	_ =	shalt  }
0x63: {  	_ =	shalt  }
0x64: {  	_ =	shalt  }
0x65: {  	_ =	shalt  }
0x66: {  	_ =	shalt  }
0x67: {  	_ =	shalt  }
0x68: {  	_ =	shalt  }
0x69: {  	_ =	shalt  }
0x6a: {  	_ =	shalt  }
0x6b: {  	_ =	shalt  }
0x6c: {  	_ =	shalt  }
0x6d: {  	_ =	shalt  }
0x6e: {  	_ =	shalt  }
0x6f: {  	_ =	shalt  }
0x70: {  	_ =	shalt  }
0x71: {  	_ =	shalt  }
0x72: {  	_ =	shalt  }
0x73: {  	_ =	shalt  }
0x74: {  	_ =	shalt  }
0x75: {  	_ =	shalt  }
0x76: {  	_ =	shalt  }
0x77: {  	_ =	shalt  }
0x78: {  	_ =	shalt  }
0x79: {  	_ =	shalt  }
0x7a: {  	_ =	shalt  }
0x7b: {  	_ =	shalt  }
0x7c: {  	_ =	shalt  }
0x7d: {  	_ =	shalt  }
0x7e: {  	_ =	shalt  }
0x7f: {  	_ =	shalt  }
0x80: {  	_ =	shalt  }
0x81: {  	_ =	shalt  }
0x82: {  	_ =	shalt  }
0x83: {  	_ =	shalt  }
0x84: {  	_ =	shalt  }
0x85: {  	_ =	shalt  }
0x86: {  	_ =	shalt  }
0x87: {  	_ =	shalt  }
.Lfunc_end0:
.L_simem_size_0:
called_computation_lowered:
.L_overlay_start_0:
0x88: {  	s2 =	sld [smem:$0x3FD9]  }
0x89: {  	s3 =	sld [smem:$0x3FFE];
	_ =	sdelay $0x1  }
0x8a: {  	s1 =	srdreg.scid  }
0x8b: {  	s0 =	sand.u32 $0x1, s1  }
0x8c: {  	s17 =	sshll.u32 s0, $0xA;
	s2 =	sadd.s32 s3, s2  }
0x8d: {  	s2 =	sadd.s32 s2, s17  }
0x8e: {  	[smem:$0x3FC2] =	sst s2  }
0x8f: {  	_ = 	snop  }
0x90: {  	s2 =	sld [smem:$0x3FD0];
	(tm) =	ssettm $0x1  }
0x91: {  	s18 =	sld [smem:$0x3FFB];
	_ =	sdelay $0x3  }
0x92: {  	_ =	strace s18  }
0x93: {  	s3 =	sld [smem:$0x3FFC];
	_ =	sdelay $0x3  }
0x94: {  	_ =	strace s3  }
0x95: {  	s3 =	sld [smem:$0x3FFD];
	_ =	sdelay $0x3  }
0x96: {  	_ =	strace s3  }
0x97: {  	_ =	strace $0x8FFFFFFF  }
0x98: {  	s19 =	sld [smem:$0x3FDB];
	_ =	sdelay $0x1  }
0x99: {  	s4 =	simm.s32 $_scs_section_size  }
0x9a: {  	s5 =	simm.s32 $_size__tile_overlayer_lowered;
	s6 =	simm.s32 $_tile_overlayer_lowered  }
0x9b: {  	s22 =	simm.s32 $0x1BFF;
	s21 =	sshll.u32 s6, $0x1;
	s3 =	sadd.s32 s4, s19  }
0x9c: {  	s7 =	simm.s32 $0x0;
	s20 =	sshll.u32 s5, $0x1;
	s5 =	sadd.s32 s21, s3  }
0x9d: {  	[timem:s7], [sflag:s22] =	dma.local [hbm:s5], s20  }
0x9e: {  	_ =	swait.ge [sflag:s22], s20  }
0x9f: {  	s4 =	ssub.s32 $0x0, s20;
	[sflag:s22] =	ssyncset.done $0x0  }
0xa0: {  	[sflag:s22] =	ssyncadd.s32 s4;
	_ =	sdelay $0x1  }
0xa1: {  	s23 =	simm.s32 $0x1B8B  }
0xa2: {  	_ =	swait.ge [sflag:s23], $0x1  }
0xa3: {  	[sflag:s23] =	ssyncset.done $0x0  }
0xa4: {  	s25 =	simm.s32 $0x1B8E;
	s24 =	sld [smem:$0x3FFE];
	[sflag:s23] =	ssyncadd.s32 $0xFFFFFFFF  }
0xa5: {  	s26 =	simm.s32 $execute0_lowered;
	[smem:$0x3FD2] =	sst s25  }
0xa6: {  	s5 =	sshll.u32 s26, $0x1;
	_ =	strace $0x80000046;
	[dreg:$0x1] =	wrdreg $0xFFFFFFFF  }
0xa7: {  	s28 =	simm.s32 $_size_execute0_lowered;
	s3 =	sadd.s32 s3, s5;
	[dreg:$0x0] =	wrdreg $0x0  }
0xa8: {  	s5 =	sshll.u32 s28, $0x1;
	[dreg:$0x2] =	wrdreg s3  }
0xa9: {  	[dreg:$0x3] =	wrdreg s5  }
0xaa: {  	[dreg:$0x4] =	wrdreg $0xC0  }
0xab: {  	_ =	task [dreg:s7], $0x5FFFF  }
0xac: {  	[dreg:$0x1] =	wrdreg $0xFFFFFFFF  }
0xad: {  	[dreg:$0x0] =	wrdreg $0x60  }
0xae: {  	[dreg:$0x2] =	wrdreg s2  }
0xaf: {  	[dreg:$0x3] =	wrdreg s24  }
0xb0: {  	[dreg:$0x4] =	wrdreg $0x2C800  }
0xb1: {  	[dreg:$0x5] =	wrdreg $0x2F000  }
0xb2: {  	[dreg:$0x6] =	wrdreg $0x9  }
0xb3: {  	_ =	task.clear_ibuf [dreg:s7], $0x7FFFF;
	_ =	strace $0x90000046  }
0xb4: {  	s29 =	simm.s32 $0x9;
	_ =	strace $0x80000048  }
0xb5: {  	_ =	swait.ge [sflag:s29], $0x1  }
0xb6: {  	[sflag:s29] =	ssyncadd.s32 $0xFFFFFFFF  }
0xb7: {  	_ =	strace $0x90000048  }
0xb8: {  	_ =	sfence  }
0xb9: {  	s30 =	sld [smem:$0x0];
	_ =	sdelay $0x2  }
0xba: {  	s31 =	sshll.u32 s1, $0xD;
	s1 =	sshrl.u32 s1, $0x2  }
0xbb: {  	s3 =	sand.u32 $0x4000, s31;
	s1 =	sadd.s32 s1, s30  }
0xbc: {  	s0 =	sor.u32 s3, s0;
	s1 =	sshll.u32 s1, $0x11  }
0xbd: {  	s0 =	sor.u32 s1, s0  }
0xbe: {  	s0 =	sadd.s32 $0x8F2B, s0  }
0xbf: {  	[sflag:s0] =	ssyncadd.remote.s32 $0x1  }
0xc0: {  	_ =	sfence.sel $0xFFFF  }
0xc1: {  	[dreg:$0x0] =	wrdreg $0xFFFFFFFF;
	(pc) =	sbr.abs _section_cstart, $3  }
0xc2: {  	[dreg:$0x1] =	wrdreg $0xFFFFFFFF  }
0xc3: {  	_ =	task.clear_ibuf [dreg:s7], $0x2FFFF;
	_ =	strace $0x9FFFFFFF  }
0xc4: {  	(tm) =	ssettm $0x7FFFFFFF  }
0xc5: {  	_ =	shalt  }
tec
execute0_lowered:
.L_overlay_start_1:
0x0: {  	(tag) =	ssettag $0x1  }
0x1: {  	s6 =	rddreg [dreg:$0x0]  }
0x2: {  	s7 =	rddreg [dreg:$0x1]  }
0x3: {  	s2 =	rddreg [dreg:$0x2]  }
0x4: {  	s0 =	srdreg.scid;
	s3 =	rddreg [dreg:$0x3]  }
0x5: {  	s4 =	simm.s32 $0x0;
	s14 =	simm.s32 $0x1C42;
	s15 =	simm.s32 $0x2  }
0x6: {  	s16 =	simm.s32 $0x1800;
	s17 =	simm.s32 $0x80;
	s18 =	simm.s32 $0x2C00  }
0x7: {  	s19 =	simm.s32 $0x1;
	s20 =	simm.s32 $0x1C02;
	s8 =	sand.u32 $0x1, s0  }
0x8: {  	s0 =	stileid.u32;
	[smem:$0x7FF] =	sst s4;
	s1 =	sshll.u32 s8, $0x4  }
0x9: {  	s10 =	smul.u32 $0xA00, s8;
	s8 =	ssub.s32 $0x2, s8;
	p0 =	sne.s32 s0, $0x0  }
0xa: {  	p1 =	seq.s32 s0, $0x1;
	s5 =	sor.u32 s0, s1;
	s1 =	rddreg [dreg:$0x4]  }
0xb: {  	_ =	strace $0x80000047;
	s30 =	sshrl.u32 s8, $0x1;
	s9 =	smul.u32 $0x2800, s5  }
0xc: {  	s11 =	smul.u32 $0x3000, s5;
	s5 =	sadd.s32 $0xC000, s7;
	s12 =	sadd.s32 s10, s7  }
0xd: {  	s13 =	ssub.s32 s8, s30;
	s10 =	sadd.s32 $0xC600, s12;
	s9 =	sshrl.u32 s9, $0x3  }
0xe: {  	s31 =	sshrl.u32 s11, $0x3;
	s11 =	sadd.s32 $0xC610, s12;
	s12 =	smax.u32 s13, $0x1  }
0xf: {  	s13 =	sshrl.u32 s3, $0x3;
	s9 =	sadd.s32 s9, s7;
	s6 =	sadd.s32 s6, s31  }
0x10: {  	v0 =	vimm.f32 $1.000000000e+00;
	s7 =	sadd.s32 $0x2000, s9;
	s8 =	sadd.s32 $0x300, s6;
	s9 =	sadd.s32 $0x2280, s9  }
.LBB2_1:
.Ltmp0:
0x11: {  	(pc) =	sbr.rel @p1 .LBB2_4-.Ltmp0, $1  }
0x12: {  	_ =	sdelay $0x3  }
.Ltmp1:
0x13: {  	(pc) =	sbr.rel @p0 .LBB2_6-.Ltmp1, $2  }
0x14: {  	_ =	sdelay $0x2  }
0x15: {  	p2 =	por $0x0, $0x0  }
.Ltmp2:
0x16: {  	(pc) =	sbr.rel .LBB2_5-.Ltmp2, $3  }
0x17: {  	_ =	sdelay $0x1  }
0x18: {  	s21 =	sshrl.u32 s2, $0x3  }
0x19: {  	[spmem:s21], [sflag:s20] =	dma.local [hbm:s5], $0x500  }
.LBB2_4:
0x1a: {  	[spmem:s13], [sflag:s14] =	dma.local [hbm:s5], $0x500  }
.LBB2_5:
0x1b: {  	_ =	swait.ge [sflag:s15], $0x500  }
0x1c: {  	[sflag:s15] =	ssyncset.done $0x0  }
0x1d: {  	p2 =	por p0, p0;
	[sflag:s15] =	ssyncadd.s32 $0xFFFFFB00  }
.LBB2_6:
0x1e: {  	[tilespmem:$0x2C00] =	vst v0  }
0x1f: {  	[tilespmem:$0x2C10] =	vst v0  }
0x20: {  	[tilespmem:$0x2C20] =	vst v0  }
0x21: {  	[tilespmem:$0x2C30] =	vst v0  }
0x22: {  	[tilespmem:$0x2C40] =	vst v0  }
0x23: {  	[tilespmem:$0x2C50] =	vst v0  }
0x24: {  	[tilespmem:$0x2C60] =	vst v0  }
0x25: {  	[tilespmem:$0x2C70] =	vst v0  }
0x26: {  	s21 =	simm.s32 $0x0;
	[bflag:$0x0] =	sbarrier.arrive $0xFFFF  }
0x27: {  	[tilespmem:s21], [sflag:$0x2] =	stream.linear.gather [hbm4b:s6+s21], $0x1500, $0x38;
	[tilespmem:$0x3180] =	vst v63  }
0x28: {  	_ =	swait.ge [sflag:s15], $0x1500  }
0x29: {  	[sflag:s15] =	ssyncset.done $0x0  }
0x2a: {  	[sflag:s15] =	ssyncadd.s32 $0xFFFFEB00  }
0x2b: {  	[tilespmem:s16], [sflag:$0x2] =	stream.linear.gather [hbm4b:s7+s21], $0x1400, $0x38;
	[tilespmem:$0x3180] =	vst v63  }
0x2c: {  	_ =	swait.ge [sflag:s15], $0x1400  }
0x2d: {  	s31 =	simm.s32 $0x0;
	[sflag:s15] =	ssyncset.done $0x0  }
0x2e: {  	s22 =	simm.s32 $0x1800;
	s21 =	simm.s32 $0x200;
	[sflag:s15] =	ssyncadd.s32 $0xFFFFEC00  }
0x2f: {  	[spmem:s2] =	stream.indirect.scatter.add.f32 [tilespmem:s18], [sflag:$0x1], $0x1, s31, s17, $0xb8;
	[tilespmem:$0x3180] =	vst v63  }
.LBB2_7:
0x30: {  	[spmem:s3] =	stream.indirect.scatter.add.f32 [tilespmem:s18], [sflag:$0x1], $0x1, s22, s17, $0xb8;
	[tilespmem:$0x3180] =	vst v63  }
0x31: {  	s22 =	smov.u32 s21;
	p3 =	sne.s32 s21, $0x4E00  }
.Ltmp3:
0x32: {  	s21 =	sadd.s32 $0x200, s21;
	(pc) =	sbr.rel @p3 .LBB2_7-.Ltmp3, $4  }
0x33: {  	_ = 	snop  }
0x34: {  	s22 =	sshra.s32 s22, $0x2  }
0x35: {  	[spmem:s2] =	stream.indirect.scatter.add.f32 [tilespmem:s18], [sflag:$0x1], $0x1, s22, s17, $0xb8;
	[tilespmem:$0x3180] =	vst v63  }
0x36: {  	s22 =	sadd.s32 $0x1800, s22  }
0x37: {  	[spmem:s3] =	stream.indirect.scatter.add.f32 [tilespmem:s18], [sflag:$0x1], $0x1, s22, s17, $0xb8;
	[tilespmem:$0x3180] =	vst v63  }
0x38: {  	_ =	swait.ge [sflag:s19], $0x80  }
0x39: {  	[sflag:s19] =	ssyncset.done $0x0  }
0x3a: {  	[sflag:s19] =	ssyncadd.s32 $0xFFFFFF80  }
0x3b: {  	_ =	swait.ge [sflag:s19], $0x80  }
0x3c: {  	s21 =	simm.s32 $0x27;
	[sflag:s19] =	ssyncset.done $0x0  }
.LBB2_9:
0x3d: {  	p3 =	sne.s32 s21, $0x1;
	s21 =	sadd.s32 $0xFFFFFFFF, s21;
	[sflag:s19] =	ssyncadd.s32 $0xFFFFFF80  }
.Ltmp4:
0x3e: {  	_ =	swait.ge [sflag:s19], $0x80;
	(pc) =	sbr.rel @p3 .LBB2_9-.Ltmp4, $4  }
0x3f: {  	[sflag:s19] =	ssyncset.done $0x0  }
0x40: {  	[sflag:s19] =	ssyncadd.s32 $0xFFFFFF80  }
0x41: {  	_ =	swait.ge [sflag:s19], $0x80  }
0x42: {  	[sflag:s19] =	ssyncset.done $0x0  }
0x43: {  	[sflag:s19] =	ssyncadd.s32 $0xFFFFFF80;
	s21 =	simm.s32 $0x0  }
0x44: {  	[tilespmem:s21], [sflag:$0x2] =	stream.linear.gather [hbm4b:s8+s21], $0x1500, $0x38;
	[tilespmem:$0x3180] =	vst v63  }
0x45: {  	_ =	swait.ge [sflag:s15], $0x1500  }
0x46: {  	[sflag:s15] =	ssyncset.done $0x0  }
0x47: {  	[sflag:s15] =	ssyncadd.s32 $0xFFFFEB00  }
0x48: {  	[tilespmem:s16], [sflag:$0x2] =	stream.linear.gather [hbm4b:s9+s21], $0x1400, $0x38;
	[tilespmem:$0x3180] =	vst v63  }
0x49: {  	_ =	swait.ge [sflag:s15], $0x1400  }
0x4a: {  	s31 =	simm.s32 $0x0;
	[sflag:s15] =	ssyncset.done $0x0  }
0x4b: {  	s22 =	simm.s32 $0x1800;
	s21 =	simm.s32 $0x200;
	[sflag:s15] =	ssyncadd.s32 $0xFFFFEC00  }
0x4c: {  	[spmem:s2] =	stream.indirect.scatter.add.f32 [tilespmem:s18], [sflag:$0x1], $0x1, s31, s17, $0xb8;
	[tilespmem:$0x3180] =	vst v63  }
.LBB2_11:
0x4d: {  	[spmem:s3] =	stream.indirect.scatter.add.f32 [tilespmem:s18], [sflag:$0x1], $0x1, s22, s17, $0xb8;
	[tilespmem:$0x3180] =	vst v63  }
0x4e: {  	s22 =	smov.u32 s21;
	p3 =	sne.s32 s21, $0x4E00  }
.Ltmp5:
0x4f: {  	s21 =	sadd.s32 $0x200, s21;
	(pc) =	sbr.rel @p3 .LBB2_11-.Ltmp5, $4  }
0x50: {  	_ = 	snop  }
0x51: {  	s22 =	sshra.s32 s22, $0x2  }
0x52: {  	[spmem:s2] =	stream.indirect.scatter.add.f32 [tilespmem:s18], [sflag:$0x1], $0x1, s22, s17, $0xb8;
	[tilespmem:$0x3180] =	vst v63  }
0x53: {  	s22 =	sadd.s32 $0x1800, s22  }
0x54: {  	[spmem:s3] =	stream.indirect.scatter.add.f32 [tilespmem:s18], [sflag:$0x1], $0x1, s22, s17, $0xb8;
	[tilespmem:$0x3180] =	vst v63  }
0x55: {  	_ =	swait.ge [sflag:s19], $0x80  }
0x56: {  	[sflag:s19] =	ssyncset.done $0x0  }
0x57: {  	[sflag:s19] =	ssyncadd.s32 $0xFFFFFF80  }
0x58: {  	_ =	swait.ge [sflag:s19], $0x80  }
0x59: {  	s21 =	simm.s32 $0x27;
	[sflag:s19] =	ssyncset.done $0x0  }
.LBB2_13:
0x5a: {  	p3 =	sne.s32 s21, $0x1;
	s21 =	sadd.s32 $0xFFFFFFFF, s21;
	[sflag:s19] =	ssyncadd.s32 $0xFFFFFF80  }
.Ltmp6:
0x5b: {  	_ =	swait.ge [sflag:s19], $0x80;
	(pc) =	sbr.rel @p3 .LBB2_13-.Ltmp6, $4  }
0x5c: {  	[sflag:s19] =	ssyncset.done $0x0  }
0x5d: {  	[sflag:s19] =	ssyncadd.s32 $0xFFFFFF80  }
0x5e: {  	_ =	swait.ge [sflag:s19], $0x80  }
0x5f: {  	[sflag:s19] =	ssyncset.done $0x0  }
0x60: {  	[sflag:s19] =	ssyncadd.s32 $0xFFFFFF80;
	s21 =	sshrl.u32 @!p0 s2, $0x3  }
0x61: {  	s22 =	simm.s32 @!p0 $0x1;
	s23 =	simm.s32 @!p0 $0x20;
	s24 =	simm.s32 @!p0 $0x10  }
0x62: {  	s25 =	simm.s32 @!p0 $0x1C02;
	s4 =	sadd.s32 $0x1, s4;
	[bflag:$0x0] =	sbarrier.arrive $0xFFFF  }
0x63: {  	[hbm:s10@s23], [sflag:s25] =	dma.strided @!p0 [spmem:s21@s24], $0x500, s22, $0x10   }
0x64: {  	p3 =	sne.s32 s4, s12;
	s21 =	simm.s32 @!p0 $0x2  }
0x65: {  	s22 =	sshll.u32 @p2 s0, $0x6;
	s23 =	simm.s32 @p2 $0x1;
	_ =	swait.ge @!p0 [sflag:s21], $0x500  }
0x66: {  	s24 =	simm.s32 @p2 $0x20;
	s25 =	simm.s32 @p2 $0x10;
	[sflag:s21] =	ssyncset.done @!p0 $0x0  }
0x67: {  	[sflag:s21] =	ssyncadd.s32 @!p0 $0xFFFFFB00;
	s21 =	sor.u32 @p2 $0x1C02, s22;
	s22 =	sshrl.u32 @p2 s3, $0x3  }
0x68: {  	[hbm:s11@s24], [sflag:s21] =	dma.strided @p2 [spmem:s22@s25], $0x500, s23, $0x10   }
.Ltmp7:
0x69: {  	_ = 	snop;
	(pc) =	sbr.rel @p3 .LBB2_1-.Ltmp7, $4  }
0x6a: {  	s21 =	simm.s32 @p2 $0x2  }
0x6b: {  	_ =	swait.ge @p2 [sflag:s21], $0x500  }
0x6c: {  	[sflag:s21] =	ssyncset.done @p2 $0x0  }
0x6d: {  	[sflag:s21] =	ssyncadd.s32 @p2 $0xFFFFFB00  }
0x6e: {  	_ =	sfence.sel $0x180000  }
0x6f: {  	[bflag:$0x0] =	sbarrier.arrive $0xFFFF  }
0x70: {  	p0 =	sne.s32 s0, $0x0;
	_ =	strace $0x90000047  }
0x71: {  	s0 =	sadd.s32 @!p0 $0x100000, s1;
	[bflag:$0x2] =	sbarrier.arrive $0xFFFF  }
0x72: {  	[sflag:s0] =	ssyncadd.tile.s32 @!p0 $0x1;
	_ =	shalt  }
.Lfunc_end2:
_tile_overlayer_lowered:
.L_overlay_start_2:
0x73: {  	(tag) =	ssettag $0x2  }
0x74: {  	s0 =	rddreg [dreg:$0x0];
	s2 =	stileid.u32  }
0x75: {  	s1 =	rddreg [dreg:$0x1];
	p0 =	sne.s32 s2, $0x0  }
0x76: {  	s3 =	rddreg [dreg:$0x2];
	[bflag:$0x3] =	sbarrier.arrive $0xFFFF;
	s2 =	simm.s32 @!p0 $0x1C02  }
0x77: {  	[timem:s3], [sflag:s2] =	dma.local @!p0 [hbm:s0], s1  }
0x78: {  	s0 =	simm.s32 @!p0 $0x2  }
0x79: {  	_ =	swait.ge @!p0 [sflag:s0], s1  }
0x7a: {  	s1 =	ssub.s32 @!p0 $0x0, s1;
	[sflag:s0] =	ssyncset.done @!p0 $0x0  }
0x7b: {  	[sflag:s0] =	ssyncadd.s32 @!p0 s1  }
0x7c: {  	[bflag:$0x3] =	sbarrier.arrive $0xFFFF  }
0x7d: {  	_ =	shalt  }

</sc_bundles>
